<compile_context>
chip_gen: v7x
topology: tpu7x:2x2x1
jax: 0.10.2.dev20260603
libtpu: 0.0.44.dev20260713+nightly
codegen_flags: <defaults>
</compile_context>

<pallas_src>
import functools

import jax
import jax.numpy as jnp
from jax import lax
from jax.experimental import pallas as pl
from jax.experimental.pallas import tpu as pltpu
from jax.experimental.pallas import tpu_sc as plsc

VOCAB = 100000
WINDOW = 5000
BSZ = 16
BEAM = 8
K = 8
LANES = 16
STEPS = 4
TILE = 128
COVER = 2560
STRIDE = 2440
CL = 2688
NT = CL // TILE
GSZ = 7
BLK = TILE // LANES
NEG_INF = float("-inf")
I32_BIG = 2**31 - 1


def _insert_topk(R, RI, x, xi):
    for lvl in range(K):
        swap = x > R[lvl]
        R[lvl], x = jnp.where(swap, x, R[lvl]), jnp.where(swap, R[lvl], x)
        RI[lvl], xi = jnp.where(swap, xi, RI[lvl]), jnp.where(swap, RI[lvl], xi)
    return R, RI


def _sc_body(step_hbm, orig_hbm, scores_hbm, lprobs_hbm, out_s, out_t, out_b,
             step_v, orig_v, scores_v, lbuf, blkmax_v, cand_v, cand_i,
             rowf, rowt, rowb, stf, sti, omf, omt, omb,
             sh_v, sh_i, shoutf, shouti, sem):
    c = lax.axis_index("c")
    s = lax.axis_index("s")
    batch = c * 8 + s // 2
    half = s % 2

    pltpu.sync_copy(step_hbm, step_v)
    pltpu.sync_copy(orig_hbm, orig_v)
    pltpu.sync_copy(scores_hbm, scores_v)
    iota = lax.iota(jnp.int32, LANES)
    neg = jnp.full((LANES,), NEG_INF, jnp.float32)
    big = jnp.full((LANES,), I32_BIG, jnp.int32)

    bsplat = jnp.full((LANES,), batch, jnp.int32)
    ob = plsc.load_gather(orig_v, [bsplat])
    start_vec = (ob * 1000) % VOCAB
    start = start_vec[0]
    wbase = start + half * STRIDE
    c0 = pl.multiple_of((wbase // TILE) * TILE, TILE)
    delta = wbase - c0

    stepm1 = step_v[pl.ds(0, LANES)] - 1

    pltpu.async_copy(
        lprobs_hbm.at[batch, :, pl.ds(c0, CL)], lbuf, sem).wait()

    zlo = jnp.where(half == 0, 0, delta + COVER)
    zhi = jnp.where(half == 0, delta, CL)
    z16 = pl.multiple_of((zlo // LANES) * LANES, 8)
    nq = (zhi - z16 + LANES - 1) // LANES

    def clean_beam(j, z):
        def clean_q(q, z2):
            rel = pl.multiple_of(z16 + q * LANES, 8)
            v = lbuf[j, pl.ds(rel, LANES)]
            lane_rel = jnp.full((LANES,), rel, jnp.int32) + iota
            inz = (lane_rel >= zlo) & (lane_rel < zhi)
            lbuf[j, pl.ds(rel, LANES)] = jnp.where(inz, neg, v)
            return z2

        return lax.fori_loop(0, nq, clean_q, z)

    lax.fori_loop(0, BEAM, clean_beam, 0)

    def load_bias(j):
        bidx = (jnp.full((LANES,), batch * BEAM, jnp.int32) + j) * STEPS + stepm1
        return plsc.load_gather(scores_v, [bidx])

    def beamA(j, M):
        bias = load_bias(j)

        def bodyA(b, M):
            off = b * TILE
            m = lbuf[j, pl.ds(off, LANES)]
            for u in range(1, BLK):
                m = jnp.maximum(m, lbuf[j, pl.ds(off + u * LANES, LANES)])
            m = m + bias
            blkmax_v[pl.ds((j * NT + b) * LANES, LANES)] = m
            return jnp.maximum(M, m)

        return lax.fori_loop(0, NT, bodyA, M)

    M = lax.fori_loop(0, BEAM, beamA, neg)

    ms, _ = plsc.sort_key_val(M, M)
    t = jnp.full((LANES,), ms[LANES - K])

    def beamB(j, car):
        bias = load_bias(j)
        base = j * VOCAB + c0

        def groupB(g, car):
            gm = blkmax_v[pl.ds((j * NT + g * GSZ) * LANES, LANES)]
            for v in range(1, GSZ):
                gm = jnp.maximum(
                    gm, blkmax_v[pl.ds((j * NT + g * GSZ + v) * LANES, LANES)])
            ghit = plsc.all_reduce_population_count(gm >= t)[0] > 0

            def dog(car):
                def tileB(v, car):
                    b = g * GSZ + v
                    bm = blkmax_v[pl.ds((j * NT + b) * LANES, LANES)]
                    hit = plsc.all_reduce_population_count(bm >= t)[0] > 0

                    def do(car):
                        def vec(u, car):
                            off = b * TILE + u * LANES
                            x = lbuf[j, pl.ds(off, LANES)] + bias
                            vhit = plsc.all_reduce_population_count(
                                x >= t)[0] > 0

                            def ins(car):
                                xi = jnp.full((LANES,), base + off,
                                              jnp.int32) + iota
                                R, RI = _insert_topk(
                                    list(car[:K]), list(car[K:]), x, xi)
                                return tuple(R + RI)

                            return lax.cond(vhit, ins, lambda car: car, car)

                        return lax.fori_loop(0, BLK, vec, car)

                    return lax.cond(hit, do, lambda car: car, car)

                return lax.fori_loop(0, GSZ, tileB, car)

            return lax.cond(ghit, dog, lambda car: car, car)

        return lax.fori_loop(0, NT // GSZ, groupB, car)

    carry = tuple([neg] * K + [jnp.zeros((LANES,), jnp.int32)] * K)
    carry = lax.fori_loop(0, BEAM, beamB, carry)

    R = list(carry[:K])
    RI = list(carry[K:])
    for lvl in range(K):
        cand_v[pl.ds(lvl * LANES, LANES)] = R[lvl]
        cand_i[pl.ds(lvl * LANES, LANES)] = RI[lvl]

    pltpu.sync_copy(cand_v.at[pl.ds(0, K * LANES)], sh_v.at[pl.ds(s * K * LANES, K * LANES)])
    pltpu.sync_copy(cand_i.at[pl.ds(0, K * LANES)], sh_i.at[pl.ds(s * K * LANES, K * LANES)])
    plsc.subcore_barrier()

    @pl.when(half == 0)
    def _merge():
        pltpu.sync_copy(sh_v.at[pl.ds((s + 1) * K * LANES, K * LANES)],
                        cand_v.at[pl.ds(K * LANES, K * LANES)])
        pltpu.sync_copy(sh_i.at[pl.ds((s + 1) * K * LANES, K * LANES)],
                        cand_i.at[pl.ds(K * LANES, K * LANES)])

        vs0 = [cand_v[pl.ds(k2 * LANES, LANES)] for k2 in range(2 * K)]
        ids0 = [cand_i[pl.ds(k2 * LANES, LANES)] for k2 in range(2 * K)]

        def round_(r, acc):
            accv, acci, vs = acc[0], acc[1], list(acc[2])
            m = vs[0]
            for v in vs[1:]:
                m = jnp.maximum(m, v)
            gmax = jnp.full((LANES,), jnp.max(m))
            mn = big
            for k2 in range(2 * K):
                mn = jnp.minimum(mn, jnp.where(vs[k2] == gmax, ids0[k2], big))
            gidx = jnp.full((LANES,), jnp.min(mn))
            vs = [jnp.where((vs[k2] == gmax) & (ids0[k2] == gidx), neg, vs[k2])
                  for k2 in range(2 * K)]
            accv = jnp.where(iota == r, gmax, accv)
            acci = jnp.where(iota == r, gidx, acci)
            return (accv, acci, tuple(vs))

        accv, acci, _ = lax.fori_loop(
            0, K, round_,
            (neg, jnp.zeros((LANES,), jnp.int32), tuple(vs0)))

        beams = jnp.zeros((LANES,), jnp.int32)
        for tt in range(1, BEAM):
            beams = beams + jnp.where(acci >= tt * VOCAB, 1, 0)
        toks = acci - beams * VOCAB
        rowf[...] = accv
        rowt[...] = toks
        rowb[...] = beams
        q = s // 2
        pltpu.sync_copy(rowf.at[pl.ds(0, K)], shoutf.at[pl.ds(q * K, K)])
        pltpu.sync_copy(rowt.at[pl.ds(0, K)], shouti.at[pl.ds(q * K, K)])
        pltpu.sync_copy(rowb.at[pl.ds(0, K)], shouti.at[pl.ds(64 + q * K, K)])

    plsc.subcore_barrier()

    @pl.when(s == 0)
    def _writeout():
        pltpu.sync_copy(shoutf, stf)
        pltpu.sync_copy(shouti, sti)
        for k in range(K):
            idx = jnp.minimum(jnp.full((LANES,), k * K, jnp.int32) + iota, 63)
            omf[k, pl.ds(0, LANES)] = plsc.load_gather(stf, [idx])
            omt[k, pl.ds(0, LANES)] = plsc.load_gather(sti, [idx])
            omb[k, pl.ds(0, LANES)] = plsc.load_gather(sti, [idx + 64])
        row0 = pl.multiple_of(c * 8, 8)
        pltpu.sync_copy(omf, out_s.at[pl.ds(row0, 8)])
        pltpu.sync_copy(omt, out_t.at[pl.ds(row0, 8)])
        pltpu.sync_copy(omb, out_b.at[pl.ds(row0, 8)])


_sc_call = functools.partial(
    pl.kernel,
    out_type=[
        jax.ShapeDtypeStruct((BSZ, TILE), jnp.float32),
        jax.ShapeDtypeStruct((BSZ, TILE), jnp.int32),
        jax.ShapeDtypeStruct((BSZ, TILE), jnp.int32),
    ],
    mesh=plsc.VectorSubcoreMesh(core_axis_name="c", subcore_axis_name="s"),
    scratch_types=[
        pltpu.VMEM((LANES,), jnp.int32),
        pltpu.VMEM((BSZ,), jnp.int32),
        pltpu.VMEM((BSZ * BEAM * STEPS,), jnp.float32),
        pltpu.VMEM((BEAM, CL), jnp.float32),
        pltpu.VMEM((BEAM * NT * LANES,), jnp.float32),
        pltpu.VMEM((2 * K * LANES,), jnp.float32),
        pltpu.VMEM((2 * K * LANES,), jnp.int32),
        pltpu.VMEM((LANES,), jnp.float32),
        pltpu.VMEM((LANES,), jnp.int32),
        pltpu.VMEM((LANES,), jnp.int32),
        pltpu.VMEM((64,), jnp.float32),
        pltpu.VMEM((128,), jnp.int32),
        pltpu.VMEM((K, TILE), jnp.float32),
        pltpu.VMEM((K, TILE), jnp.int32),
        pltpu.VMEM((K, TILE), jnp.int32),
        pltpu.VMEM_SHARED((LANES * K * LANES,), jnp.float32),
        pltpu.VMEM_SHARED((LANES * K * LANES,), jnp.int32),
        pltpu.VMEM_SHARED((64,), jnp.float32),
        pltpu.VMEM_SHARED((128,), jnp.int32),
        pltpu.SemaphoreType.DMA,
    ],
    compiler_params=pltpu.CompilerParams(needs_layout_passes=False),
)(_sc_body)


def kernel(step, lprobs, scores, prev_output_tokens, original_batch_idxs):
    step16 = jnp.broadcast_to(jnp.asarray(step, jnp.int32), (LANES,))
    o_s, o_t, o_b = _sc_call(
        step16, original_batch_idxs.astype(jnp.int32), scores.reshape(-1),
        lprobs)
    return o_s[:, :BEAM], o_t[:, :BEAM], o_b[:, :BEAM]

# --- scband reference (transcript-rebuilt; emitter-appended) ---
"""Pipeline reference for scband-prefix-constrained-beam-search-47614007443998 (READ-ONLY COPY).

The authoritative reference and input builder live on the scoring server;
editing this copy changes nothing except your own understanding.
"""

import jax, jax.numpy as jnp
import numpy as np

VOCAB = 100000
WINDOW = 5000
BSZ = 16
BEAM = 8
STEP = 4

# Concrete prefix_allowed_tokens_fn: for original batch index b, the allowed
# tokens are the contiguous window [ (b*1000) % VOCAB, (b*1000) % VOCAB + WINDOW ).
# This is a deterministic, vectorizable stand-in for the callback in the
# original fairseq module (which returns a python list of allowed token ids).

def _apply_mask(lprobs_flat, original_batch_idxs, beam_size):
    # lprobs_flat: (bsz*beam, 1, vocab)
    rep = jnp.repeat(original_batch_idxs.astype(jnp.int32), beam_size)  # (bsz*beam,)
    start = (rep * 1000) % VOCAB                                        # (bsz*beam,)
    col = jnp.arange(VOCAB, dtype=jnp.int32)[None, :]                   # (1, vocab)
    allowed = (col >= start[:, None]) & (col < start[:, None] + WINDOW)  # (bsz*beam, vocab)
    mask = jnp.where(allowed, jnp.float32(0.0), -jnp.inf)
    return mask[:, None, :]


def setup_inputs(seed: int = 0) -> dict:
    key = jax.random.key(seed)
    k1, k2, k3 = jax.random.split(key, 3)
    lprobs = jax.random.normal(k1, (BSZ, BEAM, VOCAB), dtype=jnp.float32)
    scores = jax.random.normal(k2, (BSZ, BEAM, STEP), dtype=jnp.float32)
    prev_output_tokens = jax.random.randint(k3, (BSZ * BEAM, STEP), 0, VOCAB, dtype=jnp.int32)
    original_batch_idxs = jnp.arange(BSZ, dtype=jnp.int32)
    return {
        "step": STEP,
        "lprobs": lprobs,
        "scores": scores,
        "prev_output_tokens": prev_output_tokens,
        "original_batch_idxs": original_batch_idxs,
    }


def reference(step, lprobs, scores, prev_output_tokens, original_batch_idxs):
    bsz, beam_size, vocab_size = lprobs.shape
    mask = _apply_mask(lprobs.reshape(bsz * beam_size, 1, vocab_size),
                       original_batch_idxs, beam_size)
    lprobs = lprobs + mask.reshape(bsz, beam_size, vocab_size)
    if STEP == 0:
        lprobs = lprobs[:, ::beam_size, :]
    else:
        lprobs = lprobs + jnp.take(scores, step - 1, axis=2)[:, :, None]
    flat = lprobs.reshape(bsz, -1)
    k = min(beam_size, flat.shape[1] - 1)
    scores_buf, indices_buf = jax.lax.top_k(flat, k)
    beams_buf = indices_buf // vocab_size
    indices_buf = indices_buf % vocab_size
    return scores_buf, indices_buf, beams_buf

if __name__ == "__main__":
    import jax
    _d = setup_inputs()
    print(jax.jit(kernel)(*tuple(_d.values())))

</pallas_src>

<mosaic_0001>
#map = affine_map<(d0, d1) -> (0)>
#map1 = affine_map<(d0, d1) -> (0, 0, 0)>
#map2 = affine_map<(d0, d1) -> (0, 0)>
module attributes {stable_mosaic.version = 14 : i64} {
  func.func @_sc_body(%arg0: i32, %arg1: i32, %arg2: memref<16xi32, #tpu.memory_space<hbm>>, %arg3: memref<16xi32, #tpu.memory_space<hbm>>, %arg4: memref<512xf32, #tpu.memory_space<hbm>>, %arg5: memref<16x8x100000xf32, #tpu.memory_space<hbm>>, %arg6: memref<16x128xf32, #tpu.memory_space<hbm>>, %arg7: memref<16x128xi32, #tpu.memory_space<hbm>>, %arg8: memref<16x128xi32, #tpu.memory_space<hbm>>, %arg9: memref<16xi32, #tpu.memory_space<vmem>>, %arg10: memref<16xi32, #tpu.memory_space<vmem>>, %arg11: memref<512xf32, #tpu.memory_space<vmem>>, %arg12: memref<8x2688xf32, #tpu.memory_space<vmem>>, %arg13: memref<2688xf32, #tpu.memory_space<vmem>>, %arg14: memref<256xf32, #tpu.memory_space<vmem>>, %arg15: memref<256xi32, #tpu.memory_space<vmem>>, %arg16: memref<16xf32, #tpu.memory_space<vmem>>, %arg17: memref<16xi32, #tpu.memory_space<vmem>>, %arg18: memref<16xi32, #tpu.memory_space<vmem>>, %arg19: memref<64xf32, #tpu.memory_space<vmem>>, %arg20: memref<128xi32, #tpu.memory_space<vmem>>, %arg21: memref<8x128xf32, #tpu.memory_space<vmem>>, %arg22: memref<8x128xi32, #tpu.memory_space<vmem>>, %arg23: memref<8x128xi32, #tpu.memory_space<vmem>>, %arg24: memref<2048xf32, #tpu.memory_space<vmem_shared>>, %arg25: memref<2048xi32, #tpu.memory_space<vmem_shared>>, %arg26: memref<64xf32, #tpu.memory_space<vmem_shared>>, %arg27: memref<128xi32, #tpu.memory_space<vmem_shared>>, %arg28: memref<!tpu.dma_semaphore, #tpu.memory_space<semaphore_mem>>) attributes {dimension_semantics = [#tpu.dimension_semantics<core_parallel>, #tpu.dimension_semantics<subcore_parallel>], iteration_bounds = array<i64: 2, 16>, scalar_prefetch = 0 : i64, scratch_operands = 20 : i64, tpu.core_type = #tpu.core_type<sc_vector_subcore>, window_params = [{transform_indices = #map}, {transform_indices = #map}, {transform_indices = #map}, {transform_indices = #map1}, {transform_indices = #map2}, {transform_indices = #map2}, {transform_indices = #map2}]} {
    %mul3A = arith.constant 8 : i32
    %mul3A_0 = arith.muli %arg0, %mul3A : i32
    %jit3A = arith.constant 2 : i32
    %div3A = arith.divsi %arg1, %jit3A : i32
    %sign3A = arith.constant 0 : i32
    %sign3A_1 = arith.cmpi sgt, %arg1, %sign3A : i32
    %sign3A_2 = arith.extui %sign3A_1 : i1 to i32
    %sign3A_3 = arith.constant 0 : i32
    %sign3A_4 = arith.cmpi slt, %arg1, %sign3A_3 : i32
    %sign3A_5 = arith.extui %sign3A_4 : i1 to i32
    %sign3A_6 = arith.subi %sign3A_2, %sign3A_5 : i32
    %sign3A_7 = arith.constant 0 : i32
    %sign3A_8 = arith.cmpi sgt, %jit3A, %sign3A_7 : i32
    %sign3A_9 = arith.extui %sign3A_8 : i1 to i32
    %sign3A_10 = arith.constant 0 : i32
    %sign3A_11 = arith.cmpi slt, %jit3A, %sign3A_10 : i32
    %sign3A_12 = arith.extui %sign3A_11 : i1 to i32
    %sign3A_13 = arith.subi %sign3A_9, %sign3A_12 : i32
    %ne3A = arith.cmpi ne, %sign3A_6, %sign3A_13 : i32
    %rem3A = arith.remsi %arg1, %jit3A : i32
    %ne3A_14 = arith.constant 0 : i32
    %ne3A_15 = arith.cmpi ne, %rem3A, %ne3A_14 : i32
    %and3A = arith.andi %ne3A, %ne3A_15 : i1
    %sub3A = arith.constant 1 : i32
    %sub3A_16 = arith.subi %div3A, %sub3A : i32
    %select_n3A = arith.select %and3A, %sub3A_16, %div3A : i32
    %add3A = arith.addi %mul3A_0, %select_n3A : i32
    %jit3A_17 = arith.constant 2 : i32
    %eq3A = arith.constant 0 : i32
    %eq3A_18 = arith.cmpi eq, %jit3A_17, %eq3A : i32
    %jit3A_19 = arith.constant 1 : i32
    %select_n3A_20 = arith.select %eq3A_18, %jit3A_19, %jit3A_17 : i32
    %rem3A_21 = arith.remsi %arg1, %select_n3A_20 : i32
    %ne3A_22 = arith.constant 0 : i32
    %ne3A_23 = arith.cmpi ne, %rem3A_21, %ne3A_22 : i32
    %lt3A = arith.constant 0 : i32
    %lt3A_24 = arith.cmpi slt, %rem3A_21, %lt3A : i32
    %lt3A_25 = arith.constant 0 : i32
    %lt3A_26 = arith.cmpi slt, %select_n3A_20, %lt3A_25 : i32
    %ne3A_27 = arith.xori %lt3A_24, %lt3A_26 : i1
    %and3A_28 = arith.andi %ne3A_27, %ne3A_23 : i1
    %add3A_29 = arith.addi %rem3A_21, %select_n3A_20 : i32
    %select_n3A_30 = arith.select %and3A_28, %add3A_29, %rem3A_21 : i32
    "tpu.region"() ({
      %run_scoped3A = tpu.sem_alloc : memref<!tpu.dma_semaphore, #tpu.memory_space<semaphore_mem>>
      tpu.enqueue_dma source(%arg2 : memref<16xi32, #tpu.memory_space<hbm>>) target(%arg9 : memref<16xi32, #tpu.memory_space<vmem>>) target_semaphore(%run_scoped3A : memref<!tpu.dma_semaphore, #tpu.memory_space<semaphore_mem>>)
      tpu.wait_dma2 semaphore(%run_scoped3A : memref<!tpu.dma_semaphore, #tpu.memory_space<semaphore_mem>>) src(%arg2 : memref<16xi32, #tpu.memory_space<hbm>>) dst(%arg9 : memref<16xi32, #tpu.memory_space<vmem>>)
      tpu.yield
    }) : () -> ()
    "tpu.region"() ({
      %run_scoped3A = tpu.sem_alloc : memref<!tpu.dma_semaphore, #tpu.memory_space<semaphore_mem>>
      tpu.enqueue_dma source(%arg3 : memref<16xi32, #tpu.memory_space<hbm>>) target(%arg10 : memref<16xi32, #tpu.memory_space<vmem>>) target_semaphore(%run_scoped3A : memref<!tpu.dma_semaphore, #tpu.memory_space<semaphore_mem>>)
      tpu.wait_dma2 semaphore(%run_scoped3A : memref<!tpu.dma_semaphore, #tpu.memory_space<semaphore_mem>>) src(%arg3 : memref<16xi32, #tpu.memory_space<hbm>>) dst(%arg10 : memref<16xi32, #tpu.memory_space<vmem>>)
      tpu.yield
    }) : () -> ()
    "tpu.region"() ({
      %run_scoped3A = tpu.sem_alloc : memref<!tpu.dma_semaphore, #tpu.memory_space<semaphore_mem>>
      tpu.enqueue_dma source(%arg4 : memref<512xf32, #tpu.memory_space<hbm>>) target(%arg11 : memref<512xf32, #tpu.memory_space<vmem>>) target_semaphore(%run_scoped3A : memref<!tpu.dma_semaphore, #tpu.memory_space<semaphore_mem>>)
      tpu.wait_dma2 semaphore(%run_scoped3A : memref<!tpu.dma_semaphore, #tpu.memory_space<semaphore_mem>>) src(%arg4 : memref<512xf32, #tpu.memory_space<hbm>>) dst(%arg11 : memref<512xf32, #tpu.memory_space<vmem>>)
      tpu.yield
    }) : () -> ()
    %iota3A = tpu.iota {dimensions = array<i32: 0>} : vector<16xi32>
    %broadcast_in_dim3A = arith.constant 0xFF800000 : f32
    %broadcast_in_dim3A_31 = vector.broadcast %broadcast_in_dim3A : f32 to vector<16xf32>
    %broadcast_in_dim3A_32 = arith.constant 2147483647 : i32
    %broadcast_in_dim3A_33 = vector.broadcast %broadcast_in_dim3A_32 : i32 to vector<16xi32>
    %broadcast_in_dim3A_34 = vector.broadcast %add3A : i32 to vector<16xi32>
    %gather3A = tpu.vector_load_idx %arg10[%broadcast_in_dim3A_34] : memref<16xi32, #tpu.memory_space<vmem>>[vector<16xi32>], vector<16xi32>,
    %mul3A_35 = arith.constant 1000 : i32
    %mul3A_36 = vector.broadcast %mul3A_35 : i32 to vector<16xi32>
    %mul3A_37 = arith.muli %gather3A, %mul3A_36 : vector<16xi32>
    %jit3A_38 = arith.constant 100000 : i32
    %eq3A_39 = arith.constant 0 : i32
    %eq3A_40 = arith.cmpi eq, %jit3A_38, %eq3A_39 : i32
    %jit3A_41 = arith.constant 1 : i32
    %select_n3A_42 = arith.select %eq3A_40, %jit3A_41, %jit3A_38 : i32
    %rem3A_43 = vector.broadcast %select_n3A_42 : i32 to vector<16xi32>
    %rem3A_44 = arith.remsi %mul3A_37, %rem3A_43 : vector<16xi32>
    %ne3A_45 = arith.constant 0 : i32
    %ne3A_46 = vector.broadcast %ne3A_45 : i32 to vector<16xi32>
    %ne3A_47 = arith.cmpi ne, %rem3A_44, %ne3A_46 : vector<16xi32>
    %lt3A_48 = arith.constant 0 : i32
    %lt3A_49 = vector.broadcast %lt3A_48 : i32 to vector<16xi32>
    %lt3A_50 = arith.cmpi slt, %rem3A_44, %lt3A_49 : vector<16xi32>
    %lt3A_51 = arith.constant 0 : i32
    %lt3A_52 = arith.cmpi slt, %select_n3A_42, %lt3A_51 : i32
    %ne3A_53 = vector.broadcast %lt3A_52 : i1 to vector<16xi1>
    %ne3A_54 = vector.broadcast %ne3A_53 : vector<16xi1> to vector<16xi1>
    %ne3A_55 = arith.xori %lt3A_50, %ne3A_54 : vector<16xi1>
    %and3A_56 = arith.andi %ne3A_55, %ne3A_47 : vector<16xi1>
    %add3A_57 = vector.broadcast %select_n3A_42 : i32 to vector<16xi32>
    %add3A_58 = arith.addi %rem3A_44, %add3A_57 : vector<16xi32>
    %select_n3A_59 = arith.select %and3A_56, %add3A_58, %rem3A_44 : vector<16xi1>, vector<16xi32>
    %slice3A = vector.extract_strided_slice %select_n3A_59 {offsets = [0], sizes = [1], strides = [1]} : vector<16xi32> to vector<1xi32>
    %squeeze3A = vector.extract %slice3A[0] : i32 from vector<1xi32>
    %mul3A_60 = arith.constant 2440 : i32
    %mul3A_61 = arith.muli %select_n3A_30, %mul3A_60 : i32
    %add3A_62 = arith.addi %squeeze3A, %mul3A_61 : i32
    %jit3A_63 = arith.constant 128 : i32
    %div3A_64 = arith.divsi %add3A_62, %jit3A_63 : i32
    %sign3A_65 = arith.constant 0 : i32
    %sign3A_66 = arith.cmpi sgt, %add3A_62, %sign3A_65 : i32
    %sign3A_67 = arith.extui %sign3A_66 : i1 to i32
    %sign3A_68 = arith.constant 0 : i32
    %sign3A_69 = arith.cmpi slt, %add3A_62, %sign3A_68 : i32
    %sign3A_70 = arith.extui %sign3A_69 : i1 to i32
    %sign3A_71 = arith.subi %sign3A_67, %sign3A_70 : i32
    %sign3A_72 = arith.constant 0 : i32
    %sign3A_73 = arith.cmpi sgt, %jit3A_63, %sign3A_72 : i32
    %sign3A_74 = arith.extui %sign3A_73 : i1 to i32
    %sign3A_75 = arith.constant 0 : i32
    %sign3A_76 = arith.cmpi slt, %jit3A_63, %sign3A_75 : i32
    %sign3A_77 = arith.extui %sign3A_76 : i1 to i32
    %sign3A_78 = arith.subi %sign3A_74, %sign3A_77 : i32
    %ne3A_79 = arith.cmpi ne, %sign3A_71, %sign3A_78 : i32
    %rem3A_80 = arith.remsi %add3A_62, %jit3A_63 : i32
    %ne3A_81 = arith.constant 0 : i32
    %ne3A_82 = arith.cmpi ne, %rem3A_80, %ne3A_81 : i32
    %and3A_83 = arith.andi %ne3A_79, %ne3A_82 : i1
    %sub3A_84 = arith.constant 1 : i32
    %sub3A_85 = arith.subi %div3A_64, %sub3A_84 : i32
    %select_n3A_86 = arith.select %and3A_83, %sub3A_85, %div3A_64 : i32
    %mul3A_87 = arith.constant 128 : i32
    %mul3A_88 = arith.muli %select_n3A_86, %mul3A_87 : i32
    %multiple_of3A = tpu.assume_multiple %mul3A_88, 128 : i32
    %sub3A_89 = arith.subi %add3A_62, %multiple_of3A : i32
    %get3A = arith.constant 0 : index
    %get3A_90 = tpu.vector_load %arg9[%get3A] {strides = array<i32>} : memref<16xi32, #tpu.memory_space<vmem>>, vector<16xi32>,
    %sub3A_91 = arith.constant 1 : i32
    %sub3A_92 = vector.broadcast %sub3A_91 : i32 to vector<16xi32>
    %sub3A_93 = arith.subi %get3A_90, %sub3A_92 : vector<16xi32>
    %dma_start3A = arith.constant 0 : i32
    %dma_start3A_94 = tpu.memref_slice %arg5[%add3A, %dma_start3A, %multiple_of3A] : memref<16x8x100000xf32, #tpu.memory_space<hbm>> -> memref<1x8x2688xf32, #tpu.memory_space<hbm>>
    %dma_start3A_95 = tpu.memref_squeeze %dma_start3A_94 : memref<1x8x2688xf32, #tpu.memory_space<hbm>> -> memref<8x2688xf32, #tpu.memory_space<hbm>>
    %dma_start3A_96 = arith.constant 0 : i32
    %dma_start3A_97 = tpu.memref_slice %arg5[%add3A, %dma_start3A_96, %multiple_of3A] : memref<16x8x100000xf32, #tpu.memory_space<hbm>> -> memref<1x8x2688xf32, #tpu.memory_space<hbm>>
    %dma_start3A_98 = tpu.memref_squeeze %dma_start3A_97 : memref<1x8x2688xf32, #tpu.memory_space<hbm>> -> memref<8x2688xf32, #tpu.memory_space<hbm>>
    tpu.enqueue_dma source(%dma_start3A_98 : memref<8x2688xf32, #tpu.memory_space<hbm>>) target(%arg12 : memref<8x2688xf32, #tpu.memory_space<vmem>>) target_semaphore(%arg28 : memref<!tpu.dma_semaphore, #tpu.memory_space<semaphore_mem>>)
    %dma_wait3A = arith.constant 0 : i32
    %dma_wait3A_99 = tpu.memref_slice %arg5[%add3A, %dma_wait3A, %multiple_of3A] : memref<16x8x100000xf32, #tpu.memory_space<hbm>> -> memref<1x8x2688xf32, #tpu.memory_space<hbm>>
    %dma_wait3A_100 = tpu.memref_squeeze %dma_wait3A_99 : memref<1x8x2688xf32, #tpu.memory_space<hbm>> -> memref<8x2688xf32, #tpu.memory_space<hbm>>
    %dma_wait3A_101 = arith.constant 0 : i32
    %dma_wait3A_102 = tpu.memref_slice %arg5[%add3A, %dma_wait3A_101, %multiple_of3A] : memref<16x8x100000xf32, #tpu.memory_space<hbm>> -> memref<1x8x2688xf32, #tpu.memory_space<hbm>>
    %dma_wait3A_103 = tpu.memref_squeeze %dma_wait3A_102 : memref<1x8x2688xf32, #tpu.memory_space<hbm>> -> memref<8x2688xf32, #tpu.memory_space<hbm>>
    tpu.wait_dma2 semaphore(%arg28 : memref<!tpu.dma_semaphore, #tpu.memory_space<semaphore_mem>>) src(%dma_wait3A_103 : memref<8x2688xf32, #tpu.memory_space<hbm>>) dst(%arg12 : memref<8x2688xf32, #tpu.memory_space<vmem>>)
    %eq3A_104 = arith.constant 0 : i32
    %eq3A_105 = arith.cmpi eq, %select_n3A_30, %eq3A_104 : i32
    %add3A_106 = arith.constant 2560 : i32
    %add3A_107 = arith.addi %sub3A_89, %add3A_106 : i32
    %jit3A_108 = arith.constant 0 : i32
    %select_n3A_109 = arith.select %eq3A_105, %jit3A_108, %add3A_107 : i32
    %eq3A_110 = arith.constant 0 : i32
    %eq3A_111 = arith.cmpi eq, %select_n3A_30, %eq3A_110 : i32
    %jit3A_112 = arith.constant 2688 : i32
    %select_n3A_113 = arith.select %eq3A_111, %sub3A_89, %jit3A_112 : i32
    %jit3A_114 = arith.constant 16 : i32
    %div3A_115 = arith.divsi %select_n3A_109, %jit3A_114 : i32
    %sign3A_116 = arith.constant 0 : i32
    %sign3A_117 = arith.cmpi sgt, %select_n3A_109, %sign3A_116 : i32
    %sign3A_118 = arith.extui %sign3A_117 : i1 to i32
    %sign3A_119 = arith.constant 0 : i32
    %sign3A_120 = arith.cmpi slt, %select_n3A_109, %sign3A_119 : i32
    %sign3A_121 = arith.extui %sign3A_120 : i1 to i32
    %sign3A_122 = arith.subi %sign3A_118, %sign3A_121 : i32
    %sign3A_123 = arith.constant 0 : i32
    %sign3A_124 = arith.cmpi sgt, %jit3A_114, %sign3A_123 : i32
    %sign3A_125 = arith.extui %sign3A_124 : i1 to i32
    %sign3A_126 = arith.constant 0 : i32
    %sign3A_127 = arith.cmpi slt, %jit3A_114, %sign3A_126 : i32
    %sign3A_128 = arith.extui %sign3A_127 : i1 to i32
    %sign3A_129 = arith.subi %sign3A_125, %sign3A_128 : i32
    %ne3A_130 = arith.cmpi ne, %sign3A_122, %sign3A_129 : i32
    %rem3A_131 = arith.remsi %select_n3A_109, %jit3A_114 : i32
    %ne3A_132 = arith.constant 0 : i32
    %ne3A_133 = arith.cmpi ne, %rem3A_131, %ne3A_132 : i32
    %and3A_134 = arith.andi %ne3A_130, %ne3A_133 : i1
    %sub3A_135 = arith.constant 1 : i32
    %sub3A_136 = arith.subi %div3A_115, %sub3A_135 : i32
    %select_n3A_137 = arith.select %and3A_134, %sub3A_136, %div3A_115 : i32
    %mul3A_138 = arith.constant 16 : i32
    %mul3A_139 = arith.muli %select_n3A_137, %mul3A_138 : i32
    %multiple_of3A_140 = tpu.assume_multiple %mul3A_139, 8 : i32
    %sub3A_141 = arith.subi %select_n3A_113, %multiple_of3A_140 : i32
    %add3A_142 = arith.constant 16 : i32
    %add3A_143 = arith.addi %sub3A_141, %add3A_142 : i32
    %sub3A_144 = arith.constant 1 : i32
    %sub3A_145 = arith.subi %add3A_143, %sub3A_144 : i32
    %jit3A_146 = arith.constant 16 : i32
    %div3A_147 = arith.divsi %sub3A_145, %jit3A_146 : i32
    %sign3A_148 = arith.constant 0 : i32
    %sign3A_149 = arith.cmpi sgt, %sub3A_145, %sign3A_148 : i32
    %sign3A_150 = arith.extui %sign3A_149 : i1 to i32
    %sign3A_151 = arith.constant 0 : i32
    %sign3A_152 = arith.cmpi slt, %sub3A_145, %sign3A_151 : i32
    %sign3A_153 = arith.extui %sign3A_152 : i1 to i32
    %sign3A_154 = arith.subi %sign3A_150, %sign3A_153 : i32
    %sign3A_155 = arith.constant 0 : i32
    %sign3A_156 = arith.cmpi sgt, %jit3A_146, %sign3A_155 : i32
    %sign3A_157 = arith.extui %sign3A_156 : i1 to i32
    %sign3A_158 = arith.constant 0 : i32
    %sign3A_159 = arith.cmpi slt, %jit3A_146, %sign3A_158 : i32
    %sign3A_160 = arith.extui %sign3A_159 : i1 to i32
    %sign3A_161 = arith.subi %sign3A_157, %sign3A_160 : i32
    %ne3A_162 = arith.cmpi ne, %sign3A_154, %sign3A_161 : i32
    %rem3A_163 = arith.remsi %sub3A_145, %jit3A_146 : i32
    %ne3A_164 = arith.constant 0 : i32
    %ne3A_165 = arith.cmpi ne, %rem3A_163, %ne3A_164 : i32
    %and3A_166 = arith.andi %ne3A_162, %ne3A_165 : i1
    %sub3A_167 = arith.constant 1 : i32
    %sub3A_168 = arith.subi %div3A_147, %sub3A_167 : i32
    %select_n3A_169 = arith.select %and3A_166, %sub3A_168, %div3A_147 : i32
    %scan3A = arith.constant 0 : i32
    %scan3A_170 = arith.constant 0 : i32
    %scan3A_171 = arith.constant 8 : i32
    %scan3A_172 = arith.addi %scan3A_170, %scan3A_171 : i32
    %scan3A_173 = arith.constant 1 : i32
    scf.for %scan3A_243 = %scan3A_170 to %scan3A_172 step %scan3A_173  : i32 {
      %while3A = arith.constant 0 : i32
      %while3A_244 = arith.subi %select_n3A_169, %while3A : i32
      %while3A_245 = arith.addi %while3A, %while3A_244 : i32
      %while3A_246 = arith.constant 1 : i32
      %while3A_247 = arith.divsi %while3A_244, %while3A_246 : i32
      %while3A_248 = arith.muli %while3A_247, %while3A_246 : i32
      %while3A_249 = arith.addi %while3A, %while3A_248 : i32
      %while3A_250 = arith.constant 1 : i32
      scf.for %while3A_252 = %while3A to %while3A_249 step %while3A_250  : i32 {
        %mul3A_253 = arith.constant 16 : i32
        %mul3A_254 = arith.muli %while3A_252, %mul3A_253 : i32
        %add3A_255 = arith.addi %multiple_of3A_140, %mul3A_254 : i32
        %multiple_of3A_256 = tpu.assume_multiple %add3A_255, 8 : i32
        %get3A_257 = arith.index_cast %scan3A_243 : i32 to index
        %get3A_258 = arith.index_cast %multiple_of3A_256 : i32 to index
        %get3A_259 = tpu.vector_load %arg12[%get3A_257, %get3A_258] {strides = array<i32>} : memref<8x2688xf32, #tpu.memory_space<vmem>>, vector<16xf32>,
        %broadcast_in_dim3A_260 = vector.broadcast %multiple_of3A_256 : i32 to vector<16xi32>
        %add3A_261 = arith.addi %broadcast_in_dim3A_260, %iota3A : vector<16xi32>
        %ge3A = vector.broadcast %select_n3A_109 : i32 to vector<16xi32>
        %ge3A_262 = arith.cmpi sge, %add3A_261, %ge3A : vector<16xi32>
        %lt3A_263 = vector.broadcast %select_n3A_113 : i32 to vector<16xi32>
        %lt3A_264 = arith.cmpi slt, %add3A_261, %lt3A_263 : vector<16xi32>
        %and3A_265 = arith.andi %ge3A_262, %lt3A_264 : vector<16xi1>
        %select_n3A_266 = arith.select %and3A_265, %broadcast_in_dim3A_31, %get3A_259 : vector<16xi1>, vector<16xf32>
        %swap3A_267 = arith.index_cast %scan3A_243 : i32 to index
        %swap3A_268 = arith.index_cast %multiple_of3A_256 : i32 to index
        %swap3A_269 = tpu.vector_load %arg12[%swap3A_267, %swap3A_268] {strides = array<i32>} : memref<8x2688xf32, #tpu.memory_space<vmem>>, vector<16xf32>,
        tpu.vector_store %arg12[%swap3A_267, %swap3A_268], %select_n3A_266 {strides = array<i32>} : memref<8x2688xf32, #tpu.memory_space<vmem>>, vector<16xf32>,
      }
      %while3A_251 = arith.constant 1 : i32
      scf.for %while3A_252 = %while3A_249 to %while3A_245 step %while3A_251  : i32 {
        %mul3A_253 = arith.constant 16 : i32
        %mul3A_254 = arith.muli %while3A_252, %mul3A_253 : i32
        %add3A_255 = arith.addi %multiple_of3A_140, %mul3A_254 : i32
        %multiple_of3A_256 = tpu.assume_multiple %add3A_255, 8 : i32
        %get3A_257 = arith.index_cast %scan3A_243 : i32 to index
        %get3A_258 = arith.index_cast %multiple_of3A_256 : i32 to index
        %get3A_259 = tpu.vector_load %arg12[%get3A_257, %get3A_258] {strides = array<i32>} : memref<8x2688xf32, #tpu.memory_space<vmem>>, vector<16xf32>,
        %broadcast_in_dim3A_260 = vector.broadcast %multiple_of3A_256 : i32 to vector<16xi32>
        %add3A_261 = arith.addi %broadcast_in_dim3A_260, %iota3A : vector<16xi32>
        %ge3A = vector.broadcast %select_n3A_109 : i32 to vector<16xi32>
        %ge3A_262 = arith.cmpi sge, %add3A_261, %ge3A : vector<16xi32>
        %lt3A_263 = vector.broadcast %select_n3A_113 : i32 to vector<16xi32>
        %lt3A_264 = arith.cmpi slt, %add3A_261, %lt3A_263 : vector<16xi32>
        %and3A_265 = arith.andi %ge3A_262, %lt3A_264 : vector<16xi1>
        %select_n3A_266 = arith.select %and3A_265, %broadcast_in_dim3A_31, %get3A_259 : vector<16xi1>, vector<16xf32>
        %swap3A_267 = arith.index_cast %scan3A_243 : i32 to index
        %swap3A_268 = arith.index_cast %multiple_of3A_256 : i32 to index
        %swap3A_269 = tpu.vector_load %arg12[%swap3A_267, %swap3A_268] {strides = array<i32>} : memref<8x2688xf32, #tpu.memory_space<vmem>>, vector<16xf32>,
        tpu.vector_store %arg12[%swap3A_267, %swap3A_268], %select_n3A_266 {strides = array<i32>} : memref<8x2688xf32, #tpu.memory_space<vmem>>, vector<16xf32>,
      }
    }
    %scan3A_174 = arith.constant 8 : i32
    %scan3A_175 = arith.constant 0 : i32
    %scan3A_176 = arith.constant 8 : i32
    %scan3A_177 = arith.addi %scan3A_175, %scan3A_176 : i32
    %scan3A_178 = arith.constant 1 : i32
    %scan3A_179 = scf.for %scan3A_243 = %scan3A_175 to %scan3A_177 step %scan3A_178 iter_args(%scan3A_244 = %broadcast_in_dim3A_31) -> (vector<16xf32>)  : i32 {
      %mul3A_245 = arith.constant 8 : i32
      %mul3A_246 = arith.muli %add3A, %mul3A_245 : i32
      %broadcast_in_dim3A_247 = vector.broadcast %mul3A_246 : i32 to vector<16xi32>
      %add3A_248 = vector.broadcast %scan3A_243 : i32 to vector<16xi32>
      %add3A_249 = arith.addi %broadcast_in_dim3A_247, %add3A_248 : vector<16xi32>
      %mul3A_250 = arith.constant 4 : i32
      %mul3A_251 = vector.broadcast %mul3A_250 : i32 to vector<16xi32>
      %mul3A_252 = arith.muli %add3A_249, %mul3A_251 : vector<16xi32>
      %add3A_253 = arith.addi %mul3A_252, %sub3A_93 : vector<16xi32>
      %gather3A_254 = tpu.vector_load_idx %arg11[%add3A_253] : memref<512xf32, #tpu.memory_space<vmem>>[vector<16xi32>], vector<16xf32>,
      %scan3A_255 = arith.constant 0 : i32
      %scan3A_256 = arith.constant 21 : i32
      %scan3A_257 = arith.addi %scan3A_255, %scan3A_256 : i32
      %scan3A_258 = arith.constant 1 : i32
      %scan3A_259 = scf.for %scan3A_261 = %scan3A_255 to %scan3A_257 step %scan3A_258 iter_args(%scan3A_262 = %scan3A_244) -> (vector<16xf32>)  : i32 {
        %mul3A_263 = arith.constant 128 : i32
        %mul3A_264 = arith.muli %scan3A_261, %mul3A_263 : i32
        %get3A_265 = arith.index_cast %scan3A_243 : i32 to index
        %get3A_266 = arith.index_cast %mul3A_264 : i32 to index
        %get3A_267 = tpu.vector_load %arg12[%get3A_265, %get3A_266] {strides = array<i32>} : memref<8x2688xf32, #tpu.memory_space<vmem>>, vector<16xf32>,
        %add3A_268 = arith.constant 16 : i32
        %add3A_269 = arith.addi %mul3A_264, %add3A_268 : i32
        %get3A_270 = arith.index_cast %scan3A_243 : i32 to index
        %get3A_271 = arith.index_cast %add3A_269 : i32 to index
        %get3A_272 = tpu.vector_load %arg12[%get3A_270, %get3A_271] {strides = array<i32>} : memref<8x2688xf32, #tpu.memory_space<vmem>>, vector<16xf32>,
        %max3A = arith.maximumf %get3A_267, %get3A_272 : vector<16xf32>
        %add3A_273 = arith.constant 32 : i32
        %add3A_274 = arith.addi %mul3A_264, %add3A_273 : i32
        %get3A_275 = arith.index_cast %scan3A_243 : i32 to index
        %get3A_276 = arith.index_cast %add3A_274 : i32 to index
        %get3A_277 = tpu.vector_load %arg12[%get3A_275, %get3A_276] {strides = array<i32>} : memref<8x2688xf32, #tpu.memory_space<vmem>>, vector<16xf32>,
        %max3A_278 = arith.maximumf %max3A, %get3A_277 : vector<16xf32>
        %add3A_279 = arith.constant 48 : i32
        %add3A_280 = arith.addi %mul3A_264, %add3A_279 : i32
        %get3A_281 = arith.index_cast %scan3A_243 : i32 to index
        %get3A_282 = arith.index_cast %add3A_280 : i32 to index
        %get3A_283 = tpu.vector_load %arg12[%get3A_281, %get3A_282] {strides = array<i32>} : memref<8x2688xf32, #tpu.memory_space<vmem>>, vector<16xf32>,
        %max3A_284 = arith.maximumf %max3A_278, %get3A_283 : vector<16xf32>
        %add3A_285 = arith.constant 64 : i32
        %add3A_286 = arith.addi %mul3A_264, %add3A_285 : i32
        %get3A_287 = arith.index_cast %scan3A_243 : i32 to index
        %get3A_288 = arith.index_cast %add3A_286 : i32 to index
        %get3A_289 = tpu.vector_load %arg12[%get3A_287, %get3A_288] {strides = array<i32>} : memref<8x2688xf32, #tpu.memory_space<vmem>>, vector<16xf32>,
        %max3A_290 = arith.maximumf %max3A_284, %get3A_289 : vector<16xf32>
        %add3A_291 = arith.constant 80 : i32
        %add3A_292 = arith.addi %mul3A_264, %add3A_291 : i32
        %get3A_293 = arith.index_cast %scan3A_243 : i32 to index
        %get3A_294 = arith.index_cast %add3A_292 : i32 to index
        %get3A_295 = tpu.vector_load %arg12[%get3A_293, %get3A_294] {strides = array<i32>} : memref<8x2688xf32, #tpu.memory_space<vmem>>, vector<16xf32>,
        %max3A_296 = arith.maximumf %max3A_290, %get3A_295 : vector<16xf32>
        %add3A_297 = arith.constant 96 : i32
        %add3A_298 = arith.addi %mul3A_264, %add3A_297 : i32
        %get3A_299 = arith.index_cast %scan3A_243 : i32 to index
        %get3A_300 = arith.index_cast %add3A_298 : i32 to index
        %get3A_301 = tpu.vector_load %arg12[%get3A_299, %get3A_300] {strides = array<i32>} : memref<8x2688xf32, #tpu.memory_space<vmem>>, vector<16xf32>,
        %max3A_302 = arith.maximumf %max3A_296, %get3A_301 : vector<16xf32>
        %add3A_303 = arith.constant 112 : i32
        %add3A_304 = arith.addi %mul3A_264, %add3A_303 : i32
        %get3A_305 = arith.index_cast %scan3A_243 : i32 to index
        %get3A_306 = arith.index_cast %add3A_304 : i32 to index
        %get3A_307 = tpu.vector_load %arg12[%get3A_305, %get3A_306] {strides = array<i32>} : memref<8x2688xf32, #tpu.memory_space<vmem>>, vector<16xf32>,
        %max3A_308 = arith.maximumf %max3A_302, %get3A_307 : vector<16xf32>
        %add3A_309 = arith.addf %max3A_308, %gather3A_254 : vector<16xf32>
        %mul3A_310 = arith.constant 21 : i32
        %mul3A_311 = arith.muli %scan3A_243, %mul3A_310 : i32
        %add3A_312 = arith.addi %mul3A_311, %scan3A_261 : i32
        %mul3A_313 = arith.constant 16 : i32
        %mul3A_314 = arith.muli %add3A_312, %mul3A_313 : i32
        %swap3A_315 = arith.index_cast %mul3A_314 : i32 to index
        %swap3A_316 = tpu.vector_load %arg13[%swap3A_315] {strides = array<i32>} : memref<2688xf32, #tpu.memory_space<vmem>>, vector<16xf32>,
        tpu.vector_store %arg13[%swap3A_315], %add3A_309 {strides = array<i32>} : memref<2688xf32, #tpu.memory_space<vmem>>, vector<16xf32>,
        %max3A_317 = arith.maximumf %scan3A_262, %add3A_309 : vector<16xf32>
        scf.yield %max3A_317 : vector<16xf32>
      }
      %scan3A_260 = arith.constant 21 : i32
      scf.yield %scan3A_259 : vector<16xf32>
    }
    %scan3A_180 = arith.constant 8 : i32
    %masked_sort3A = arith.constant dense<true> : vector<16xi1>
    %masked_sort3A_181, %masked_sort3A_182, %masked_sort3A_183 = tpu.sort %scan3A_179, %scan3A_179 masked %masked_sort3A : (vector<16xf32>, vector<16xf32>, vector<16xi1>) -> (vector<16xi1>, vector<16xf32>, vector<16xf32>)
    %slice3A_184 = vector.extract_strided_slice %masked_sort3A_182 {offsets = [8], sizes = [1], strides = [1]} : vector<16xf32> to vector<1xf32>
    %squeeze3A_185 = vector.extract %slice3A_184[0] : f32 from vector<1xf32>
    %broadcast_in_dim3A_186 = vector.broadcast %squeeze3A_185 : f32 to vector<16xf32>
    %broadcast_in_dim3A_187 = arith.constant 0 : i32
    %broadcast_in_dim3A_188 = vector.broadcast %broadcast_in_dim3A_187 : i32 to vector<16xi32>
    %scan3A_189 = arith.constant 0 : i32
    %scan3A_190 = arith.constant 8 : i32
    %scan3A_191 = arith.addi %scan3A_189, %scan3A_190 : i32
    %scan3A_192 = arith.constant 1 : i32
    %scan3A_193:16 = scf.for %scan3A_243 = %scan3A_189 to %scan3A_191 step %scan3A_192 iter_args(%scan3A_244 = %broadcast_in_dim3A_31, %scan3A_245 = %broadcast_in_dim3A_31, %scan3A_246 = %broadcast_in_dim3A_31, %scan3A_247 = %broadcast_in_dim3A_31, %scan3A_248 = %broadcast_in_dim3A_31, %scan3A_249 = %broadcast_in_dim3A_31, %scan3A_250 = %broadcast_in_dim3A_31, %scan3A_251 = %broadcast_in_dim3A_31, %scan3A_252 = %broadcast_in_dim3A_188, %scan3A_253 = %broadcast_in_dim3A_188, %scan3A_254 = %broadcast_in_dim3A_188, %scan3A_255 = %broadcast_in_dim3A_188, %scan3A_256 = %broadcast_in_dim3A_188, %scan3A_257 = %broadcast_in_dim3A_188, %scan3A_258 = %broadcast_in_dim3A_188, %scan3A_259 = %broadcast_in_dim3A_188) -> (vector<16xf32>, vector<16xf32>, vector<16xf32>, vector<16xf32>, vector<16xf32>, vector<16xf32>, vector<16xf32>, vector<16xf32>, vector<16xi32>, vector<16xi32>, vector<16xi32>, vector<16xi32>, vector<16xi32>, vector<16xi32>, vector<16xi32>, vector<16xi32>)  : i32 {
      %mul3A_260 = arith.constant 8 : i32
      %mul3A_261 = arith.muli %add3A, %mul3A_260 : i32
      %broadcast_in_dim3A_262 = vector.broadcast %mul3A_261 : i32 to vector<16xi32>
      %add3A_263 = vector.broadcast %scan3A_243 : i32 to vector<16xi32>
      %add3A_264 = arith.addi %broadcast_in_dim3A_262, %add3A_263 : vector<16xi32>
      %mul3A_265 = arith.constant 4 : i32
      %mul3A_266 = vector.broadcast %mul3A_265 : i32 to vector<16xi32>
      %mul3A_267 = arith.muli %add3A_264, %mul3A_266 : vector<16xi32>
      %add3A_268 = arith.addi %mul3A_267, %sub3A_93 : vector<16xi32>
      %gather3A_269 = tpu.vector_load_idx %arg11[%add3A_268] : memref<512xf32, #tpu.memory_space<vmem>>[vector<16xi32>], vector<16xf32>,
      %mul3A_270 = arith.constant 100000 : i32
      %mul3A_271 = arith.muli %scan3A_243, %mul3A_270 : i32
      %add3A_272 = arith.addi %mul3A_271, %multiple_of3A : i32
      %scan3A_273 = arith.constant 0 : i32
      %scan3A_274 = arith.constant 3 : i32
      %scan3A_275 = arith.addi %scan3A_273, %scan3A_274 : i32
      %scan3A_276 = arith.constant 1 : i32
      %scan3A_277:16 = scf.for %scan3A_279 = %scan3A_273 to %scan3A_275 step %scan3A_276 iter_args(%scan3A_280 = %scan3A_244, %scan3A_281 = %scan3A_245, %scan3A_282 = %scan3A_246, %scan3A_283 = %scan3A_247, %scan3A_284 = %scan3A_248, %scan3A_285 = %scan3A_249, %scan3A_286 = %scan3A_250, %scan3A_287 = %scan3A_251, %scan3A_288 = %scan3A_252, %scan3A_289 = %scan3A_253, %scan3A_290 = %scan3A_254, %scan3A_291 = %scan3A_255, %scan3A_292 = %scan3A_256, %scan3A_293 = %scan3A_257, %scan3A_294 = %scan3A_258, %scan3A_295 = %scan3A_259) -> (vector<16xf32>, vector<16xf32>, vector<16xf32>, vector<16xf32>, vector<16xf32>, vector<16xf32>, vector<16xf32>, vector<16xf32>, vector<16xi32>, vector<16xi32>, vector<16xi32>, vector<16xi32>, vector<16xi32>, vector<16xi32>, vector<16xi32>, vector<16xi32>)  : i32 {
        %mul3A_296 = arith.constant 21 : i32
        %mul3A_297 = arith.muli %scan3A_243, %mul3A_296 : i32
        %mul3A_298 = arith.constant 7 : i32
        %mul3A_299 = arith.muli %scan3A_279, %mul3A_298 : i32
        %add3A_300 = arith.addi %mul3A_297, %mul3A_299 : i32
        %mul3A_301 = arith.constant 16 : i32
        %mul3A_302 = arith.muli %add3A_300, %mul3A_301 : i32
        %get3A_303 = arith.index_cast %mul3A_302 : i32 to index
        %get3A_304 = tpu.vector_load %arg13[%get3A_303] {strides = array<i32>} : memref<2688xf32, #tpu.memory_space<vmem>>, vector<16xf32>,
        %mul3A_305 = arith.constant 21 : i32
        %mul3A_306 = arith.muli %scan3A_243, %mul3A_305 : i32
        %mul3A_307 = arith.constant 7 : i32
        %mul3A_308 = arith.muli %scan3A_279, %mul3A_307 : i32
        %add3A_309 = arith.addi %mul3A_306, %mul3A_308 : i32
        %add3A_310 = arith.constant 1 : i32
        %add3A_311 = arith.addi %add3A_309, %add3A_310 : i32
        %mul3A_312 = arith.constant 16 : i32
        %mul3A_313 = arith.muli %add3A_311, %mul3A_312 : i32
        %get3A_314 = arith.index_cast %mul3A_313 : i32 to index
        %get3A_315 = tpu.vector_load %arg13[%get3A_314] {strides = array<i32>} : memref<2688xf32, #tpu.memory_space<vmem>>, vector<16xf32>,
        %max3A = arith.maximumf %get3A_304, %get3A_315 : vector<16xf32>
        %mul3A_316 = arith.constant 21 : i32
        %mul3A_317 = arith.muli %scan3A_243, %mul3A_316 : i32
        %mul3A_318 = arith.constant 7 : i32
        %mul3A_319 = arith.muli %scan3A_279, %mul3A_318 : i32
        %add3A_320 = arith.addi %mul3A_317, %mul3A_319 : i32
        %add3A_321 = arith.constant 2 : i32
        %add3A_322 = arith.addi %add3A_320, %add3A_321 : i32
        %mul3A_323 = arith.constant 16 : i32
        %mul3A_324 = arith.muli %add3A_322, %mul3A_323 : i32
        %get3A_325 = arith.index_cast %mul3A_324 : i32 to index
        %get3A_326 = tpu.vector_load %arg13[%get3A_325] {strides = array<i32>} : memref<2688xf32, #tpu.memory_space<vmem>>, vector<16xf32>,
        %max3A_327 = arith.maximumf %max3A, %get3A_326 : vector<16xf32>
        %mul3A_328 = arith.constant 21 : i32
        %mul3A_329 = arith.muli %scan3A_243, %mul3A_328 : i32
        %mul3A_330 = arith.constant 7 : i32
        %mul3A_331 = arith.muli %scan3A_279, %mul3A_330 : i32
        %add3A_332 = arith.addi %mul3A_329, %mul3A_331 : i32
        %add3A_333 = arith.constant 3 : i32
        %add3A_334 = arith.addi %add3A_332, %add3A_333 : i32
        %mul3A_335 = arith.constant 16 : i32
        %mul3A_336 = arith.muli %add3A_334, %mul3A_335 : i32
        %get3A_337 = arith.index_cast %mul3A_336 : i32 to index
        %get3A_338 = tpu.vector_load %arg13[%get3A_337] {strides = array<i32>} : memref<2688xf32, #tpu.memory_space<vmem>>, vector<16xf32>,
        %max3A_339 = arith.maximumf %max3A_327, %get3A_338 : vector<16xf32>
        %mul3A_340 = arith.constant 21 : i32
        %mul3A_341 = arith.muli %scan3A_243, %mul3A_340 : i32
        %mul3A_342 = arith.constant 7 : i32
        %mul3A_343 = arith.muli %scan3A_279, %mul3A_342 : i32
        %add3A_344 = arith.addi %mul3A_341, %mul3A_343 : i32
        %add3A_345 = arith.constant 4 : i32
        %add3A_346 = arith.addi %add3A_344, %add3A_345 : i32
        %mul3A_347 = arith.constant 16 : i32
        %mul3A_348 = arith.muli %add3A_346, %mul3A_347 : i32
        %get3A_349 = arith.index_cast %mul3A_348 : i32 to index
        %get3A_350 = tpu.vector_load %arg13[%get3A_349] {strides = array<i32>} : memref<2688xf32, #tpu.memory_space<vmem>>, vector<16xf32>,
        %max3A_351 = arith.maximumf %max3A_339, %get3A_350 : vector<16xf32>
        %mul3A_352 = arith.constant 21 : i32
        %mul3A_353 = arith.muli %scan3A_243, %mul3A_352 : i32
        %mul3A_354 = arith.constant 7 : i32
        %mul3A_355 = arith.muli %scan3A_279, %mul3A_354 : i32
        %add3A_356 = arith.addi %mul3A_353, %mul3A_355 : i32
        %add3A_357 = arith.constant 5 : i32
        %add3A_358 = arith.addi %add3A_356, %add3A_357 : i32
        %mul3A_359 = arith.constant 16 : i32
        %mul3A_360 = arith.muli %add3A_358, %mul3A_359 : i32
        %get3A_361 = arith.index_cast %mul3A_360 : i32 to index
        %get3A_362 = tpu.vector_load %arg13[%get3A_361] {strides = array<i32>} : memref<2688xf32, #tpu.memory_space<vmem>>, vector<16xf32>,
        %max3A_363 = arith.maximumf %max3A_351, %get3A_362 : vector<16xf32>
        %mul3A_364 = arith.constant 21 : i32
        %mul3A_365 = arith.muli %scan3A_243, %mul3A_364 : i32
        %mul3A_366 = arith.constant 7 : i32
        %mul3A_367 = arith.muli %scan3A_279, %mul3A_366 : i32
        %add3A_368 = arith.addi %mul3A_365, %mul3A_367 : i32
        %add3A_369 = arith.constant 6 : i32
        %add3A_370 = arith.addi %add3A_368, %add3A_369 : i32
        %mul3A_371 = arith.constant 16 : i32
        %mul3A_372 = arith.muli %add3A_370, %mul3A_371 : i32
        %get3A_373 = arith.index_cast %mul3A_372 : i32 to index
        %get3A_374 = tpu.vector_load %arg13[%get3A_373] {strides = array<i32>} : memref<2688xf32, #tpu.memory_space<vmem>>, vector<16xf32>,
        %max3A_375 = arith.maximumf %max3A_363, %get3A_374 : vector<16xf32>
        %ge3A = arith.cmpf oge, %max3A_375, %broadcast_in_dim3A_186 : vector<16xf32>
        %all_reduce_population_count3A = tpu.all_reduce %ge3A {dim = 0 : i64, kind = #tpu.reduction_kind<sum>} : vector<16xi1> -> vector<16xi32>
        %slice3A_376 = vector.extract_strided_slice %all_reduce_population_count3A {offsets = [0], sizes = [1], strides = [1]} : vector<16xi32> to vector<1xi32>
        %squeeze3A_377 = vector.extract %slice3A_376[0] : i32 from vector<1xi32>
        %gt3A = arith.constant 0 : i32
        %gt3A_378 = arith.cmpi sgt, %squeeze3A_377, %gt3A : i32
        %convert_element_type3A_379 = arith.extui %gt3A_378 : i1 to i32
        %cond3A_380 = arith.constant 0 : i32
        %cond3A_381 = arith.cmpi ne, %convert_element_type3A_379, %cond3A_380 : i32
        %cond3A_382:16 = scf.if %cond3A_381 -> (vector<16xf32>, vector<16xf32>, vector<16xf32>, vector<16xf32>, vector<16xf32>, vector<16xf32>, vector<16xf32>, vector<16xf32>, vector<16xi32>, vector<16xi32>, vector<16xi32>, vector<16xi32>, vector<16xi32>, vector<16xi32>, vector<16xi32>, vector<16xi32>) {
          %scan3A_383 = arith.constant 0 : i32
          %scan3A_384 = arith.constant 7 : i32
          %scan3A_385 = arith.addi %scan3A_383, %scan3A_384 : i32
          %scan3A_386 = arith.constant 1 : i32
          %scan3A_387:16 = scf.for %scan3A_389 = %scan3A_383 to %scan3A_385 step %scan3A_386 iter_args(%scan3A_390 = %scan3A_280, %scan3A_391 = %scan3A_281, %scan3A_392 = %scan3A_282, %scan3A_393 = %scan3A_283, %scan3A_394 = %scan3A_284, %scan3A_395 = %scan3A_285, %scan3A_396 = %scan3A_286, %scan3A_397 = %scan3A_287, %scan3A_398 = %scan3A_288, %scan3A_399 = %scan3A_289, %scan3A_400 = %scan3A_290, %scan3A_401 = %scan3A_291, %scan3A_402 = %scan3A_292, %scan3A_403 = %scan3A_293, %scan3A_404 = %scan3A_294, %scan3A_405 = %scan3A_295) -> (vector<16xf32>, vector<16xf32>, vector<16xf32>, vector<16xf32>, vector<16xf32>, vector<16xf32>, vector<16xf32>, vector<16xf32>, vector<16xi32>, vector<16xi32>, vector<16xi32>, vector<16xi32>, vector<16xi32>, vector<16xi32>, vector<16xi32>, vector<16xi32>)  : i32 {
            %mul3A_406 = arith.constant 7 : i32
            %mul3A_407 = arith.muli %scan3A_279, %mul3A_406 : i32
            %add3A_408 = arith.addi %mul3A_407, %scan3A_389 : i32
            %mul3A_409 = arith.constant 21 : i32
            %mul3A_410 = arith.muli %scan3A_243, %mul3A_409 : i32
            %add3A_411 = arith.addi %mul3A_410, %add3A_408 : i32
            %mul3A_412 = arith.constant 16 : i32
            %mul3A_413 = arith.muli %add3A_411, %mul3A_412 : i32
            %get3A_414 = arith.index_cast %mul3A_413 : i32 to index
            %get3A_415 = tpu.vector_load %arg13[%get3A_414] {strides = array<i32>} : memref<2688xf32, #tpu.memory_space<vmem>>, vector<16xf32>,
            %ge3A_416 = arith.cmpf oge, %get3A_415, %broadcast_in_dim3A_186 : vector<16xf32>
            %all_reduce_population_count3A_417 = tpu.all_reduce %ge3A_416 {dim = 0 : i64, kind = #tpu.reduction_kind<sum>} : vector<16xi1> -> vector<16xi32>
            %slice3A_418 = vector.extract_strided_slice %all_reduce_population_count3A_417 {offsets = [0], sizes = [1], strides = [1]} : vector<16xi32> to vector<1xi32>
            %squeeze3A_419 = vector.extract %slice3A_418[0] : i32 from vector<1xi32>
            %gt3A_420 = arith.constant 0 : i32
            %gt3A_421 = arith.cmpi sgt, %squeeze3A_419, %gt3A_420 : i32
            %convert_element_type3A_422 = arith.extui %gt3A_421 : i1 to i32
            %cond3A_423 = arith.constant 0 : i32
            %cond3A_424 = arith.cmpi ne, %convert_element_type3A_422, %cond3A_423 : i32
            %cond3A_425:16 = scf.if %cond3A_424 -> (vector<16xf32>, vector<16xf32>, vector<16xf32>, vector<16xf32>, vector<16xf32>, vector<16xf32>, vector<16xf32>, vector<16xf32>, vector<16xi32>, vector<16xi32>, vector<16xi32>, vector<16xi32>, vector<16xi32>, vector<16xi32>, vector<16xi32>, vector<16xi32>) {
              %scan3A_426 = arith.constant 0 : i32
              %scan3A_427 = arith.constant 8 : i32
              %scan3A_428 = arith.addi %scan3A_426, %scan3A_427 : i32
              %scan3A_429 = arith.constant 1 : i32
              %scan3A_430:16 = scf.for %scan3A_432 = %scan3A_426 to %scan3A_428 step %scan3A_429 iter_args(%scan3A_433 = %scan3A_390, %scan3A_434 = %scan3A_391, %scan3A_435 = %scan3A_392, %scan3A_436 = %scan3A_393, %scan3A_437 = %scan3A_394, %scan3A_438 = %scan3A_395, %scan3A_439 = %scan3A_396, %scan3A_440 = %scan3A_397, %scan3A_441 = %scan3A_398, %scan3A_442 = %scan3A_399, %scan3A_443 = %scan3A_400, %scan3A_444 = %scan3A_401, %scan3A_445 = %scan3A_402, %scan3A_446 = %scan3A_403, %scan3A_447 = %scan3A_404, %scan3A_448 = %scan3A_405) -> (vector<16xf32>, vector<16xf32>, vector<16xf32>, vector<16xf32>, vector<16xf32>, vector<16xf32>, vector<16xf32>, vector<16xf32>, vector<16xi32>, vector<16xi32>, vector<16xi32>, vector<16xi32>, vector<16xi32>, vector<16xi32>, vector<16xi32>, vector<16xi32>)  : i32 {
                %mul3A_449 = arith.constant 128 : i32
                %mul3A_450 = arith.muli %add3A_408, %mul3A_449 : i32
                %mul3A_451 = arith.constant 16 : i32
                %mul3A_452 = arith.muli %scan3A_432, %mul3A_451 : i32
                %add3A_453 = arith.addi %mul3A_450, %mul3A_452 : i32
                %get3A_454 = arith.index_cast %scan3A_243 : i32 to index
                %get3A_455 = arith.index_cast %add3A_453 : i32 to index
                %get3A_456 = tpu.vector_load %arg12[%get3A_454, %get3A_455] {strides = array<i32>} : memref<8x2688xf32, #tpu.memory_space<vmem>>, vector<16xf32>,
                %add3A_457 = arith.addf %get3A_456, %gather3A_269 : vector<16xf32>
                %ge3A_458 = arith.cmpf oge, %add3A_457, %broadcast_in_dim3A_186 : vector<16xf32>
                %all_reduce_population_count3A_459 = tpu.all_reduce %ge3A_458 {dim = 0 : i64, kind = #tpu.reduction_kind<sum>} : vector<16xi1> -> vector<16xi32>
                %slice3A_460 = vector.extract_strided_slice %all_reduce_population_count3A_459 {offsets = [0], sizes = [1], strides = [1]} : vector<16xi32> to vector<1xi32>
                %squeeze3A_461 = vector.extract %slice3A_460[0] : i32 from vector<1xi32>
                %gt3A_462 = arith.constant 0 : i32
                %gt3A_463 = arith.cmpi sgt, %squeeze3A_461, %gt3A_462 : i32
                %convert_element_type3A_464 = arith.extui %gt3A_463 : i1 to i32
                %cond3A_465 = arith.constant 0 : i32
                %cond3A_466 = arith.cmpi ne, %convert_element_type3A_464, %cond3A_465 : i32
                %cond3A_467:16 = scf.if %cond3A_466 -> (vector<16xf32>, vector<16xf32>, vector<16xf32>, vector<16xf32>, vector<16xf32>, vector<16xf32>, vector<16xf32>, vector<16xf32>, vector<16xi32>, vector<16xi32>, vector<16xi32>, vector<16xi32>, vector<16xi32>, vector<16xi32>, vector<16xi32>, vector<16xi32>) {
                  %add3A_468 = arith.addi %add3A_272, %add3A_453 : i32
                  %broadcast_in_dim3A_469 = vector.broadcast %add3A_468 : i32 to vector<16xi32>
                  %add3A_470 = arith.addi %broadcast_in_dim3A_469, %iota3A : vector<16xi32>
                  %gt3A_471 = arith.cmpf ogt, %add3A_457, %scan3A_433 : vector<16xf32>
                  %select_n3A_472 = arith.select %gt3A_471, %add3A_457, %scan3A_433 : vector<16xi1>, vector<16xf32>
                  %select_n3A_473 = arith.select %gt3A_471, %scan3A_433, %add3A_457 : vector<16xi1>, vector<16xf32>
                  %select_n3A_474 = arith.select %gt3A_471, %add3A_470, %scan3A_441 : vector<16xi1>, vector<16xi32>
                  %select_n3A_475 = arith.select %gt3A_471, %scan3A_441, %add3A_470 : vector<16xi1>, vector<16xi32>
                  %gt3A_476 = arith.cmpf ogt, %select_n3A_473, %scan3A_434 : vector<16xf32>
                  %select_n3A_477 = arith.select %gt3A_476, %select_n3A_473, %scan3A_434 : vector<16xi1>, vector<16xf32>
                  %select_n3A_478 = arith.select %gt3A_476, %scan3A_434, %select_n3A_473 : vector<16xi1>, vector<16xf32>
                  %select_n3A_479 = arith.select %gt3A_476, %select_n3A_475, %scan3A_442 : vector<16xi1>, vector<16xi32>
                  %select_n3A_480 = arith.select %gt3A_476, %scan3A_442, %select_n3A_475 : vector<16xi1>, vector<16xi32>
                  %gt3A_481 = arith.cmpf ogt, %select_n3A_478, %scan3A_435 : vector<16xf32>
                  %select_n3A_482 = arith.select %gt3A_481, %select_n3A_478, %scan3A_435 : vector<16xi1>, vector<16xf32>
                  %select_n3A_483 = arith.select %gt3A_481, %scan3A_435, %select_n3A_478 : vector<16xi1>, vector<16xf32>
                  %select_n3A_484 = arith.select %gt3A_481, %select_n3A_480, %scan3A_443 : vector<16xi1>, vector<16xi32>
                  %select_n3A_485 = arith.select %gt3A_481, %scan3A_443, %select_n3A_480 : vector<16xi1>, vector<16xi32>
                  %gt3A_486 = arith.cmpf ogt, %select_n3A_483, %scan3A_436 : vector<16xf32>
                  %select_n3A_487 = arith.select %gt3A_486, %select_n3A_483, %scan3A_436 : vector<16xi1>, vector<16xf32>
                  %select_n3A_488 = arith.select %gt3A_486, %scan3A_436, %select_n3A_483 : vector<16xi1>, vector<16xf32>
                  %select_n3A_489 = arith.select %gt3A_486, %select_n3A_485, %scan3A_444 : vector<16xi1>, vector<16xi32>
                  %select_n3A_490 = arith.select %gt3A_486, %scan3A_444, %select_n3A_485 : vector<16xi1>, vector<16xi32>
                  %gt3A_491 = arith.cmpf ogt, %select_n3A_488, %scan3A_437 : vector<16xf32>
                  %select_n3A_492 = arith.select %gt3A_491, %select_n3A_488, %scan3A_437 : vector<16xi1>, vector<16xf32>
                  %select_n3A_493 = arith.select %gt3A_491, %scan3A_437, %select_n3A_488 : vector<16xi1>, vector<16xf32>
                  %select_n3A_494 = arith.select %gt3A_491, %select_n3A_490, %scan3A_445 : vector<16xi1>, vector<16xi32>
                  %select_n3A_495 = arith.select %gt3A_491, %scan3A_445, %select_n3A_490 : vector<16xi1>, vector<16xi32>
                  %gt3A_496 = arith.cmpf ogt, %select_n3A_493, %scan3A_438 : vector<16xf32>
                  %select_n3A_497 = arith.select %gt3A_496, %select_n3A_493, %scan3A_438 : vector<16xi1>, vector<16xf32>
                  %select_n3A_498 = arith.select %gt3A_496, %scan3A_438, %select_n3A_493 : vector<16xi1>, vector<16xf32>
                  %select_n3A_499 = arith.select %gt3A_496, %select_n3A_495, %scan3A_446 : vector<16xi1>, vector<16xi32>
                  %select_n3A_500 = arith.select %gt3A_496, %scan3A_446, %select_n3A_495 : vector<16xi1>, vector<16xi32>
                  %gt3A_501 = arith.cmpf ogt, %select_n3A_498, %scan3A_439 : vector<16xf32>
                  %select_n3A_502 = arith.select %gt3A_501, %select_n3A_498, %scan3A_439 : vector<16xi1>, vector<16xf32>
                  %select_n3A_503 = arith.select %gt3A_501, %scan3A_439, %select_n3A_498 : vector<16xi1>, vector<16xf32>
                  %select_n3A_504 = arith.select %gt3A_501, %select_n3A_500, %scan3A_447 : vector<16xi1>, vector<16xi32>
                  %select_n3A_505 = arith.select %gt3A_501, %scan3A_447, %select_n3A_500 : vector<16xi1>, vector<16xi32>
                  %gt3A_506 = arith.cmpf ogt, %select_n3A_503, %scan3A_440 : vector<16xf32>
                  %select_n3A_507 = arith.select %gt3A_506, %select_n3A_503, %scan3A_440 : vector<16xi1>, vector<16xf32>
                  %select_n3A_508 = arith.select %gt3A_506, %scan3A_440, %select_n3A_503 : vector<16xi1>, vector<16xf32>
                  %select_n3A_509 = arith.select %gt3A_506, %select_n3A_505, %scan3A_448 : vector<16xi1>, vector<16xi32>
                  %select_n3A_510 = arith.select %gt3A_506, %scan3A_448, %select_n3A_505 : vector<16xi1>, vector<16xi32>
                  scf.yield %select_n3A_472, %select_n3A_477, %select_n3A_482, %select_n3A_487, %select_n3A_492, %select_n3A_497, %select_n3A_502, %select_n3A_507, %select_n3A_474, %select_n3A_479, %select_n3A_484, %select_n3A_489, %select_n3A_494, %select_n3A_499, %select_n3A_504, %select_n3A_509 : vector<16xf32>, vector<16xf32>, vector<16xf32>, vector<16xf32>, vector<16xf32>, vector<16xf32>, vector<16xf32>, vector<16xf32>, vector<16xi32>, vector<16xi32>, vector<16xi32>, vector<16xi32>, vector<16xi32>, vector<16xi32>, vector<16xi32>, vector<16xi32>
                } else {
                  scf.yield %scan3A_433, %scan3A_434, %scan3A_435, %scan3A_436, %scan3A_437, %scan3A_438, %scan3A_439, %scan3A_440, %scan3A_441, %scan3A_442, %scan3A_443, %scan3A_444, %scan3A_445, %scan3A_446, %scan3A_447, %scan3A_448 : vector<16xf32>, vector<16xf32>, vector<16xf32>, vector<16xf32>, vector<16xf32>, vector<16xf32>, vector<16xf32>, vector<16xf32>, vector<16xi32>, vector<16xi32>, vector<16xi32>, vector<16xi32>, vector<16xi32>, vector<16xi32>, vector<16xi32>, vector<16xi32>
                }
                scf.yield %cond3A_467#0, %cond3A_467#1, %cond3A_467#2, %cond3A_467#3, %cond3A_467#4, %cond3A_467#5, %cond3A_467#6, %cond3A_467#7, %cond3A_467#8, %cond3A_467#9, %cond3A_467#10, %cond3A_467#11, %cond3A_467#12, %cond3A_467#13, %cond3A_467#14, %cond3A_467#15 : vector<16xf32>, vector<16xf32>, vector<16xf32>, vector<16xf32>, vector<16xf32>, vector<16xf32>, vector<16xf32>, vector<16xf32>, vector<16xi32>, vector<16xi32>, vector<16xi32>, vector<16xi32>, vector<16xi32>, vector<16xi32>, vector<16xi32>, vector<16xi32>
              }
              %scan3A_431 = arith.constant 8 : i32
              scf.yield %scan3A_430#0, %scan3A_430#1, %scan3A_430#2, %scan3A_430#3, %scan3A_430#4, %scan3A_430#5, %scan3A_430#6, %scan3A_430#7, %scan3A_430#8, %scan3A_430#9, %scan3A_430#10, %scan3A_430#11, %scan3A_430#12, %scan3A_430#13, %scan3A_430#14, %scan3A_430#15 : vector<16xf32>, vector<16xf32>, vector<16xf32>, vector<16xf32>, vector<16xf32>, vector<16xf32>, vector<16xf32>, vector<16xf32>, vector<16xi32>, vector<16xi32>, vector<16xi32>, vector<16xi32>, vector<16xi32>, vector<16xi32>, vector<16xi32>, vector<16xi32>
            } else {
              scf.yield %scan3A_390, %scan3A_391, %scan3A_392, %scan3A_393, %scan3A_394, %scan3A_395, %scan3A_396, %scan3A_397, %scan3A_398, %scan3A_399, %scan3A_400, %scan3A_401, %scan3A_402, %scan3A_403, %scan3A_404, %scan3A_405 : vector<16xf32>, vector<16xf32>, vector<16xf32>, vector<16xf32>, vector<16xf32>, vector<16xf32>, vector<16xf32>, vector<16xf32>, vector<16xi32>, vector<16xi32>, vector<16xi32>, vector<16xi32>, vector<16xi32>, vector<16xi32>, vector<16xi32>, vector<16xi32>
            }
            scf.yield %cond3A_425#0, %cond3A_425#1, %cond3A_425#2, %cond3A_425#3, %cond3A_425#4, %cond3A_425#5, %cond3A_425#6, %cond3A_425#7, %cond3A_425#8, %cond3A_425#9, %cond3A_425#10, %cond3A_425#11, %cond3A_425#12, %cond3A_425#13, %cond3A_425#14, %cond3A_425#15 : vector<16xf32>, vector<16xf32>, vector<16xf32>, vector<16xf32>, vector<16xf32>, vector<16xf32>, vector<16xf32>, vector<16xf32>, vector<16xi32>, vector<16xi32>, vector<16xi32>, vector<16xi32>, vector<16xi32>, vector<16xi32>, vector<16xi32>, vector<16xi32>
          }
          %scan3A_388 = arith.constant 7 : i32
          scf.yield %scan3A_387#0, %scan3A_387#1, %scan3A_387#2, %scan3A_387#3, %scan3A_387#4, %scan3A_387#5, %scan3A_387#6, %scan3A_387#7, %scan3A_387#8, %scan3A_387#9, %scan3A_387#10, %scan3A_387#11, %scan3A_387#12, %scan3A_387#13, %scan3A_387#14, %scan3A_387#15 : vector<16xf32>, vector<16xf32>, vector<16xf32>, vector<16xf32>, vector<16xf32>, vector<16xf32>, vector<16xf32>, vector<16xf32>, vector<16xi32>, vector<16xi32>, vector<16xi32>, vector<16xi32>, vector<16xi32>, vector<16xi32>, vector<16xi32>, vector<16xi32>
        } else {
          scf.yield %scan3A_280, %scan3A_281, %scan3A_282, %scan3A_283, %scan3A_284, %scan3A_285, %scan3A_286, %scan3A_287, %scan3A_288, %scan3A_289, %scan3A_290, %scan3A_291, %scan3A_292, %scan3A_293, %scan3A_294, %scan3A_295 : vector<16xf32>, vector<16xf32>, vector<16xf32>, vector<16xf32>, vector<16xf32>, vector<16xf32>, vector<16xf32>, vector<16xf32>, vector<16xi32>, vector<16xi32>, vector<16xi32>, vector<16xi32>, vector<16xi32>, vector<16xi32>, vector<16xi32>, vector<16xi32>
        }
        scf.yield %cond3A_382#0, %cond3A_382#1, %cond3A_382#2, %cond3A_382#3, %cond3A_382#4, %cond3A_382#5, %cond3A_382#6, %cond3A_382#7, %cond3A_382#8, %cond3A_382#9, %cond3A_382#10, %cond3A_382#11, %cond3A_382#12, %cond3A_382#13, %cond3A_382#14, %cond3A_382#15 : vector<16xf32>, vector<16xf32>, vector<16xf32>, vector<16xf32>, vector<16xf32>, vector<16xf32>, vector<16xf32>, vector<16xf32>, vector<16xi32>, vector<16xi32>, vector<16xi32>, vector<16xi32>, vector<16xi32>, vector<16xi32>, vector<16xi32>, vector<16xi32>
      }
      %scan3A_278 = arith.constant 3 : i32
      scf.yield %scan3A_277#0, %scan3A_277#1, %scan3A_277#2, %scan3A_277#3, %scan3A_277#4, %scan3A_277#5, %scan3A_277#6, %scan3A_277#7, %scan3A_277#8, %scan3A_277#9, %scan3A_277#10, %scan3A_277#11, %scan3A_277#12, %scan3A_277#13, %scan3A_277#14, %scan3A_277#15 : vector<16xf32>, vector<16xf32>, vector<16xf32>, vector<16xf32>, vector<16xf32>, vector<16xf32>, vector<16xf32>, vector<16xf32>, vector<16xi32>, vector<16xi32>, vector<16xi32>, vector<16xi32>, vector<16xi32>, vector<16xi32>, vector<16xi32>, vector<16xi32>
    }
    %scan3A_194 = arith.constant 8 : i32
    %swap3A = arith.constant 0 : index
    %swap3A_195 = tpu.vector_load %arg14[%swap3A] {strides = array<i32>} : memref<256xf32, #tpu.memory_space<vmem>>, vector<16xf32>,
    tpu.vector_store %arg14[%swap3A], %scan3A_193#0 {strides = array<i32>} : memref<256xf32, #tpu.memory_space<vmem>>, vector<16xf32>,
    %swap3A_196 = arith.constant 0 : index
    %swap3A_197 = tpu.vector_load %arg15[%swap3A_196] {strides = array<i32>} : memref<256xi32, #tpu.memory_space<vmem>>, vector<16xi32>,
    tpu.vector_store %arg15[%swap3A_196], %scan3A_193#8 {strides = array<i32>} : memref<256xi32, #tpu.memory_space<vmem>>, vector<16xi32>,
    %swap3A_198 = arith.constant 16 : index
    %swap3A_199 = tpu.vector_load %arg14[%swap3A_198] {strides = array<i32>} : memref<256xf32, #tpu.memory_space<vmem>>, vector<16xf32>,
    tpu.vector_store %arg14[%swap3A_198], %scan3A_193#1 {strides = array<i32>} : memref<256xf32, #tpu.memory_space<vmem>>, vector<16xf32>,
    %swap3A_200 = arith.constant 16 : index
    %swap3A_201 = tpu.vector_load %arg15[%swap3A_200] {strides = array<i32>} : memref<256xi32, #tpu.memory_space<vmem>>, vector<16xi32>,
    tpu.vector_store %arg15[%swap3A_200], %scan3A_193#9 {strides = array<i32>} : memref<256xi32, #tpu.memory_space<vmem>>, vector<16xi32>,
    %swap3A_202 = arith.constant 32 : index
    %swap3A_203 = tpu.vector_load %arg14[%swap3A_202] {strides = array<i32>} : memref<256xf32, #tpu.memory_space<vmem>>, vector<16xf32>,
    tpu.vector_store %arg14[%swap3A_202], %scan3A_193#2 {strides = array<i32>} : memref<256xf32, #tpu.memory_space<vmem>>, vector<16xf32>,
    %swap3A_204 = arith.constant 32 : index
    %swap3A_205 = tpu.vector_load %arg15[%swap3A_204] {strides = array<i32>} : memref<256xi32, #tpu.memory_space<vmem>>, vector<16xi32>,
    tpu.vector_store %arg15[%swap3A_204], %scan3A_193#10 {strides = array<i32>} : memref<256xi32, #tpu.memory_space<vmem>>, vector<16xi32>,
    %swap3A_206 = arith.constant 48 : index
    %swap3A_207 = tpu.vector_load %arg14[%swap3A_206] {strides = array<i32>} : memref<256xf32, #tpu.memory_space<vmem>>, vector<16xf32>,
    tpu.vector_store %arg14[%swap3A_206], %scan3A_193#3 {strides = array<i32>} : memref<256xf32, #tpu.memory_space<vmem>>, vector<16xf32>,
    %swap3A_208 = arith.constant 48 : index
    %swap3A_209 = tpu.vector_load %arg15[%swap3A_208] {strides = array<i32>} : memref<256xi32, #tpu.memory_space<vmem>>, vector<16xi32>,
    tpu.vector_store %arg15[%swap3A_208], %scan3A_193#11 {strides = array<i32>} : memref<256xi32, #tpu.memory_space<vmem>>, vector<16xi32>,
    %swap3A_210 = arith.constant 64 : index
    %swap3A_211 = tpu.vector_load %arg14[%swap3A_210] {strides = array<i32>} : memref<256xf32, #tpu.memory_space<vmem>>, vector<16xf32>,
    tpu.vector_store %arg14[%swap3A_210], %scan3A_193#4 {strides = array<i32>} : memref<256xf32, #tpu.memory_space<vmem>>, vector<16xf32>,
    %swap3A_212 = arith.constant 64 : index
    %swap3A_213 = tpu.vector_load %arg15[%swap3A_212] {strides = array<i32>} : memref<256xi32, #tpu.memory_space<vmem>>, vector<16xi32>,
    tpu.vector_store %arg15[%swap3A_212], %scan3A_193#12 {strides = array<i32>} : memref<256xi32, #tpu.memory_space<vmem>>, vector<16xi32>,
    %swap3A_214 = arith.constant 80 : index
    %swap3A_215 = tpu.vector_load %arg14[%swap3A_214] {strides = array<i32>} : memref<256xf32, #tpu.memory_space<vmem>>, vector<16xf32>,
    tpu.vector_store %arg14[%swap3A_214], %scan3A_193#5 {strides = array<i32>} : memref<256xf32, #tpu.memory_space<vmem>>, vector<16xf32>,
    %swap3A_216 = arith.constant 80 : index
    %swap3A_217 = tpu.vector_load %arg15[%swap3A_216] {strides = array<i32>} : memref<256xi32, #tpu.memory_space<vmem>>, vector<16xi32>,
    tpu.vector_store %arg15[%swap3A_216], %scan3A_193#13 {strides = array<i32>} : memref<256xi32, #tpu.memory_space<vmem>>, vector<16xi32>,
    %swap3A_218 = arith.constant 96 : index
    %swap3A_219 = tpu.vector_load %arg14[%swap3A_218] {strides = array<i32>} : memref<256xf32, #tpu.memory_space<vmem>>, vector<16xf32>,
    tpu.vector_store %arg14[%swap3A_218], %scan3A_193#6 {strides = array<i32>} : memref<256xf32, #tpu.memory_space<vmem>>, vector<16xf32>,
    %swap3A_220 = arith.constant 96 : index
    %swap3A_221 = tpu.vector_load %arg15[%swap3A_220] {strides = array<i32>} : memref<256xi32, #tpu.memory_space<vmem>>, vector<16xi32>,
    tpu.vector_store %arg15[%swap3A_220], %scan3A_193#14 {strides = array<i32>} : memref<256xi32, #tpu.memory_space<vmem>>, vector<16xi32>,
    %swap3A_222 = arith.constant 112 : index
    %swap3A_223 = tpu.vector_load %arg14[%swap3A_222] {strides = array<i32>} : memref<256xf32, #tpu.memory_space<vmem>>, vector<16xf32>,
    tpu.vector_store %arg14[%swap3A_222], %scan3A_193#7 {strides = array<i32>} : memref<256xf32, #tpu.memory_space<vmem>>, vector<16xf32>,
    %swap3A_224 = arith.constant 112 : index
    %swap3A_225 = tpu.vector_load %arg15[%swap3A_224] {strides = array<i32>} : memref<256xi32, #tpu.memory_space<vmem>>, vector<16xi32>,
    tpu.vector_store %arg15[%swap3A_224], %scan3A_193#15 {strides = array<i32>} : memref<256xi32, #tpu.memory_space<vmem>>, vector<16xi32>,
    %mul3A_226 = arith.constant 8 : i32
    %mul3A_227 = arith.muli %arg1, %mul3A_226 : i32
    %mul3A_228 = arith.constant 16 : i32
    %mul3A_229 = arith.muli %mul3A_227, %mul3A_228 : i32
    "tpu.region"() ({
      %run_scoped3A = tpu.sem_alloc : memref<!tpu.dma_semaphore, #tpu.memory_space<semaphore_mem>>
      %dma_start3A_243 = arith.constant 0 : i32
      %dma_start3A_244 = tpu.memref_slice %arg14[%dma_start3A_243] : memref<256xf32, #tpu.memory_space<vmem>> -> memref<128xf32, #tpu.memory_space<vmem>>
      %dma_start3A_245 = tpu.memref_slice %arg24[%mul3A_229] : memref<2048xf32, #tpu.memory_space<vmem_shared>> -> memref<128xf32, #tpu.memory_space<vmem_shared>>
      %dma_start3A_246 = tpu.memref_slice %arg24[%mul3A_229] : memref<2048xf32, #tpu.memory_space<vmem_shared>> -> memref<128xf32, #tpu.memory_space<vmem_shared>>
      %dma_start3A_247 = arith.constant 0 : i32
      %dma_start3A_248 = tpu.memref_slice %arg14[%dma_start3A_247] : memref<256xf32, #tpu.memory_space<vmem>> -> memref<128xf32, #tpu.memory_space<vmem>>
      tpu.enqueue_dma source(%dma_start3A_248 : memref<128xf32, #tpu.memory_space<vmem>>) target(%dma_start3A_246 : memref<128xf32, #tpu.memory_space<vmem_shared>>) target_semaphore(%run_scoped3A : memref<!tpu.dma_semaphore, #tpu.memory_space<semaphore_mem>>)
      %dma_wait3A_249 = arith.constant 0 : i32
      %dma_wait3A_250 = tpu.memref_slice %arg14[%dma_wait3A_249] : memref<256xf32, #tpu.memory_space<vmem>> -> memref<128xf32, #tpu.memory_space<vmem>>
      %dma_wait3A_251 = tpu.memref_slice %arg24[%mul3A_229] : memref<2048xf32, #tpu.memory_space<vmem_shared>> -> memref<128xf32, #tpu.memory_space<vmem_shared>>
      %dma_wait3A_252 = tpu.memref_slice %arg24[%mul3A_229] : memref<2048xf32, #tpu.memory_space<vmem_shared>> -> memref<128xf32, #tpu.memory_space<vmem_shared>>
      %dma_wait3A_253 = arith.constant 0 : i32
      %dma_wait3A_254 = tpu.memref_slice %arg14[%dma_wait3A_253] : memref<256xf32, #tpu.memory_space<vmem>> -> memref<128xf32, #tpu.memory_space<vmem>>
      tpu.wait_dma2 semaphore(%run_scoped3A : memref<!tpu.dma_semaphore, #tpu.memory_space<semaphore_mem>>) src(%dma_wait3A_254 : memref<128xf32, #tpu.memory_space<vmem>>) dst(%dma_wait3A_252 : memref<128xf32, #tpu.memory_space<vmem_shared>>)
      tpu.yield
    }) : () -> ()
    %mul3A_230 = arith.constant 8 : i32
    %mul3A_231 = arith.muli %arg1, %mul3A_230 : i32
    %mul3A_232 = arith.constant 16 : i32
    %mul3A_233 = arith.muli %mul3A_231, %mul3A_232 : i32
    "tpu.region"() ({
      %run_scoped3A = tpu.sem_alloc : memref<!tpu.dma_semaphore, #tpu.memory_space<semaphore_mem>>
      %dma_start3A_243 = arith.constant 0 : i32
      %dma_start3A_244 = tpu.memref_slice %arg15[%dma_start3A_243] : memref<256xi32, #tpu.memory_space<vmem>> -> memref<128xi32, #tpu.memory_space<vmem>>
      %dma_start3A_245 = tpu.memref_slice %arg25[%mul3A_233] : memref<2048xi32, #tpu.memory_space<vmem_shared>> -> memref<128xi32, #tpu.memory_space<vmem_shared>>
      %dma_start3A_246 = tpu.memref_slice %arg25[%mul3A_233] : memref<2048xi32, #tpu.memory_space<vmem_shared>> -> memref<128xi32, #tpu.memory_space<vmem_shared>>
      %dma_start3A_247 = arith.constant 0 : i32
      %dma_start3A_248 = tpu.memref_slice %arg15[%dma_start3A_247] : memref<256xi32, #tpu.memory_space<vmem>> -> memref<128xi32, #tpu.memory_space<vmem>>
      tpu.enqueue_dma source(%dma_start3A_248 : memref<128xi32, #tpu.memory_space<vmem>>) target(%dma_start3A_246 : memref<128xi32, #tpu.memory_space<vmem_shared>>) target_semaphore(%run_scoped3A : memref<!tpu.dma_semaphore, #tpu.memory_space<semaphore_mem>>)
      %dma_wait3A_249 = arith.constant 0 : i32
      %dma_wait3A_250 = tpu.memref_slice %arg15[%dma_wait3A_249] : memref<256xi32, #tpu.memory_space<vmem>> -> memref<128xi32, #tpu.memory_space<vmem>>
      %dma_wait3A_251 = tpu.memref_slice %arg25[%mul3A_233] : memref<2048xi32, #tpu.memory_space<vmem_shared>> -> memref<128xi32, #tpu.memory_space<vmem_shared>>
      %dma_wait3A_252 = tpu.memref_slice %arg25[%mul3A_233] : memref<2048xi32, #tpu.memory_space<vmem_shared>> -> memref<128xi32, #tpu.memory_space<vmem_shared>>
      %dma_wait3A_253 = arith.constant 0 : i32
      %dma_wait3A_254 = tpu.memref_slice %arg15[%dma_wait3A_253] : memref<256xi32, #tpu.memory_space<vmem>> -> memref<128xi32, #tpu.memory_space<vmem>>
      tpu.wait_dma2 semaphore(%run_scoped3A : memref<!tpu.dma_semaphore, #tpu.memory_space<semaphore_mem>>) src(%dma_wait3A_254 : memref<128xi32, #tpu.memory_space<vmem>>) dst(%dma_wait3A_252 : memref<128xi32, #tpu.memory_space<vmem_shared>>)
      tpu.yield
    }) : () -> ()
    %barrier3A = arith.constant 0 : index
    tpu.barrier barrier_id(%barrier3A)
    %eq3A_234 = arith.constant 0 : i32
    %eq3A_235 = arith.cmpi eq, %select_n3A_30, %eq3A_234 : i32
    %convert_element_type3A = arith.extui %eq3A_235 : i1 to i32
    %cond3A = arith.constant 0 : i32
    %cond3A_236 = arith.cmpi ne, %convert_element_type3A, %cond3A : i32
    scf.if %cond3A_236 {
      %add3A_243 = arith.constant 1 : i32
      %add3A_244 = arith.addi %arg1, %add3A_243 : i32
      %mul3A_245 = arith.constant 8 : i32
      %mul3A_246 = arith.muli %add3A_244, %mul3A_245 : i32
      %mul3A_247 = arith.constant 16 : i32
      %mul3A_248 = arith.muli %mul3A_246, %mul3A_247 : i32
      "tpu.region"() ({
        %run_scoped3A = tpu.sem_alloc : memref<!tpu.dma_semaphore, #tpu.memory_space<semaphore_mem>>
        %dma_start3A_433 = arith.constant 128 : i32
        %dma_start3A_434 = tpu.memref_slice %arg14[%dma_start3A_433] : memref<256xf32, #tpu.memory_space<vmem>> -> memref<128xf32, #tpu.memory_space<vmem>>
        %dma_start3A_435 = tpu.memref_slice %arg24[%mul3A_248] : memref<2048xf32, #tpu.memory_space<vmem_shared>> -> memref<128xf32, #tpu.memory_space<vmem_shared>>
        %dma_start3A_436 = arith.constant 128 : i32
        %dma_start3A_437 = tpu.memref_slice %arg14[%dma_start3A_436] : memref<256xf32, #tpu.memory_space<vmem>> -> memref<128xf32, #tpu.memory_space<vmem>>
        %dma_start3A_438 = tpu.memref_slice %arg24[%mul3A_248] : memref<2048xf32, #tpu.memory_space<vmem_shared>> -> memref<128xf32, #tpu.memory_space<vmem_shared>>
        tpu.enqueue_dma source(%dma_start3A_438 : memref<128xf32, #tpu.memory_space<vmem_shared>>) target(%dma_start3A_437 : memref<128xf32, #tpu.memory_space<vmem>>) target_semaphore(%run_scoped3A : memref<!tpu.dma_semaphore, #tpu.memory_space<semaphore_mem>>)
        %dma_wait3A_439 = arith.constant 128 : i32
        %dma_wait3A_440 = tpu.memref_slice %arg14[%dma_wait3A_439] : memref<256xf32, #tpu.memory_space<vmem>> -> memref<128xf32, #tpu.memory_space<vmem>>
        %dma_wait3A_441 = tpu.memref_slice %arg24[%mul3A_248] : memref<2048xf32, #tpu.memory_space<vmem_shared>> -> memref<128xf32, #tpu.memory_space<vmem_shared>>
        %dma_wait3A_442 = arith.constant 128 : i32
        %dma_wait3A_443 = tpu.memref_slice %arg14[%dma_wait3A_442] : memref<256xf32, #tpu.memory_space<vmem>> -> memref<128xf32, #tpu.memory_space<vmem>>
        %dma_wait3A_444 = tpu.memref_slice %arg24[%mul3A_248] : memref<2048xf32, #tpu.memory_space<vmem_shared>> -> memref<128xf32, #tpu.memory_space<vmem_shared>>
        tpu.wait_dma2 semaphore(%run_scoped3A : memref<!tpu.dma_semaphore, #tpu.memory_space<semaphore_mem>>) src(%dma_wait3A_444 : memref<128xf32, #tpu.memory_space<vmem_shared>>) dst(%dma_wait3A_443 : memref<128xf32, #tpu.memory_space<vmem>>)
        tpu.yield
      }) : () -> ()
      %add3A_249 = arith.constant 1 : i32
      %add3A_250 = arith.addi %arg1, %add3A_249 : i32
      %mul3A_251 = arith.constant 8 : i32
      %mul3A_252 = arith.muli %add3A_250, %mul3A_251 : i32
      %mul3A_253 = arith.constant 16 : i32
      %mul3A_254 = arith.muli %mul3A_252, %mul3A_253 : i32
      "tpu.region"() ({
        %run_scoped3A = tpu.sem_alloc : memref<!tpu.dma_semaphore, #tpu.memory_space<semaphore_mem>>
        %dma_start3A_433 = arith.constant 128 : i32
        %dma_start3A_434 = tpu.memref_slice %arg15[%dma_start3A_433] : memref<256xi32, #tpu.memory_space<vmem>> -> memref<128xi32, #tpu.memory_space<vmem>>
        %dma_start3A_435 = tpu.memref_slice %arg25[%mul3A_254] : memref<2048xi32, #tpu.memory_space<vmem_shared>> -> memref<128xi32, #tpu.memory_space<vmem_shared>>
        %dma_start3A_436 = arith.constant 128 : i32
        %dma_start3A_437 = tpu.memref_slice %arg15[%dma_start3A_436] : memref<256xi32, #tpu.memory_space<vmem>> -> memref<128xi32, #tpu.memory_space<vmem>>
        %dma_start3A_438 = tpu.memref_slice %arg25[%mul3A_254] : memref<2048xi32, #tpu.memory_space<vmem_shared>> -> memref<128xi32, #tpu.memory_space<vmem_shared>>
        tpu.enqueue_dma source(%dma_start3A_438 : memref<128xi32, #tpu.memory_space<vmem_shared>>) target(%dma_start3A_437 : memref<128xi32, #tpu.memory_space<vmem>>) target_semaphore(%run_scoped3A : memref<!tpu.dma_semaphore, #tpu.memory_space<semaphore_mem>>)
        %dma_wait3A_439 = arith.constant 128 : i32
        %dma_wait3A_440 = tpu.memref_slice %arg15[%dma_wait3A_439] : memref<256xi32, #tpu.memory_space<vmem>> -> memref<128xi32, #tpu.memory_space<vmem>>
        %dma_wait3A_441 = tpu.memref_slice %arg25[%mul3A_254] : memref<2048xi32, #tpu.memory_space<vmem_shared>> -> memref<128xi32, #tpu.memory_space<vmem_shared>>
        %dma_wait3A_442 = arith.constant 128 : i32
        %dma_wait3A_443 = tpu.memref_slice %arg15[%dma_wait3A_442] : memref<256xi32, #tpu.memory_space<vmem>> -> memref<128xi32, #tpu.memory_space<vmem>>
        %dma_wait3A_444 = tpu.memref_slice %arg25[%mul3A_254] : memref<2048xi32, #tpu.memory_space<vmem_shared>> -> memref<128xi32, #tpu.memory_space<vmem_shared>>
        tpu.wait_dma2 semaphore(%run_scoped3A : memref<!tpu.dma_semaphore, #tpu.memory_space<semaphore_mem>>) src(%dma_wait3A_444 : memref<128xi32, #tpu.memory_space<vmem_shared>>) dst(%dma_wait3A_443 : memref<128xi32, #tpu.memory_space<vmem>>)
        tpu.yield
      }) : () -> ()
      %get3A_255 = arith.constant 0 : index
      %get3A_256 = tpu.vector_load %arg14[%get3A_255] {strides = array<i32>} : memref<256xf32, #tpu.memory_space<vmem>>, vector<16xf32>,
      %get3A_257 = arith.constant 16 : index
      %get3A_258 = tpu.vector_load %arg14[%get3A_257] {strides = array<i32>} : memref<256xf32, #tpu.memory_space<vmem>>, vector<16xf32>,
      %get3A_259 = arith.constant 32 : index
      %get3A_260 = tpu.vector_load %arg14[%get3A_259] {strides = array<i32>} : memref<256xf32, #tpu.memory_space<vmem>>, vector<16xf32>,
      %get3A_261 = arith.constant 48 : index
      %get3A_262 = tpu.vector_load %arg14[%get3A_261] {strides = array<i32>} : memref<256xf32, #tpu.memory_space<vmem>>, vector<16xf32>,
      %get3A_263 = arith.constant 64 : index
      %get3A_264 = tpu.vector_load %arg14[%get3A_263] {strides = array<i32>} : memref<256xf32, #tpu.memory_space<vmem>>, vector<16xf32>,
      %get3A_265 = arith.constant 80 : index
      %get3A_266 = tpu.vector_load %arg14[%get3A_265] {strides = array<i32>} : memref<256xf32, #tpu.memory_space<vmem>>, vector<16xf32>,
      %get3A_267 = arith.constant 96 : index
      %get3A_268 = tpu.vector_load %arg14[%get3A_267] {strides = array<i32>} : memref<256xf32, #tpu.memory_space<vmem>>, vector<16xf32>,
      %get3A_269 = arith.constant 112 : index
      %get3A_270 = tpu.vector_load %arg14[%get3A_269] {strides = array<i32>} : memref<256xf32, #tpu.memory_space<vmem>>, vector<16xf32>,
      %get3A_271 = arith.constant 128 : index
      %get3A_272 = tpu.vector_load %arg14[%get3A_271] {strides = array<i32>} : memref<256xf32, #tpu.memory_space<vmem>>, vector<16xf32>,
      %get3A_273 = arith.constant 144 : index
      %get3A_274 = tpu.vector_load %arg14[%get3A_273] {strides = array<i32>} : memref<256xf32, #tpu.memory_space<vmem>>, vector<16xf32>,
      %get3A_275 = arith.constant 160 : index
      %get3A_276 = tpu.vector_load %arg14[%get3A_275] {strides = array<i32>} : memref<256xf32, #tpu.memory_space<vmem>>, vector<16xf32>,
      %get3A_277 = arith.constant 176 : index
      %get3A_278 = tpu.vector_load %arg14[%get3A_277] {strides = array<i32>} : memref<256xf32, #tpu.memory_space<vmem>>, vector<16xf32>,
      %get3A_279 = arith.constant 192 : index
      %get3A_280 = tpu.vector_load %arg14[%get3A_279] {strides = array<i32>} : memref<256xf32, #tpu.memory_space<vmem>>, vector<16xf32>,
      %get3A_281 = arith.constant 208 : index
      %get3A_282 = tpu.vector_load %arg14[%get3A_281] {strides = array<i32>} : memref<256xf32, #tpu.memory_space<vmem>>, vector<16xf32>,
      %get3A_283 = arith.constant 224 : index
      %get3A_284 = tpu.vector_load %arg14[%get3A_283] {strides = array<i32>} : memref<256xf32, #tpu.memory_space<vmem>>, vector<16xf32>,
      %get3A_285 = arith.constant 240 : index
      %get3A_286 = tpu.vector_load %arg14[%get3A_285] {strides = array<i32>} : memref<256xf32, #tpu.memory_space<vmem>>, vector<16xf32>,
      %get3A_287 = arith.constant 0 : index
      %get3A_288 = tpu.vector_load %arg15[%get3A_287] {strides = array<i32>} : memref<256xi32, #tpu.memory_space<vmem>>, vector<16xi32>,
      %get3A_289 = arith.constant 16 : index
      %get3A_290 = tpu.vector_load %arg15[%get3A_289] {strides = array<i32>} : memref<256xi32, #tpu.memory_space<vmem>>, vector<16xi32>,
      %get3A_291 = arith.constant 32 : index
      %get3A_292 = tpu.vector_load %arg15[%get3A_291] {strides = array<i32>} : memref<256xi32, #tpu.memory_space<vmem>>, vector<16xi32>,
      %get3A_293 = arith.constant 48 : index
      %get3A_294 = tpu.vector_load %arg15[%get3A_293] {strides = array<i32>} : memref<256xi32, #tpu.memory_space<vmem>>, vector<16xi32>,
      %get3A_295 = arith.constant 64 : index
      %get3A_296 = tpu.vector_load %arg15[%get3A_295] {strides = array<i32>} : memref<256xi32, #tpu.memory_space<vmem>>, vector<16xi32>,
      %get3A_297 = arith.constant 80 : index
      %get3A_298 = tpu.vector_load %arg15[%get3A_297] {strides = array<i32>} : memref<256xi32, #tpu.memory_space<vmem>>, vector<16xi32>,
      %get3A_299 = arith.constant 96 : index
      %get3A_300 = tpu.vector_load %arg15[%get3A_299] {strides = array<i32>} : memref<256xi32, #tpu.memory_space<vmem>>, vector<16xi32>,
      %get3A_301 = arith.constant 112 : index
      %get3A_302 = tpu.vector_load %arg15[%get3A_301] {strides = array<i32>} : memref<256xi32, #tpu.memory_space<vmem>>, vector<16xi32>,
      %get3A_303 = arith.constant 128 : index
      %get3A_304 = tpu.vector_load %arg15[%get3A_303] {strides = array<i32>} : memref<256xi32, #tpu.memory_space<vmem>>, vector<16xi32>,
      %get3A_305 = arith.constant 144 : index
      %get3A_306 = tpu.vector_load %arg15[%get3A_305] {strides = array<i32>} : memref<256xi32, #tpu.memory_space<vmem>>, vector<16xi32>,
      %get3A_307 = arith.constant 160 : index
      %get3A_308 = tpu.vector_load %arg15[%get3A_307] {strides = array<i32>} : memref<256xi32, #tpu.memory_space<vmem>>, vector<16xi32>,
      %get3A_309 = arith.constant 176 : index
      %get3A_310 = tpu.vector_load %arg15[%get3A_309] {strides = array<i32>} : memref<256xi32, #tpu.memory_space<vmem>>, vector<16xi32>,
      %get3A_311 = arith.constant 192 : index
      %get3A_312 = tpu.vector_load %arg15[%get3A_311] {strides = array<i32>} : memref<256xi32, #tpu.memory_space<vmem>>, vector<16xi32>,
      %get3A_313 = arith.constant 208 : index
      %get3A_314 = tpu.vector_load %arg15[%get3A_313] {strides = array<i32>} : memref<256xi32, #tpu.memory_space<vmem>>, vector<16xi32>,
      %get3A_315 = arith.constant 224 : index
      %get3A_316 = tpu.vector_load %arg15[%get3A_315] {strides = array<i32>} : memref<256xi32, #tpu.memory_space<vmem>>, vector<16xi32>,
      %get3A_317 = arith.constant 240 : index
      %get3A_318 = tpu.vector_load %arg15[%get3A_317] {strides = array<i32>} : memref<256xi32, #tpu.memory_space<vmem>>, vector<16xi32>,
      %broadcast_in_dim3A_319 = arith.constant 0 : i32
      %broadcast_in_dim3A_320 = vector.broadcast %broadcast_in_dim3A_319 : i32 to vector<16xi32>
      %scan3A_321 = arith.constant 0 : i32
      %scan3A_322 = arith.constant 8 : i32
      %scan3A_323 = arith.addi %scan3A_321, %scan3A_322 : i32
      %scan3A_324 = arith.constant 1 : i32
      %scan3A_325:18 = scf.for %scan3A_433 = %scan3A_321 to %scan3A_323 step %scan3A_324 iter_args(%scan3A_434 = %broadcast_in_dim3A_31, %scan3A_435 = %broadcast_in_dim3A_320, %scan3A_436 = %get3A_256, %scan3A_437 = %get3A_258, %scan3A_438 = %get3A_260, %scan3A_439 = %get3A_262, %scan3A_440 = %get3A_264, %scan3A_441 = %get3A_266, %scan3A_442 = %get3A_268, %scan3A_443 = %get3A_270, %scan3A_444 = %get3A_272, %scan3A_445 = %get3A_274, %scan3A_446 = %get3A_276, %scan3A_447 = %get3A_278, %scan3A_448 = %get3A_280, %scan3A_449 = %get3A_282, %scan3A_450 = %get3A_284, %scan3A_451 = %get3A_286) -> (vector<16xf32>, vector<16xi32>, vector<16xf32>, vector<16xf32>, vector<16xf32>, vector<16xf32>, vector<16xf32>, vector<16xf32>, vector<16xf32>, vector<16xf32>, vector<16xf32>, vector<16xf32>, vector<16xf32>, vector<16xf32>, vector<16xf32>, vector<16xf32>, vector<16xf32>, vector<16xf32>)  : i32 {
        %max3A = arith.maximumf %scan3A_436, %scan3A_437 : vector<16xf32>
        %max3A_452 = arith.maximumf %max3A, %scan3A_438 : vector<16xf32>
        %max3A_453 = arith.maximumf %max3A_452, %scan3A_439 : vector<16xf32>
        %max3A_454 = arith.maximumf %max3A_453, %scan3A_440 : vector<16xf32>
        %max3A_455 = arith.maximumf %max3A_454, %scan3A_441 : vector<16xf32>
        %max3A_456 = arith.maximumf %max3A_455, %scan3A_442 : vector<16xf32>
        %max3A_457 = arith.maximumf %max3A_456, %scan3A_443 : vector<16xf32>
        %max3A_458 = arith.maximumf %max3A_457, %scan3A_444 : vector<16xf32>
        %max3A_459 = arith.maximumf %max3A_458, %scan3A_445 : vector<16xf32>
        %max3A_460 = arith.maximumf %max3A_459, %scan3A_446 : vector<16xf32>
        %max3A_461 = arith.maximumf %max3A_460, %scan3A_447 : vector<16xf32>
        %max3A_462 = arith.maximumf %max3A_461, %scan3A_448 : vector<16xf32>
        %max3A_463 = arith.maximumf %max3A_462, %scan3A_449 : vector<16xf32>
        %max3A_464 = arith.maximumf %max3A_463, %scan3A_450 : vector<16xf32>
        %max3A_465 = arith.maximumf %max3A_464, %scan3A_451 : vector<16xf32>
        %reduce_max3A = arith.constant true
        %reduce_max3A_466 = vector.broadcast %reduce_max3A : i1 to vector<16xi1>
        %reduce_max3A_467 = tpu.scan <max>, %max3A_465 masked %reduce_max3A_466 : vector<16xf32>, vector<16xi1> -> vector<16xf32>
        %reduce_max3A_468 = vector.extract %reduce_max3A_467[15] : f32 from vector<16xf32>
        %broadcast_in_dim3A_469 = vector.broadcast %reduce_max3A_468 : f32 to vector<16xf32>
        %eq3A_470 = arith.cmpf oeq, %scan3A_436, %broadcast_in_dim3A_469 : vector<16xf32>
        %select_n3A_471 = arith.select %eq3A_470, %get3A_288, %broadcast_in_dim3A_33 : vector<16xi1>, vector<16xi32>
        %min3A = arith.minsi %broadcast_in_dim3A_33, %select_n3A_471 : vector<16xi32>
        %eq3A_472 = arith.cmpf oeq, %scan3A_437, %broadcast_in_dim3A_469 : vector<16xf32>
        %select_n3A_473 = arith.select %eq3A_472, %get3A_290, %broadcast_in_dim3A_33 : vector<16xi1>, vector<16xi32>
        %min3A_474 = arith.minsi %min3A, %select_n3A_473 : vector<16xi32>
        %eq3A_475 = arith.cmpf oeq, %scan3A_438, %broadcast_in_dim3A_469 : vector<16xf32>
        %select_n3A_476 = arith.select %eq3A_475, %get3A_292, %broadcast_in_dim3A_33 : vector<16xi1>, vector<16xi32>
        %min3A_477 = arith.minsi %min3A_474, %select_n3A_476 : vector<16xi32>
        %eq3A_478 = arith.cmpf oeq, %scan3A_439, %broadcast_in_dim3A_469 : vector<16xf32>
        %select_n3A_479 = arith.select %eq3A_478, %get3A_294, %broadcast_in_dim3A_33 : vector<16xi1>, vector<16xi32>
        %min3A_480 = arith.minsi %min3A_477, %select_n3A_479 : vector<16xi32>
        %eq3A_481 = arith.cmpf oeq, %scan3A_440, %broadcast_in_dim3A_469 : vector<16xf32>
        %select_n3A_482 = arith.select %eq3A_481, %get3A_296, %broadcast_in_dim3A_33 : vector<16xi1>, vector<16xi32>
        %min3A_483 = arith.minsi %min3A_480, %select_n3A_482 : vector<16xi32>
        %eq3A_484 = arith.cmpf oeq, %scan3A_441, %broadcast_in_dim3A_469 : vector<16xf32>
        %select_n3A_485 = arith.select %eq3A_484, %get3A_298, %broadcast_in_dim3A_33 : vector<16xi1>, vector<16xi32>
        %min3A_486 = arith.minsi %min3A_483, %select_n3A_485 : vector<16xi32>
        %eq3A_487 = arith.cmpf oeq, %scan3A_442, %broadcast_in_dim3A_469 : vector<16xf32>
        %select_n3A_488 = arith.select %eq3A_487, %get3A_300, %broadcast_in_dim3A_33 : vector<16xi1>, vector<16xi32>
        %min3A_489 = arith.minsi %min3A_486, %select_n3A_488 : vector<16xi32>
        %eq3A_490 = arith.cmpf oeq, %scan3A_443, %broadcast_in_dim3A_469 : vector<16xf32>
        %select_n3A_491 = arith.select %eq3A_490, %get3A_302, %broadcast_in_dim3A_33 : vector<16xi1>, vector<16xi32>
        %min3A_492 = arith.minsi %min3A_489, %select_n3A_491 : vector<16xi32>
        %eq3A_493 = arith.cmpf oeq, %scan3A_444, %broadcast_in_dim3A_469 : vector<16xf32>
        %select_n3A_494 = arith.select %eq3A_493, %get3A_304, %broadcast_in_dim3A_33 : vector<16xi1>, vector<16xi32>
        %min3A_495 = arith.minsi %min3A_492, %select_n3A_494 : vector<16xi32>
        %eq3A_496 = arith.cmpf oeq, %scan3A_445, %broadcast_in_dim3A_469 : vector<16xf32>
        %select_n3A_497 = arith.select %eq3A_496, %get3A_306, %broadcast_in_dim3A_33 : vector<16xi1>, vector<16xi32>
        %min3A_498 = arith.minsi %min3A_495, %select_n3A_497 : vector<16xi32>
        %eq3A_499 = arith.cmpf oeq, %scan3A_446, %broadcast_in_dim3A_469 : vector<16xf32>
        %select_n3A_500 = arith.select %eq3A_499, %get3A_308, %broadcast_in_dim3A_33 : vector<16xi1>, vector<16xi32>
        %min3A_501 = arith.minsi %min3A_498, %select_n3A_500 : vector<16xi32>
        %eq3A_502 = arith.cmpf oeq, %scan3A_447, %broadcast_in_dim3A_469 : vector<16xf32>
        %select_n3A_503 = arith.select %eq3A_502, %get3A_310, %broadcast_in_dim3A_33 : vector<16xi1>, vector<16xi32>
        %min3A_504 = arith.minsi %min3A_501, %select_n3A_503 : vector<16xi32>
        %eq3A_505 = arith.cmpf oeq, %scan3A_448, %broadcast_in_dim3A_469 : vector<16xf32>
        %select_n3A_506 = arith.select %eq3A_505, %get3A_312, %broadcast_in_dim3A_33 : vector<16xi1>, vector<16xi32>
        %min3A_507 = arith.minsi %min3A_504, %select_n3A_506 : vector<16xi32>
        %eq3A_508 = arith.cmpf oeq, %scan3A_449, %broadcast_in_dim3A_469 : vector<16xf32>
        %select_n3A_509 = arith.select %eq3A_508, %get3A_314, %broadcast_in_dim3A_33 : vector<16xi1>, vector<16xi32>
        %min3A_510 = arith.minsi %min3A_507, %select_n3A_509 : vector<16xi32>
        %eq3A_511 = arith.cmpf oeq, %scan3A_450, %broadcast_in_dim3A_469 : vector<16xf32>
        %select_n3A_512 = arith.select %eq3A_511, %get3A_316, %broadcast_in_dim3A_33 : vector<16xi1>, vector<16xi32>
        %min3A_513 = arith.minsi %min3A_510, %select_n3A_512 : vector<16xi32>
        %eq3A_514 = arith.cmpf oeq, %scan3A_451, %broadcast_in_dim3A_469 : vector<16xf32>
        %select_n3A_515 = arith.select %eq3A_514, %get3A_318, %broadcast_in_dim3A_33 : vector<16xi1>, vector<16xi32>
        %min3A_516 = arith.minsi %min3A_513, %select_n3A_515 : vector<16xi32>
        %reduce_min3A = arith.constant true
        %reduce_min3A_517 = vector.broadcast %reduce_min3A : i1 to vector<16xi1>
        %reduce_min3A_518 = arith.constant -2147483648 : i32
        %reduce_min3A_519 = vector.broadcast %reduce_min3A_518 : i32 to vector<16xi32>
        %reduce_min3A_520 = arith.xori %min3A_516, %reduce_min3A_519 : vector<16xi32>
        %reduce_min3A_521 = tpu.scan <min>, %reduce_min3A_520 masked %reduce_min3A_517 : vector<16xi32>, vector<16xi1> -> vector<16xi32>
        %reduce_min3A_522 = arith.xori %reduce_min3A_521, %reduce_min3A_519 : vector<16xi32>
        %reduce_min3A_523 = vector.extract %reduce_min3A_522[15] : i32 from vector<16xi32>
        %broadcast_in_dim3A_524 = vector.broadcast %reduce_min3A_523 : i32 to vector<16xi32>
        %eq3A_525 = arith.cmpf oeq, %scan3A_436, %broadcast_in_dim3A_469 : vector<16xf32>
        %eq3A_526 = arith.cmpi eq, %get3A_288, %broadcast_in_dim3A_524 : vector<16xi32>
        %and3A_527 = arith.andi %eq3A_525, %eq3A_526 : vector<16xi1>
        %select_n3A_528 = arith.select %and3A_527, %broadcast_in_dim3A_31, %scan3A_436 : vector<16xi1>, vector<16xf32>
        %eq3A_529 = arith.cmpf oeq, %scan3A_437, %broadcast_in_dim3A_469 : vector<16xf32>
        %eq3A_530 = arith.cmpi eq, %get3A_290, %broadcast_in_dim3A_524 : vector<16xi32>
        %and3A_531 = arith.andi %eq3A_529, %eq3A_530 : vector<16xi1>
        %select_n3A_532 = arith.select %and3A_531, %broadcast_in_dim3A_31, %scan3A_437 : vector<16xi1>, vector<16xf32>
        %eq3A_533 = arith.cmpf oeq, %scan3A_438, %broadcast_in_dim3A_469 : vector<16xf32>
        %eq3A_534 = arith.cmpi eq, %get3A_292, %broadcast_in_dim3A_524 : vector<16xi32>
        %and3A_535 = arith.andi %eq3A_533, %eq3A_534 : vector<16xi1>
        %select_n3A_536 = arith.select %and3A_535, %broadcast_in_dim3A_31, %scan3A_438 : vector<16xi1>, vector<16xf32>
        %eq3A_537 = arith.cmpf oeq, %scan3A_439, %broadcast_in_dim3A_469 : vector<16xf32>
        %eq3A_538 = arith.cmpi eq, %get3A_294, %broadcast_in_dim3A_524 : vector<16xi32>
        %and3A_539 = arith.andi %eq3A_537, %eq3A_538 : vector<16xi1>
        %select_n3A_540 = arith.select %and3A_539, %broadcast_in_dim3A_31, %scan3A_439 : vector<16xi1>, vector<16xf32>
        %eq3A_541 = arith.cmpf oeq, %scan3A_440, %broadcast_in_dim3A_469 : vector<16xf32>
        %eq3A_542 = arith.cmpi eq, %get3A_296, %broadcast_in_dim3A_524 : vector<16xi32>
        %and3A_543 = arith.andi %eq3A_541, %eq3A_542 : vector<16xi1>
        %select_n3A_544 = arith.select %and3A_543, %broadcast_in_dim3A_31, %scan3A_440 : vector<16xi1>, vector<16xf32>
        %eq3A_545 = arith.cmpf oeq, %scan3A_441, %broadcast_in_dim3A_469 : vector<16xf32>
        %eq3A_546 = arith.cmpi eq, %get3A_298, %broadcast_in_dim3A_524 : vector<16xi32>
        %and3A_547 = arith.andi %eq3A_545, %eq3A_546 : vector<16xi1>
        %select_n3A_548 = arith.select %and3A_547, %broadcast_in_dim3A_31, %scan3A_441 : vector<16xi1>, vector<16xf32>
        %eq3A_549 = arith.cmpf oeq, %scan3A_442, %broadcast_in_dim3A_469 : vector<16xf32>
        %eq3A_550 = arith.cmpi eq, %get3A_300, %broadcast_in_dim3A_524 : vector<16xi32>
        %and3A_551 = arith.andi %eq3A_549, %eq3A_550 : vector<16xi1>
        %select_n3A_552 = arith.select %and3A_551, %broadcast_in_dim3A_31, %scan3A_442 : vector<16xi1>, vector<16xf32>
        %eq3A_553 = arith.cmpf oeq, %scan3A_443, %broadcast_in_dim3A_469 : vector<16xf32>
        %eq3A_554 = arith.cmpi eq, %get3A_302, %broadcast_in_dim3A_524 : vector<16xi32>
        %and3A_555 = arith.andi %eq3A_553, %eq3A_554 : vector<16xi1>
        %select_n3A_556 = arith.select %and3A_555, %broadcast_in_dim3A_31, %scan3A_443 : vector<16xi1>, vector<16xf32>
        %eq3A_557 = arith.cmpf oeq, %scan3A_444, %broadcast_in_dim3A_469 : vector<16xf32>
        %eq3A_558 = arith.cmpi eq, %get3A_304, %broadcast_in_dim3A_524 : vector<16xi32>
        %and3A_559 = arith.andi %eq3A_557, %eq3A_558 : vector<16xi1>
        %select_n3A_560 = arith.select %and3A_559, %broadcast_in_dim3A_31, %scan3A_444 : vector<16xi1>, vector<16xf32>
        %eq3A_561 = arith.cmpf oeq, %scan3A_445, %broadcast_in_dim3A_469 : vector<16xf32>
        %eq3A_562 = arith.cmpi eq, %get3A_306, %broadcast_in_dim3A_524 : vector<16xi32>
        %and3A_563 = arith.andi %eq3A_561, %eq3A_562 : vector<16xi1>
        %select_n3A_564 = arith.select %and3A_563, %broadcast_in_dim3A_31, %scan3A_445 : vector<16xi1>, vector<16xf32>
        %eq3A_565 = arith.cmpf oeq, %scan3A_446, %broadcast_in_dim3A_469 : vector<16xf32>
        %eq3A_566 = arith.cmpi eq, %get3A_308, %broadcast_in_dim3A_524 : vector<16xi32>
        %and3A_567 = arith.andi %eq3A_565, %eq3A_566 : vector<16xi1>
        %select_n3A_568 = arith.select %and3A_567, %broadcast_in_dim3A_31, %scan3A_446 : vector<16xi1>, vector<16xf32>
        %eq3A_569 = arith.cmpf oeq, %scan3A_447, %broadcast_in_dim3A_469 : vector<16xf32>
        %eq3A_570 = arith.cmpi eq, %get3A_310, %broadcast_in_dim3A_524 : vector<16xi32>
        %and3A_571 = arith.andi %eq3A_569, %eq3A_570 : vector<16xi1>
        %select_n3A_572 = arith.select %and3A_571, %broadcast_in_dim3A_31, %scan3A_447 : vector<16xi1>, vector<16xf32>
        %eq3A_573 = arith.cmpf oeq, %scan3A_448, %broadcast_in_dim3A_469 : vector<16xf32>
        %eq3A_574 = arith.cmpi eq, %get3A_312, %broadcast_in_dim3A_524 : vector<16xi32>
        %and3A_575 = arith.andi %eq3A_573, %eq3A_574 : vector<16xi1>
        %select_n3A_576 = arith.select %and3A_575, %broadcast_in_dim3A_31, %scan3A_448 : vector<16xi1>, vector<16xf32>
        %eq3A_577 = arith.cmpf oeq, %scan3A_449, %broadcast_in_dim3A_469 : vector<16xf32>
        %eq3A_578 = arith.cmpi eq, %get3A_314, %broadcast_in_dim3A_524 : vector<16xi32>
        %and3A_579 = arith.andi %eq3A_577, %eq3A_578 : vector<16xi1>
        %select_n3A_580 = arith.select %and3A_579, %broadcast_in_dim3A_31, %scan3A_449 : vector<16xi1>, vector<16xf32>
        %eq3A_581 = arith.cmpf oeq, %scan3A_450, %broadcast_in_dim3A_469 : vector<16xf32>
        %eq3A_582 = arith.cmpi eq, %get3A_316, %broadcast_in_dim3A_524 : vector<16xi32>
        %and3A_583 = arith.andi %eq3A_581, %eq3A_582 : vector<16xi1>
        %select_n3A_584 = arith.select %and3A_583, %broadcast_in_dim3A_31, %scan3A_450 : vector<16xi1>, vector<16xf32>
        %eq3A_585 = arith.cmpf oeq, %scan3A_451, %broadcast_in_dim3A_469 : vector<16xf32>
        %eq3A_586 = arith.cmpi eq, %get3A_318, %broadcast_in_dim3A_524 : vector<16xi32>
        %and3A_587 = arith.andi %eq3A_585, %eq3A_586 : vector<16xi1>
        %select_n3A_588 = arith.select %and3A_587, %broadcast_in_dim3A_31, %scan3A_451 : vector<16xi1>, vector<16xf32>
        %eq3A_589 = vector.broadcast %scan3A_433 : i32 to vector<16xi32>
        %eq3A_590 = arith.cmpi eq, %iota3A, %eq3A_589 : vector<16xi32>
        %select_n3A_591 = arith.select %eq3A_590, %broadcast_in_dim3A_469, %scan3A_434 : vector<16xi1>, vector<16xf32>
        %eq3A_592 = vector.broadcast %scan3A_433 : i32 to vector<16xi32>
        %eq3A_593 = arith.cmpi eq, %iota3A, %eq3A_592 : vector<16xi32>
        %select_n3A_594 = arith.select %eq3A_593, %broadcast_in_dim3A_524, %scan3A_435 : vector<16xi1>, vector<16xi32>
        scf.yield %select_n3A_591, %select_n3A_594, %select_n3A_528, %select_n3A_532, %select_n3A_536, %select_n3A_540, %select_n3A_544, %select_n3A_548, %select_n3A_552, %select_n3A_556, %select_n3A_560, %select_n3A_564, %select_n3A_568, %select_n3A_572, %select_n3A_576, %select_n3A_580, %select_n3A_584, %select_n3A_588 : vector<16xf32>, vector<16xi32>, vector<16xf32>, vector<16xf32>, vector<16xf32>, vector<16xf32>, vector<16xf32>, vector<16xf32>, vector<16xf32>, vector<16xf32>, vector<16xf32>, vector<16xf32>, vector<16xf32>, vector<16xf32>, vector<16xf32>, vector<16xf32>, vector<16xf32>, vector<16xf32>
      }
      %scan3A_326 = arith.constant 8 : i32
      %broadcast_in_dim3A_327 = arith.constant 0 : i32
      %broadcast_in_dim3A_328 = vector.broadcast %broadcast_in_dim3A_327 : i32 to vector<16xi32>
      %ge3A = arith.constant 100000 : i32
      %ge3A_329 = vector.broadcast %ge3A : i32 to vector<16xi32>
      %ge3A_330 = arith.cmpi sge, %scan3A_325#1, %ge3A_329 : vector<16xi32>
      %jit3A_331 = arith.constant 1 : i32
      %jit3A_332 = arith.constant 0 : i32
      %broadcast_in_dim3A_333 = vector.broadcast %jit3A_331 : i32 to vector<16xi32>
      %broadcast_in_dim3A_334 = vector.broadcast %jit3A_332 : i32 to vector<16xi32>
      %select_n3A_335 = arith.select %ge3A_330, %broadcast_in_dim3A_333, %broadcast_in_dim3A_334 : vector<16xi1>, vector<16xi32>
      %add3A_336 = arith.addi %broadcast_in_dim3A_328, %select_n3A_335 : vector<16xi32>
      %ge3A_337 = arith.constant 200000 : i32
      %ge3A_338 = vector.broadcast %ge3A_337 : i32 to vector<16xi32>
      %ge3A_339 = arith.cmpi sge, %scan3A_325#1, %ge3A_338 : vector<16xi32>
      %jit3A_340 = arith.constant 1 : i32
      %jit3A_341 = arith.constant 0 : i32
      %broadcast_in_dim3A_342 = vector.broadcast %jit3A_340 : i32 to vector<16xi32>
      %broadcast_in_dim3A_343 = vector.broadcast %jit3A_341 : i32 to vector<16xi32>
      %select_n3A_344 = arith.select %ge3A_339, %broadcast_in_dim3A_342, %broadcast_in_dim3A_343 : vector<16xi1>, vector<16xi32>
      %add3A_345 = arith.addi %add3A_336, %select_n3A_344 : vector<16xi32>
      %ge3A_346 = arith.constant 300000 : i32
      %ge3A_347 = vector.broadcast %ge3A_346 : i32 to vector<16xi32>
      %ge3A_348 = arith.cmpi sge, %scan3A_325#1, %ge3A_347 : vector<16xi32>
      %jit3A_349 = arith.constant 1 : i32
      %jit3A_350 = arith.constant 0 : i32
      %broadcast_in_dim3A_351 = vector.broadcast %jit3A_349 : i32 to vector<16xi32>
      %broadcast_in_dim3A_352 = vector.broadcast %jit3A_350 : i32 to vector<16xi32>
      %select_n3A_353 = arith.select %ge3A_348, %broadcast_in_dim3A_351, %broadcast_in_dim3A_352 : vector<16xi1>, vector<16xi32>
      %add3A_354 = arith.addi %add3A_345, %select_n3A_353 : vector<16xi32>
      %ge3A_355 = arith.constant 400000 : i32
      %ge3A_356 = vector.broadcast %ge3A_355 : i32 to vector<16xi32>
      %ge3A_357 = arith.cmpi sge, %scan3A_325#1, %ge3A_356 : vector<16xi32>
      %jit3A_358 = arith.constant 1 : i32
      %jit3A_359 = arith.constant 0 : i32
      %broadcast_in_dim3A_360 = vector.broadcast %jit3A_358 : i32 to vector<16xi32>
      %broadcast_in_dim3A_361 = vector.broadcast %jit3A_359 : i32 to vector<16xi32>
      %select_n3A_362 = arith.select %ge3A_357, %broadcast_in_dim3A_360, %broadcast_in_dim3A_361 : vector<16xi1>, vector<16xi32>
      %add3A_363 = arith.addi %add3A_354, %select_n3A_362 : vector<16xi32>
      %ge3A_364 = arith.constant 500000 : i32
      %ge3A_365 = vector.broadcast %ge3A_364 : i32 to vector<16xi32>
      %ge3A_366 = arith.cmpi sge, %scan3A_325#1, %ge3A_365 : vector<16xi32>
      %jit3A_367 = arith.constant 1 : i32
      %jit3A_368 = arith.constant 0 : i32
      %broadcast_in_dim3A_369 = vector.broadcast %jit3A_367 : i32 to vector<16xi32>
      %broadcast_in_dim3A_370 = vector.broadcast %jit3A_368 : i32 to vector<16xi32>
      %select_n3A_371 = arith.select %ge3A_366, %broadcast_in_dim3A_369, %broadcast_in_dim3A_370 : vector<16xi1>, vector<16xi32>
      %add3A_372 = arith.addi %add3A_363, %select_n3A_371 : vector<16xi32>
      %ge3A_373 = arith.constant 600000 : i32
      %ge3A_374 = vector.broadcast %ge3A_373 : i32 to vector<16xi32>
      %ge3A_375 = arith.cmpi sge, %scan3A_325#1, %ge3A_374 : vector<16xi32>
      %jit3A_376 = arith.constant 1 : i32
      %jit3A_377 = arith.constant 0 : i32
      %broadcast_in_dim3A_378 = vector.broadcast %jit3A_376 : i32 to vector<16xi32>
      %broadcast_in_dim3A_379 = vector.broadcast %jit3A_377 : i32 to vector<16xi32>
      %select_n3A_380 = arith.select %ge3A_375, %broadcast_in_dim3A_378, %broadcast_in_dim3A_379 : vector<16xi1>, vector<16xi32>
      %add3A_381 = arith.addi %add3A_372, %select_n3A_380 : vector<16xi32>
      %ge3A_382 = arith.constant 700000 : i32
      %ge3A_383 = vector.broadcast %ge3A_382 : i32 to vector<16xi32>
      %ge3A_384 = arith.cmpi sge, %scan3A_325#1, %ge3A_383 : vector<16xi32>
      %jit3A_385 = arith.constant 1 : i32
      %jit3A_386 = arith.constant 0 : i32
      %broadcast_in_dim3A_387 = vector.broadcast %jit3A_385 : i32 to vector<16xi32>
      %broadcast_in_dim3A_388 = vector.broadcast %jit3A_386 : i32 to vector<16xi32>
      %select_n3A_389 = arith.select %ge3A_384, %broadcast_in_dim3A_387, %broadcast_in_dim3A_388 : vector<16xi1>, vector<16xi32>
      %add3A_390 = arith.addi %add3A_381, %select_n3A_389 : vector<16xi32>
      %mul3A_391 = arith.constant 100000 : i32
      %mul3A_392 = vector.broadcast %mul3A_391 : i32 to vector<16xi32>
      %mul3A_393 = arith.muli %add3A_390, %mul3A_392 : vector<16xi32>
      %sub3A_394 = arith.subi %scan3A_325#1, %mul3A_393 : vector<16xi32>
      %swap3A_395 = arith.constant 0 : index
      %swap3A_396 = tpu.vector_load %arg16[%swap3A_395] {strides = array<i32>} : memref<16xf32, #tpu.memory_space<vmem>>, vector<16xf32>,
      tpu.vector_store %arg16[%swap3A_395], %scan3A_325#0 {strides = array<i32>} : memref<16xf32, #tpu.memory_space<vmem>>, vector<16xf32>,
      %swap3A_397 = arith.constant 0 : index
      %swap3A_398 = tpu.vector_load %arg17[%swap3A_397] {strides = array<i32>} : memref<16xi32, #tpu.memory_space<vmem>>, vector<16xi32>,
      tpu.vector_store %arg17[%swap3A_397], %sub3A_394 {strides = array<i32>} : memref<16xi32, #tpu.memory_space<vmem>>, vector<16xi32>,
      %swap3A_399 = arith.constant 0 : index
      %swap3A_400 = tpu.vector_load %arg18[%swap3A_399] {strides = array<i32>} : memref<16xi32, #tpu.memory_space<vmem>>, vector<16xi32>,
      tpu.vector_store %arg18[%swap3A_399], %add3A_390 {strides = array<i32>} : memref<16xi32, #tpu.memory_space<vmem>>, vector<16xi32>,
      %jit3A_401 = arith.constant 2 : i32
      %div3A_402 = arith.divsi %arg1, %jit3A_401 : i32
      %sign3A_403 = arith.constant 0 : i32
      %sign3A_404 = arith.cmpi sgt, %arg1, %sign3A_403 : i32
      %sign3A_405 = arith.extui %sign3A_404 : i1 to i32
      %sign3A_406 = arith.constant 0 : i32
      %sign3A_407 = arith.cmpi slt, %arg1, %sign3A_406 : i32
      %sign3A_408 = arith.extui %sign3A_407 : i1 to i32
      %sign3A_409 = arith.subi %sign3A_405, %sign3A_408 : i32
      %sign3A_410 = arith.constant 0 : i32
      %sign3A_411 = arith.cmpi sgt, %jit3A_401, %sign3A_410 : i32
      %sign3A_412 = arith.extui %sign3A_411 : i1 to i32
      %sign3A_413 = arith.constant 0 : i32
      %sign3A_414 = arith.cmpi slt, %jit3A_401, %sign3A_413 : i32
      %sign3A_415 = arith.extui %sign3A_414 : i1 to i32
      %sign3A_416 = arith.subi %sign3A_412, %sign3A_415 : i32
      %ne3A_417 = arith.cmpi ne, %sign3A_409, %sign3A_416 : i32
      %rem3A_418 = arith.remsi %arg1, %jit3A_401 : i32
      %ne3A_419 = arith.constant 0 : i32
      %ne3A_420 = arith.cmpi ne, %rem3A_418, %ne3A_419 : i32
      %and3A_421 = arith.andi %ne3A_417, %ne3A_420 : i1
      %sub3A_422 = arith.constant 1 : i32
      %sub3A_423 = arith.subi %div3A_402, %sub3A_422 : i32
      %select_n3A_424 = arith.select %and3A_421, %sub3A_423, %div3A_402 : i32
      %mul3A_425 = arith.constant 8 : i32
      %mul3A_426 = arith.muli %select_n3A_424, %mul3A_425 : i32
      "tpu.region"() ({
        %run_scoped3A = tpu.sem_alloc : memref<!tpu.dma_semaphore, #tpu.memory_space<semaphore_mem>>
        %dma_start3A_433 = arith.constant 0 : i32
        %dma_start3A_434 = tpu.memref_slice %arg16[%dma_start3A_433] : memref<16xf32, #tpu.memory_space<vmem>> -> memref<8xf32, #tpu.memory_space<vmem>>
        %dma_start3A_435 = tpu.memref_slice %arg26[%mul3A_426] : memref<64xf32, #tpu.memory_space<vmem_shared>> -> memref<8xf32, #tpu.memory_space<vmem_shared>>
        %dma_start3A_436 = tpu.memref_slice %arg26[%mul3A_426] : memref<64xf32, #tpu.memory_space<vmem_shared>> -> memref<8xf32, #tpu.memory_space<vmem_shared>>
        %dma_start3A_437 = arith.constant 0 : i32
        %dma_start3A_438 = tpu.memref_slice %arg16[%dma_start3A_437] : memref<16xf32, #tpu.memory_space<vmem>> -> memref<8xf32, #tpu.memory_space<vmem>>
        tpu.enqueue_dma source(%dma_start3A_438 : memref<8xf32, #tpu.memory_space<vmem>>) target(%dma_start3A_436 : memref<8xf32, #tpu.memory_space<vmem_shared>>) target_semaphore(%run_scoped3A : memref<!tpu.dma_semaphore, #tpu.memory_space<semaphore_mem>>)
        %dma_wait3A_439 = arith.constant 0 : i32
        %dma_wait3A_440 = tpu.memref_slice %arg16[%dma_wait3A_439] : memref<16xf32, #tpu.memory_space<vmem>> -> memref<8xf32, #tpu.memory_space<vmem>>
        %dma_wait3A_441 = tpu.memref_slice %arg26[%mul3A_426] : memref<64xf32, #tpu.memory_space<vmem_shared>> -> memref<8xf32, #tpu.memory_space<vmem_shared>>
        %dma_wait3A_442 = tpu.memref_slice %arg26[%mul3A_426] : memref<64xf32, #tpu.memory_space<vmem_shared>> -> memref<8xf32, #tpu.memory_space<vmem_shared>>
        %dma_wait3A_443 = arith.constant 0 : i32
        %dma_wait3A_444 = tpu.memref_slice %arg16[%dma_wait3A_443] : memref<16xf32, #tpu.memory_space<vmem>> -> memref<8xf32, #tpu.memory_space<vmem>>
        tpu.wait_dma2 semaphore(%run_scoped3A : memref<!tpu.dma_semaphore, #tpu.memory_space<semaphore_mem>>) src(%dma_wait3A_444 : memref<8xf32, #tpu.memory_space<vmem>>) dst(%dma_wait3A_442 : memref<8xf32, #tpu.memory_space<vmem_shared>>)
        tpu.yield
      }) : () -> ()
      %mul3A_427 = arith.constant 8 : i32
      %mul3A_428 = arith.muli %select_n3A_424, %mul3A_427 : i32
      "tpu.region"() ({
        %run_scoped3A = tpu.sem_alloc : memref<!tpu.dma_semaphore, #tpu.memory_space<semaphore_mem>>
        %dma_start3A_433 = arith.constant 0 : i32
        %dma_start3A_434 = tpu.memref_slice %arg17[%dma_start3A_433] : memref<16xi32, #tpu.memory_space<vmem>> -> memref<8xi32, #tpu.memory_space<vmem>>
        %dma_start3A_435 = tpu.memref_slice %arg27[%mul3A_428] : memref<128xi32, #tpu.memory_space<vmem_shared>> -> memref<8xi32, #tpu.memory_space<vmem_shared>>
        %dma_start3A_436 = tpu.memref_slice %arg27[%mul3A_428] : memref<128xi32, #tpu.memory_space<vmem_shared>> -> memref<8xi32, #tpu.memory_space<vmem_shared>>
        %dma_start3A_437 = arith.constant 0 : i32
        %dma_start3A_438 = tpu.memref_slice %arg17[%dma_start3A_437] : memref<16xi32, #tpu.memory_space<vmem>> -> memref<8xi32, #tpu.memory_space<vmem>>
        tpu.enqueue_dma source(%dma_start3A_438 : memref<8xi32, #tpu.memory_space<vmem>>) target(%dma_start3A_436 : memref<8xi32, #tpu.memory_space<vmem_shared>>) target_semaphore(%run_scoped3A : memref<!tpu.dma_semaphore, #tpu.memory_space<semaphore_mem>>)
        %dma_wait3A_439 = arith.constant 0 : i32
        %dma_wait3A_440 = tpu.memref_slice %arg17[%dma_wait3A_439] : memref<16xi32, #tpu.memory_space<vmem>> -> memref<8xi32, #tpu.memory_space<vmem>>
        %dma_wait3A_441 = tpu.memref_slice %arg27[%mul3A_428] : memref<128xi32, #tpu.memory_space<vmem_shared>> -> memref<8xi32, #tpu.memory_space<vmem_shared>>
        %dma_wait3A_442 = tpu.memref_slice %arg27[%mul3A_428] : memref<128xi32, #tpu.memory_space<vmem_shared>> -> memref<8xi32, #tpu.memory_space<vmem_shared>>
        %dma_wait3A_443 = arith.constant 0 : i32
        %dma_wait3A_444 = tpu.memref_slice %arg17[%dma_wait3A_443] : memref<16xi32, #tpu.memory_space<vmem>> -> memref<8xi32, #tpu.memory_space<vmem>>
        tpu.wait_dma2 semaphore(%run_scoped3A : memref<!tpu.dma_semaphore, #tpu.memory_space<semaphore_mem>>) src(%dma_wait3A_444 : memref<8xi32, #tpu.memory_space<vmem>>) dst(%dma_wait3A_442 : memref<8xi32, #tpu.memory_space<vmem_shared>>)
        tpu.yield
      }) : () -> ()
      %mul3A_429 = arith.constant 8 : i32
      %mul3A_430 = arith.muli %select_n3A_424, %mul3A_429 : i32
      %add3A_431 = arith.constant 64 : i32
      %add3A_432 = arith.addi %add3A_431, %mul3A_430 : i32
      "tpu.region"() ({
        %run_scoped3A = tpu.sem_alloc : memref<!tpu.dma_semaphore, #tpu.memory_space<semaphore_mem>>
        %dma_start3A_433 = arith.constant 0 : i32
        %dma_start3A_434 = tpu.memref_slice %arg18[%dma_start3A_433] : memref<16xi32, #tpu.memory_space<vmem>> -> memref<8xi32, #tpu.memory_space<vmem>>
        %dma_start3A_435 = tpu.memref_slice %arg27[%add3A_432] : memref<128xi32, #tpu.memory_space<vmem_shared>> -> memref<8xi32, #tpu.memory_space<vmem_shared>>
        %dma_start3A_436 = tpu.memref_slice %arg27[%add3A_432] : memref<128xi32, #tpu.memory_space<vmem_shared>> -> memref<8xi32, #tpu.memory_space<vmem_shared>>
        %dma_start3A_437 = arith.constant 0 : i32
        %dma_start3A_438 = tpu.memref_slice %arg18[%dma_start3A_437] : memref<16xi32, #tpu.memory_space<vmem>> -> memref<8xi32, #tpu.memory_space<vmem>>
        tpu.enqueue_dma source(%dma_start3A_438 : memref<8xi32, #tpu.memory_space<vmem>>) target(%dma_start3A_436 : memref<8xi32, #tpu.memory_space<vmem_shared>>) target_semaphore(%run_scoped3A : memref<!tpu.dma_semaphore, #tpu.memory_space<semaphore_mem>>)
        %dma_wait3A_439 = arith.constant 0 : i32
        %dma_wait3A_440 = tpu.memref_slice %arg18[%dma_wait3A_439] : memref<16xi32, #tpu.memory_space<vmem>> -> memref<8xi32, #tpu.memory_space<vmem>>
        %dma_wait3A_441 = tpu.memref_slice %arg27[%add3A_432] : memref<128xi32, #tpu.memory_space<vmem_shared>> -> memref<8xi32, #tpu.memory_space<vmem_shared>>
        %dma_wait3A_442 = tpu.memref_slice %arg27[%add3A_432] : memref<128xi32, #tpu.memory_space<vmem_shared>> -> memref<8xi32, #tpu.memory_space<vmem_shared>>
        %dma_wait3A_443 = arith.constant 0 : i32
        %dma_wait3A_444 = tpu.memref_slice %arg18[%dma_wait3A_443] : memref<16xi32, #tpu.memory_space<vmem>> -> memref<8xi32, #tpu.memory_space<vmem>>
        tpu.wait_dma2 semaphore(%run_scoped3A : memref<!tpu.dma_semaphore, #tpu.memory_space<semaphore_mem>>) src(%dma_wait3A_444 : memref<8xi32, #tpu.memory_space<vmem>>) dst(%dma_wait3A_442 : memref<8xi32, #tpu.memory_space<vmem_shared>>)
        tpu.yield
      }) : () -> ()
    } else {
    }
    %barrier3A_237 = arith.constant 0 : index
    tpu.barrier barrier_id(%barrier3A_237)
    %eq3A_238 = arith.constant 0 : i32
    %eq3A_239 = arith.cmpi eq, %arg1, %eq3A_238 : i32
    %convert_element_type3A_240 = arith.extui %eq3A_239 : i1 to i32
    %cond3A_241 = arith.constant 0 : i32
    %cond3A_242 = arith.cmpi ne, %convert_element_type3A_240, %cond3A_241 : i32
    scf.if %cond3A_242 {
      "tpu.region"() ({
        %run_scoped3A = tpu.sem_alloc : memref<!tpu.dma_semaphore, #tpu.memory_space<semaphore_mem>>
        tpu.enqueue_dma source(%arg26 : memref<64xf32, #tpu.memory_space<vmem_shared>>) target(%arg19 : memref<64xf32, #tpu.memory_space<vmem>>) target_semaphore(%run_scoped3A : memref<!tpu.dma_semaphore, #tpu.memory_space<semaphore_mem>>)
        tpu.wait_dma2 semaphore(%run_scoped3A : memref<!tpu.dma_semaphore, #tpu.memory_space<semaphore_mem>>) src(%arg26 : memref<64xf32, #tpu.memory_space<vmem_shared>>) dst(%arg19 : memref<64xf32, #tpu.memory_space<vmem>>)
        tpu.yield
      }) : () -> ()
      "tpu.region"() ({
        %run_scoped3A = tpu.sem_alloc : memref<!tpu.dma_semaphore, #tpu.memory_space<semaphore_mem>>
        tpu.enqueue_dma source(%arg27 : memref<128xi32, #tpu.memory_space<vmem_shared>>) target(%arg20 : memref<128xi32, #tpu.memory_space<vmem>>) target_semaphore(%run_scoped3A : memref<!tpu.dma_semaphore, #tpu.memory_space<semaphore_mem>>)
        tpu.wait_dma2 semaphore(%run_scoped3A : memref<!tpu.dma_semaphore, #tpu.memory_space<semaphore_mem>>) src(%arg27 : memref<128xi32, #tpu.memory_space<vmem_shared>>) dst(%arg20 : memref<128xi32, #tpu.memory_space<vmem>>)
        tpu.yield
      }) : () -> ()
      %broadcast_in_dim3A_243 = arith.constant 0 : i32
      %broadcast_in_dim3A_244 = vector.broadcast %broadcast_in_dim3A_243 : i32 to vector<16xi32>
      %add3A_245 = arith.addi %broadcast_in_dim3A_244, %iota3A : vector<16xi32>
      %min3A = arith.constant 63 : i32
      %min3A_246 = vector.broadcast %min3A : i32 to vector<16xi32>
      %min3A_247 = arith.minsi %add3A_245, %min3A_246 : vector<16xi32>
      %gather3A_248 = tpu.vector_load_idx %arg19[%min3A_247] : memref<64xf32, #tpu.memory_space<vmem>>[vector<16xi32>], vector<16xf32>,
      %swap3A_249 = arith.constant 0 : i32
      %swap3A_250 = arith.index_cast %swap3A_249 : i32 to index
      %swap3A_251 = arith.constant 0 : index
      %swap3A_252 = tpu.vector_load %arg21[%swap3A_250, %swap3A_251] {strides = array<i32>} : memref<8x128xf32, #tpu.memory_space<vmem>>, vector<16xf32>,
      tpu.vector_store %arg21[%swap3A_250, %swap3A_251], %gather3A_248 {strides = array<i32>} : memref<8x128xf32, #tpu.memory_space<vmem>>, vector<16xf32>,
      %gather3A_253 = tpu.vector_load_idx %arg20[%min3A_247] : memref<128xi32, #tpu.memory_space<vmem>>[vector<16xi32>], vector<16xi32>,
      %swap3A_254 = arith.constant 0 : i32
      %swap3A_255 = arith.index_cast %swap3A_254 : i32 to index
      %swap3A_256 = arith.constant 0 : index
      %swap3A_257 = tpu.vector_load %arg22[%swap3A_255, %swap3A_256] {strides = array<i32>} : memref<8x128xi32, #tpu.memory_space<vmem>>, vector<16xi32>,
      tpu.vector_store %arg22[%swap3A_255, %swap3A_256], %gather3A_253 {strides = array<i32>} : memref<8x128xi32, #tpu.memory_space<vmem>>, vector<16xi32>,
      %add3A_258 = arith.constant 64 : i32
      %add3A_259 = vector.broadcast %add3A_258 : i32 to vector<16xi32>
      %add3A_260 = arith.addi %min3A_247, %add3A_259 : vector<16xi32>
      %gather3A_261 = tpu.vector_load_idx %arg20[%add3A_260] : memref<128xi32, #tpu.memory_space<vmem>>[vector<16xi32>], vector<16xi32>,
      %swap3A_262 = arith.constant 0 : i32
      %swap3A_263 = arith.index_cast %swap3A_262 : i32 to index
      %swap3A_264 = arith.constant 0 : index
      %swap3A_265 = tpu.vector_load %arg23[%swap3A_263, %swap3A_264] {strides = array<i32>} : memref<8x128xi32, #tpu.memory_space<vmem>>, vector<16xi32>,
      tpu.vector_store %arg23[%swap3A_263, %swap3A_264], %gather3A_261 {strides = array<i32>} : memref<8x128xi32, #tpu.memory_space<vmem>>, vector<16xi32>,
      %broadcast_in_dim3A_266 = arith.constant 8 : i32
      %broadcast_in_dim3A_267 = vector.broadcast %broadcast_in_dim3A_266 : i32 to vector<16xi32>
      %add3A_268 = arith.addi %broadcast_in_dim3A_267, %iota3A : vector<16xi32>
      %min3A_269 = arith.constant 63 : i32
      %min3A_270 = vector.broadcast %min3A_269 : i32 to vector<16xi32>
      %min3A_271 = arith.minsi %add3A_268, %min3A_270 : vector<16xi32>
      %gather3A_272 = tpu.vector_load_idx %arg19[%min3A_271] : memref<64xf32, #tpu.memory_space<vmem>>[vector<16xi32>], vector<16xf32>,
      %swap3A_273 = arith.constant 1 : i32
      %swap3A_274 = arith.index_cast %swap3A_273 : i32 to index
      %swap3A_275 = arith.constant 0 : index
      %swap3A_276 = tpu.vector_load %arg21[%swap3A_274, %swap3A_275] {strides = array<i32>} : memref<8x128xf32, #tpu.memory_space<vmem>>, vector<16xf32>,
      tpu.vector_store %arg21[%swap3A_274, %swap3A_275], %gather3A_272 {strides = array<i32>} : memref<8x128xf32, #tpu.memory_space<vmem>>, vector<16xf32>,
      %gather3A_277 = tpu.vector_load_idx %arg20[%min3A_271] : memref<128xi32, #tpu.memory_space<vmem>>[vector<16xi32>], vector<16xi32>,
      %swap3A_278 = arith.constant 1 : i32
      %swap3A_279 = arith.index_cast %swap3A_278 : i32 to index
      %swap3A_280 = arith.constant 0 : index
      %swap3A_281 = tpu.vector_load %arg22[%swap3A_279, %swap3A_280] {strides = array<i32>} : memref<8x128xi32, #tpu.memory_space<vmem>>, vector<16xi32>,
      tpu.vector_store %arg22[%swap3A_279, %swap3A_280], %gather3A_277 {strides = array<i32>} : memref<8x128xi32, #tpu.memory_space<vmem>>, vector<16xi32>,
      %add3A_282 = arith.constant 64 : i32
      %add3A_283 = vector.broadcast %add3A_282 : i32 to vector<16xi32>
      %add3A_284 = arith.addi %min3A_271, %add3A_283 : vector<16xi32>
      %gather3A_285 = tpu.vector_load_idx %arg20[%add3A_284] : memref<128xi32, #tpu.memory_space<vmem>>[vector<16xi32>], vector<16xi32>,
      %swap3A_286 = arith.constant 1 : i32
      %swap3A_287 = arith.index_cast %swap3A_286 : i32 to index
      %swap3A_288 = arith.constant 0 : index
      %swap3A_289 = tpu.vector_load %arg23[%swap3A_287, %swap3A_288] {strides = array<i32>} : memref<8x128xi32, #tpu.memory_space<vmem>>, vector<16xi32>,
      tpu.vector_store %arg23[%swap3A_287, %swap3A_288], %gather3A_285 {strides = array<i32>} : memref<8x128xi32, #tpu.memory_space<vmem>>, vector<16xi32>,
      %broadcast_in_dim3A_290 = arith.constant 16 : i32
      %broadcast_in_dim3A_291 = vector.broadcast %broadcast_in_dim3A_290 : i32 to vector<16xi32>
      %add3A_292 = arith.addi %broadcast_in_dim3A_291, %iota3A : vector<16xi32>
      %min3A_293 = arith.constant 63 : i32
      %min3A_294 = vector.broadcast %min3A_293 : i32 to vector<16xi32>
      %min3A_295 = arith.minsi %add3A_292, %min3A_294 : vector<16xi32>
      %gather3A_296 = tpu.vector_load_idx %arg19[%min3A_295] : memref<64xf32, #tpu.memory_space<vmem>>[vector<16xi32>], vector<16xf32>,
      %swap3A_297 = arith.constant 2 : i32
      %swap3A_298 = arith.index_cast %swap3A_297 : i32 to index
      %swap3A_299 = arith.constant 0 : index
      %swap3A_300 = tpu.vector_load %arg21[%swap3A_298, %swap3A_299] {strides = array<i32>} : memref<8x128xf32, #tpu.memory_space<vmem>>, vector<16xf32>,
      tpu.vector_store %arg21[%swap3A_298, %swap3A_299], %gather3A_296 {strides = array<i32>} : memref<8x128xf32, #tpu.memory_space<vmem>>, vector<16xf32>,
      %gather3A_301 = tpu.vector_load_idx %arg20[%min3A_295] : memref<128xi32, #tpu.memory_space<vmem>>[vector<16xi32>], vector<16xi32>,
      %swap3A_302 = arith.constant 2 : i32
      %swap3A_303 = arith.index_cast %swap3A_302 : i32 to index
      %swap3A_304 = arith.constant 0 : index
      %swap3A_305 = tpu.vector_load %arg22[%swap3A_303, %swap3A_304] {strides = array<i32>} : memref<8x128xi32, #tpu.memory_space<vmem>>, vector<16xi32>,
      tpu.vector_store %arg22[%swap3A_303, %swap3A_304], %gather3A_301 {strides = array<i32>} : memref<8x128xi32, #tpu.memory_space<vmem>>, vector<16xi32>,
      %add3A_306 = arith.constant 64 : i32
      %add3A_307 = vector.broadcast %add3A_306 : i32 to vector<16xi32>
      %add3A_308 = arith.addi %min3A_295, %add3A_307 : vector<16xi32>
      %gather3A_309 = tpu.vector_load_idx %arg20[%add3A_308] : memref<128xi32, #tpu.memory_space<vmem>>[vector<16xi32>], vector<16xi32>,
      %swap3A_310 = arith.constant 2 : i32
      %swap3A_311 = arith.index_cast %swap3A_310 : i32 to index
      %swap3A_312 = arith.constant 0 : index
      %swap3A_313 = tpu.vector_load %arg23[%swap3A_311, %swap3A_312] {strides = array<i32>} : memref<8x128xi32, #tpu.memory_space<vmem>>, vector<16xi32>,
      tpu.vector_store %arg23[%swap3A_311, %swap3A_312], %gather3A_309 {strides = array<i32>} : memref<8x128xi32, #tpu.memory_space<vmem>>, vector<16xi32>,
      %broadcast_in_dim3A_314 = arith.constant 24 : i32
      %broadcast_in_dim3A_315 = vector.broadcast %broadcast_in_dim3A_314 : i32 to vector<16xi32>
      %add3A_316 = arith.addi %broadcast_in_dim3A_315, %iota3A : vector<16xi32>
      %min3A_317 = arith.constant 63 : i32
      %min3A_318 = vector.broadcast %min3A_317 : i32 to vector<16xi32>
      %min3A_319 = arith.minsi %add3A_316, %min3A_318 : vector<16xi32>
      %gather3A_320 = tpu.vector_load_idx %arg19[%min3A_319] : memref<64xf32, #tpu.memory_space<vmem>>[vector<16xi32>], vector<16xf32>,
      %swap3A_321 = arith.constant 3 : i32
      %swap3A_322 = arith.index_cast %swap3A_321 : i32 to index
      %swap3A_323 = arith.constant 0 : index
      %swap3A_324 = tpu.vector_load %arg21[%swap3A_322, %swap3A_323] {strides = array<i32>} : memref<8x128xf32, #tpu.memory_space<vmem>>, vector<16xf32>,
      tpu.vector_store %arg21[%swap3A_322, %swap3A_323], %gather3A_320 {strides = array<i32>} : memref<8x128xf32, #tpu.memory_space<vmem>>, vector<16xf32>,
      %gather3A_325 = tpu.vector_load_idx %arg20[%min3A_319] : memref<128xi32, #tpu.memory_space<vmem>>[vector<16xi32>], vector<16xi32>,
      %swap3A_326 = arith.constant 3 : i32
      %swap3A_327 = arith.index_cast %swap3A_326 : i32 to index
      %swap3A_328 = arith.constant 0 : index
      %swap3A_329 = tpu.vector_load %arg22[%swap3A_327, %swap3A_328] {strides = array<i32>} : memref<8x128xi32, #tpu.memory_space<vmem>>, vector<16xi32>,
      tpu.vector_store %arg22[%swap3A_327, %swap3A_328], %gather3A_325 {strides = array<i32>} : memref<8x128xi32, #tpu.memory_space<vmem>>, vector<16xi32>,
      %add3A_330 = arith.constant 64 : i32
      %add3A_331 = vector.broadcast %add3A_330 : i32 to vector<16xi32>
      %add3A_332 = arith.addi %min3A_319, %add3A_331 : vector<16xi32>
      %gather3A_333 = tpu.vector_load_idx %arg20[%add3A_332] : memref<128xi32, #tpu.memory_space<vmem>>[vector<16xi32>], vector<16xi32>,
      %swap3A_334 = arith.constant 3 : i32
      %swap3A_335 = arith.index_cast %swap3A_334 : i32 to index
      %swap3A_336 = arith.constant 0 : index
      %swap3A_337 = tpu.vector_load %arg23[%swap3A_335, %swap3A_336] {strides = array<i32>} : memref<8x128xi32, #tpu.memory_space<vmem>>, vector<16xi32>,
      tpu.vector_store %arg23[%swap3A_335, %swap3A_336], %gather3A_333 {strides = array<i32>} : memref<8x128xi32, #tpu.memory_space<vmem>>, vector<16xi32>,
      %broadcast_in_dim3A_338 = arith.constant 32 : i32
      %broadcast_in_dim3A_339 = vector.broadcast %broadcast_in_dim3A_338 : i32 to vector<16xi32>
      %add3A_340 = arith.addi %broadcast_in_dim3A_339, %iota3A : vector<16xi32>
      %min3A_341 = arith.constant 63 : i32
      %min3A_342 = vector.broadcast %min3A_341 : i32 to vector<16xi32>
      %min3A_343 = arith.minsi %add3A_340, %min3A_342 : vector<16xi32>
      %gather3A_344 = tpu.vector_load_idx %arg19[%min3A_343] : memref<64xf32, #tpu.memory_space<vmem>>[vector<16xi32>], vector<16xf32>,
      %swap3A_345 = arith.constant 4 : i32
      %swap3A_346 = arith.index_cast %swap3A_345 : i32 to index
      %swap3A_347 = arith.constant 0 : index
      %swap3A_348 = tpu.vector_load %arg21[%swap3A_346, %swap3A_347] {strides = array<i32>} : memref<8x128xf32, #tpu.memory_space<vmem>>, vector<16xf32>,
      tpu.vector_store %arg21[%swap3A_346, %swap3A_347], %gather3A_344 {strides = array<i32>} : memref<8x128xf32, #tpu.memory_space<vmem>>, vector<16xf32>,
      %gather3A_349 = tpu.vector_load_idx %arg20[%min3A_343] : memref<128xi32, #tpu.memory_space<vmem>>[vector<16xi32>], vector<16xi32>,
      %swap3A_350 = arith.constant 4 : i32
      %swap3A_351 = arith.index_cast %swap3A_350 : i32 to index
      %swap3A_352 = arith.constant 0 : index
      %swap3A_353 = tpu.vector_load %arg22[%swap3A_351, %swap3A_352] {strides = array<i32>} : memref<8x128xi32, #tpu.memory_space<vmem>>, vector<16xi32>,
      tpu.vector_store %arg22[%swap3A_351, %swap3A_352], %gather3A_349 {strides = array<i32>} : memref<8x128xi32, #tpu.memory_space<vmem>>, vector<16xi32>,
      %add3A_354 = arith.constant 64 : i32
      %add3A_355 = vector.broadcast %add3A_354 : i32 to vector<16xi32>
      %add3A_356 = arith.addi %min3A_343, %add3A_355 : vector<16xi32>
      %gather3A_357 = tpu.vector_load_idx %arg20[%add3A_356] : memref<128xi32, #tpu.memory_space<vmem>>[vector<16xi32>], vector<16xi32>,
      %swap3A_358 = arith.constant 4 : i32
      %swap3A_359 = arith.index_cast %swap3A_358 : i32 to index
      %swap3A_360 = arith.constant 0 : index
      %swap3A_361 = tpu.vector_load %arg23[%swap3A_359, %swap3A_360] {strides = array<i32>} : memref<8x128xi32, #tpu.memory_space<vmem>>, vector<16xi32>,
      tpu.vector_store %arg23[%swap3A_359, %swap3A_360], %gather3A_357 {strides = array<i32>} : memref<8x128xi32, #tpu.memory_space<vmem>>, vector<16xi32>,
      %broadcast_in_dim3A_362 = arith.constant 40 : i32
      %broadcast_in_dim3A_363 = vector.broadcast %broadcast_in_dim3A_362 : i32 to vector<16xi32>
      %add3A_364 = arith.addi %broadcast_in_dim3A_363, %iota3A : vector<16xi32>
      %min3A_365 = arith.constant 63 : i32
      %min3A_366 = vector.broadcast %min3A_365 : i32 to vector<16xi32>
      %min3A_367 = arith.minsi %add3A_364, %min3A_366 : vector<16xi32>
      %gather3A_368 = tpu.vector_load_idx %arg19[%min3A_367] : memref<64xf32, #tpu.memory_space<vmem>>[vector<16xi32>], vector<16xf32>,
      %swap3A_369 = arith.constant 5 : i32
      %swap3A_370 = arith.index_cast %swap3A_369 : i32 to index
      %swap3A_371 = arith.constant 0 : index
      %swap3A_372 = tpu.vector_load %arg21[%swap3A_370, %swap3A_371] {strides = array<i32>} : memref<8x128xf32, #tpu.memory_space<vmem>>, vector<16xf32>,
      tpu.vector_store %arg21[%swap3A_370, %swap3A_371], %gather3A_368 {strides = array<i32>} : memref<8x128xf32, #tpu.memory_space<vmem>>, vector<16xf32>,
      %gather3A_373 = tpu.vector_load_idx %arg20[%min3A_367] : memref<128xi32, #tpu.memory_space<vmem>>[vector<16xi32>], vector<16xi32>,
      %swap3A_374 = arith.constant 5 : i32
      %swap3A_375 = arith.index_cast %swap3A_374 : i32 to index
      %swap3A_376 = arith.constant 0 : index
      %swap3A_377 = tpu.vector_load %arg22[%swap3A_375, %swap3A_376] {strides = array<i32>} : memref<8x128xi32, #tpu.memory_space<vmem>>, vector<16xi32>,
      tpu.vector_store %arg22[%swap3A_375, %swap3A_376], %gather3A_373 {strides = array<i32>} : memref<8x128xi32, #tpu.memory_space<vmem>>, vector<16xi32>,
      %add3A_378 = arith.constant 64 : i32
      %add3A_379 = vector.broadcast %add3A_378 : i32 to vector<16xi32>
      %add3A_380 = arith.addi %min3A_367, %add3A_379 : vector<16xi32>
      %gather3A_381 = tpu.vector_load_idx %arg20[%add3A_380] : memref<128xi32, #tpu.memory_space<vmem>>[vector<16xi32>], vector<16xi32>,
      %swap3A_382 = arith.constant 5 : i32
      %swap3A_383 = arith.index_cast %swap3A_382 : i32 to index
      %swap3A_384 = arith.constant 0 : index
      %swap3A_385 = tpu.vector_load %arg23[%swap3A_383, %swap3A_384] {strides = array<i32>} : memref<8x128xi32, #tpu.memory_space<vmem>>, vector<16xi32>,
      tpu.vector_store %arg23[%swap3A_383, %swap3A_384], %gather3A_381 {strides = array<i32>} : memref<8x128xi32, #tpu.memory_space<vmem>>, vector<16xi32>,
      %broadcast_in_dim3A_386 = arith.constant 48 : i32
      %broadcast_in_dim3A_387 = vector.broadcast %broadcast_in_dim3A_386 : i32 to vector<16xi32>
      %add3A_388 = arith.addi %broadcast_in_dim3A_387, %iota3A : vector<16xi32>
      %min3A_389 = arith.constant 63 : i32
      %min3A_390 = vector.broadcast %min3A_389 : i32 to vector<16xi32>
      %min3A_391 = arith.minsi %add3A_388, %min3A_390 : vector<16xi32>
      %gather3A_392 = tpu.vector_load_idx %arg19[%min3A_391] : memref<64xf32, #tpu.memory_space<vmem>>[vector<16xi32>], vector<16xf32>,
      %swap3A_393 = arith.constant 6 : i32
      %swap3A_394 = arith.index_cast %swap3A_393 : i32 to index
      %swap3A_395 = arith.constant 0 : index
      %swap3A_396 = tpu.vector_load %arg21[%swap3A_394, %swap3A_395] {strides = array<i32>} : memref<8x128xf32, #tpu.memory_space<vmem>>, vector<16xf32>,
      tpu.vector_store %arg21[%swap3A_394, %swap3A_395], %gather3A_392 {strides = array<i32>} : memref<8x128xf32, #tpu.memory_space<vmem>>, vector<16xf32>,
      %gather3A_397 = tpu.vector_load_idx %arg20[%min3A_391] : memref<128xi32, #tpu.memory_space<vmem>>[vector<16xi32>], vector<16xi32>,
      %swap3A_398 = arith.constant 6 : i32
      %swap3A_399 = arith.index_cast %swap3A_398 : i32 to index
      %swap3A_400 = arith.constant 0 : index
      %swap3A_401 = tpu.vector_load %arg22[%swap3A_399, %swap3A_400] {strides = array<i32>} : memref<8x128xi32, #tpu.memory_space<vmem>>, vector<16xi32>,
      tpu.vector_store %arg22[%swap3A_399, %swap3A_400], %gather3A_397 {strides = array<i32>} : memref<8x128xi32, #tpu.memory_space<vmem>>, vector<16xi32>,
      %add3A_402 = arith.constant 64 : i32
      %add3A_403 = vector.broadcast %add3A_402 : i32 to vector<16xi32>
      %add3A_404 = arith.addi %min3A_391, %add3A_403 : vector<16xi32>
      %gather3A_405 = tpu.vector_load_idx %arg20[%add3A_404] : memref<128xi32, #tpu.memory_space<vmem>>[vector<16xi32>], vector<16xi32>,
      %swap3A_406 = arith.constant 6 : i32
      %swap3A_407 = arith.index_cast %swap3A_406 : i32 to index
      %swap3A_408 = arith.constant 0 : index
      %swap3A_409 = tpu.vector_load %arg23[%swap3A_407, %swap3A_408] {strides = array<i32>} : memref<8x128xi32, #tpu.memory_space<vmem>>, vector<16xi32>,
      tpu.vector_store %arg23[%swap3A_407, %swap3A_408], %gather3A_405 {strides = array<i32>} : memref<8x128xi32, #tpu.memory_space<vmem>>, vector<16xi32>,
      %broadcast_in_dim3A_410 = arith.constant 56 : i32
      %broadcast_in_dim3A_411 = vector.broadcast %broadcast_in_dim3A_410 : i32 to vector<16xi32>
      %add3A_412 = arith.addi %broadcast_in_dim3A_411, %iota3A : vector<16xi32>
      %min3A_413 = arith.constant 63 : i32
      %min3A_414 = vector.broadcast %min3A_413 : i32 to vector<16xi32>
      %min3A_415 = arith.minsi %add3A_412, %min3A_414 : vector<16xi32>
      %gather3A_416 = tpu.vector_load_idx %arg19[%min3A_415] : memref<64xf32, #tpu.memory_space<vmem>>[vector<16xi32>], vector<16xf32>,
      %swap3A_417 = arith.constant 7 : i32
      %swap3A_418 = arith.index_cast %swap3A_417 : i32 to index
      %swap3A_419 = arith.constant 0 : index
      %swap3A_420 = tpu.vector_load %arg21[%swap3A_418, %swap3A_419] {strides = array<i32>} : memref<8x128xf32, #tpu.memory_space<vmem>>, vector<16xf32>,
      tpu.vector_store %arg21[%swap3A_418, %swap3A_419], %gather3A_416 {strides = array<i32>} : memref<8x128xf32, #tpu.memory_space<vmem>>, vector<16xf32>,
      %gather3A_421 = tpu.vector_load_idx %arg20[%min3A_415] : memref<128xi32, #tpu.memory_space<vmem>>[vector<16xi32>], vector<16xi32>,
      %swap3A_422 = arith.constant 7 : i32
      %swap3A_423 = arith.index_cast %swap3A_422 : i32 to index
      %swap3A_424 = arith.constant 0 : index
      %swap3A_425 = tpu.vector_load %arg22[%swap3A_423, %swap3A_424] {strides = array<i32>} : memref<8x128xi32, #tpu.memory_space<vmem>>, vector<16xi32>,
      tpu.vector_store %arg22[%swap3A_423, %swap3A_424], %gather3A_421 {strides = array<i32>} : memref<8x128xi32, #tpu.memory_space<vmem>>, vector<16xi32>,
      %add3A_426 = arith.constant 64 : i32
      %add3A_427 = vector.broadcast %add3A_426 : i32 to vector<16xi32>
      %add3A_428 = arith.addi %min3A_415, %add3A_427 : vector<16xi32>
      %gather3A_429 = tpu.vector_load_idx %arg20[%add3A_428] : memref<128xi32, #tpu.memory_space<vmem>>[vector<16xi32>], vector<16xi32>,
      %swap3A_430 = arith.constant 7 : i32
      %swap3A_431 = arith.index_cast %swap3A_430 : i32 to index
      %swap3A_432 = arith.constant 0 : index
      %swap3A_433 = tpu.vector_load %arg23[%swap3A_431, %swap3A_432] {strides = array<i32>} : memref<8x128xi32, #tpu.memory_space<vmem>>, vector<16xi32>,
      tpu.vector_store %arg23[%swap3A_431, %swap3A_432], %gather3A_429 {strides = array<i32>} : memref<8x128xi32, #tpu.memory_space<vmem>>, vector<16xi32>,
      %mul3A_434 = arith.constant 8 : i32
      %mul3A_435 = arith.muli %arg0, %mul3A_434 : i32
      %multiple_of3A_436 = tpu.assume_multiple %mul3A_435, 8 : i32
      "tpu.region"() ({
        %run_scoped3A = tpu.sem_alloc : memref<!tpu.dma_semaphore, #tpu.memory_space<semaphore_mem>>
        %dma_start3A_437 = arith.constant 0 : i32
        %dma_start3A_438 = tpu.memref_slice %arg6[%multiple_of3A_436, %dma_start3A_437] : memref<16x128xf32, #tpu.memory_space<hbm>> -> memref<8x128xf32, #tpu.memory_space<hbm>>
        %dma_start3A_439 = arith.constant 0 : i32
        %dma_start3A_440 = tpu.memref_slice %arg6[%multiple_of3A_436, %dma_start3A_439] : memref<16x128xf32, #tpu.memory_space<hbm>> -> memref<8x128xf32, #tpu.memory_space<hbm>>
        tpu.enqueue_dma source(%arg21 : memref<8x128xf32, #tpu.memory_space<vmem>>) target(%dma_start3A_440 : memref<8x128xf32, #tpu.memory_space<hbm>>) target_semaphore(%run_scoped3A : memref<!tpu.dma_semaphore, #tpu.memory_space<semaphore_mem>>)
        %dma_wait3A_441 = arith.constant 0 : i32
        %dma_wait3A_442 = tpu.memref_slice %arg6[%multiple_of3A_436, %dma_wait3A_441] : memref<16x128xf32, #tpu.memory_space<hbm>> -> memref<8x128xf32, #tpu.memory_space<hbm>>
        %dma_wait3A_443 = arith.constant 0 : i32
        %dma_wait3A_444 = tpu.memref_slice %arg6[%multiple_of3A_436, %dma_wait3A_443] : memref<16x128xf32, #tpu.memory_space<hbm>> -> memref<8x128xf32, #tpu.memory_space<hbm>>
        tpu.wait_dma2 semaphore(%run_scoped3A : memref<!tpu.dma_semaphore, #tpu.memory_space<semaphore_mem>>) src(%arg21 : memref<8x128xf32, #tpu.memory_space<vmem>>) dst(%dma_wait3A_444 : memref<8x128xf32, #tpu.memory_space<hbm>>)
        tpu.yield
      }) : () -> ()
      "tpu.region"() ({
        %run_scoped3A = tpu.sem_alloc : memref<!tpu.dma_semaphore, #tpu.memory_space<semaphore_mem>>
        %dma_start3A_437 = arith.constant 0 : i32
        %dma_start3A_438 = tpu.memref_slice %arg7[%multiple_of3A_436, %dma_start3A_437] : memref<16x128xi32, #tpu.memory_space<hbm>> -> memref<8x128xi32, #tpu.memory_space<hbm>>
        %dma_start3A_439 = arith.constant 0 : i32
        %dma_start3A_440 = tpu.memref_slice %arg7[%multiple_of3A_436, %dma_start3A_439] : memref<16x128xi32, #tpu.memory_space<hbm>> -> memref<8x128xi32, #tpu.memory_space<hbm>>
        tpu.enqueue_dma source(%arg22 : memref<8x128xi32, #tpu.memory_space<vmem>>) target(%dma_start3A_440 : memref<8x128xi32, #tpu.memory_space<hbm>>) target_semaphore(%run_scoped3A : memref<!tpu.dma_semaphore, #tpu.memory_space<semaphore_mem>>)
        %dma_wait3A_441 = arith.constant 0 : i32
        %dma_wait3A_442 = tpu.memref_slice %arg7[%multiple_of3A_436, %dma_wait3A_441] : memref<16x128xi32, #tpu.memory_space<hbm>> -> memref<8x128xi32, #tpu.memory_space<hbm>>
        %dma_wait3A_443 = arith.constant 0 : i32
        %dma_wait3A_444 = tpu.memref_slice %arg7[%multiple_of3A_436, %dma_wait3A_443] : memref<16x128xi32, #tpu.memory_space<hbm>> -> memref<8x128xi32, #tpu.memory_space<hbm>>
        tpu.wait_dma2 semaphore(%run_scoped3A : memref<!tpu.dma_semaphore, #tpu.memory_space<semaphore_mem>>) src(%arg22 : memref<8x128xi32, #tpu.memory_space<vmem>>) dst(%dma_wait3A_444 : memref<8x128xi32, #tpu.memory_space<hbm>>)
        tpu.yield
      }) : () -> ()
      "tpu.region"() ({
        %run_scoped3A = tpu.sem_alloc : memref<!tpu.dma_semaphore, #tpu.memory_space<semaphore_mem>>
        %dma_start3A_437 = arith.constant 0 : i32
        %dma_start3A_438 = tpu.memref_slice %arg8[%multiple_of3A_436, %dma_start3A_437] : memref<16x128xi32, #tpu.memory_space<hbm>> -> memref<8x128xi32, #tpu.memory_space<hbm>>
        %dma_start3A_439 = arith.constant 0 : i32
        %dma_start3A_440 = tpu.memref_slice %arg8[%multiple_of3A_436, %dma_start3A_439] : memref<16x128xi32, #tpu.memory_space<hbm>> -> memref<8x128xi32, #tpu.memory_space<hbm>>
        tpu.enqueue_dma source(%arg23 : memref<8x128xi32, #tpu.memory_space<vmem>>) target(%dma_start3A_440 : memref<8x128xi32, #tpu.memory_space<hbm>>) target_semaphore(%run_scoped3A : memref<!tpu.dma_semaphore, #tpu.memory_space<semaphore_mem>>)
        %dma_wait3A_441 = arith.constant 0 : i32
        %dma_wait3A_442 = tpu.memref_slice %arg8[%multiple_of3A_436, %dma_wait3A_441] : memref<16x128xi32, #tpu.memory_space<hbm>> -> memref<8x128xi32, #tpu.memory_space<hbm>>
        %dma_wait3A_443 = arith.constant 0 : i32
        %dma_wait3A_444 = tpu.memref_slice %arg8[%multiple_of3A_436, %dma_wait3A_443] : memref<16x128xi32, #tpu.memory_space<hbm>> -> memref<8x128xi32, #tpu.memory_space<hbm>>
        tpu.wait_dma2 semaphore(%run_scoped3A : memref<!tpu.dma_semaphore, #tpu.memory_space<semaphore_mem>>) src(%arg23 : memref<8x128xi32, #tpu.memory_space<vmem>>) dst(%dma_wait3A_444 : memref<8x128xi32, #tpu.memory_space<hbm>>)
        tpu.yield
      }) : () -> ()
    } else {
    }
    return
  }
}

</mosaic_0001>

<sc_bundles>
// kernel: kernel.3.cloned.1.call-start
scs
__scs_entry_jumppad:
0x0: {  	(pc) =	sbr.rel $0x88, $3  }
0x1: {  	(tag) =	ssettag $0x0;
	lr =	simm.s32 $0x1  }
0x2: {  	[smem:$0x3F9D] =	sst lr;
	_ =	strace $0xD0000000  }
0x3: {  	_ = 	snop  }
0x4: {  	_ = 	snop  }
0x5: {  	_ = 	snop  }
0x6: {  	_ = 	snop  }
0x7: {  	_ = 	snop  }
__scs_overlays_trampoline_lowered:
0x8: {  	[smem:$0x3FAC] =	sst s0  }
0x9: {  	[smem:$0x3FAD] =	sst s1  }
0xa: {  	[smem:$0x3FAE] =	sst s2  }
0xb: {  	[smem:$0x3FAF] =	sst s3  }
0xc: {  	[smem:$0x3FB0] =	sst s4  }
0xd: {  	[smem:$0x3FB1] =	sst s5  }
0xe: {  	[smem:$0x3FB2] =	sst s6  }
0xf: {  	[smem:$0x3FB3] =	sst s7  }
0x10: {  	[smem:$0x3FB4] =	sst s8  }
0x11: {  	[smem:$0x3FB5] =	sst s9;
	s0 =	simm.s32 @!p0 $0x0  }
0x12: {  	s1 =	sld [smem:$0x3F9B];
	s0 =	simm.s32 @p0 $0x1  }
0x13: {  	[smem:$0x3FB6] =	sst s0;
	s0 =	simm.s32 @!p1 $0x0  }
0x14: {  	s2 =	sld [smem:$0x3F9A];
	s0 =	simm.s32 @p1 $0x1  }
0x15: {  	[smem:$0x3FB7] =	sst s0;
	s0 =	simm.s32 @!p2 $0x0  }
0x16: {  	s3 =	sld [smem:$0x3FDB];
	s0 =	simm.s32 @p2 $0x1  }
0x17: {  	s4 =	simm.s32 $0x1BF5;
	[smem:$0x3FB9] =	sst s0  }
0x18: {  	s0 =	sld [smem:$0x3F9C];
	_ =	swait.ge [sflag:s4], $0x0  }
0x19: {  	s7 =	sld [smem:$0x3F9D]  }
0x1a: {  	s8 =	sadd.s32 $0xFFFFE003, lr  }
0x1b: {  	s9 =	sadd.s32 $0xFFFFFEF7, lr;
	s5 =	simm.s32 $0xFFFFFFFF;
	p2 =	slt.u32 s8, $0xFFFFF086  }
0x1c: {  	p1 =	slt.u32 s9, $0xF7A;
	s5 =	simm.s32 @!p2 $0x0  }
0x1d: {  	s5 =	simm.s32 @p1 $0x1;
	p0 =	seq.s32 s7, s2  }
0x1e: {  	s7 =	smul.u32 @!p0 $0xF7A, s2;
	p2 =	seq.s32 @!p0 s5, $0x0  }
0x1f: {  	s9 =	smul.u32 $0xF7A, s1;
	s8 =	simm.s32 @!p0 $0x1BF5;
	p2 =	por !p2, p0  }
0x20: {  	[sflag:s8] =	ssyncset.s32 @!p0 $0xFFFFF086;
	s6 =	sadd.s32 @!p0 s3, s7;
	s7 =	simm.s32 @!p0 $0x108  }
0x21: {  	s3 =	sadd.s32 s3, s9;
	s6 =	sadd.s32 @!p0 $0x88, s6;
	s7 =	simm.s32 @p2 $0x1082  }
0x22: {  	[simem:s7], [sflag:s8] =	dma.local @!p0 [hbm:s6], $0xF7A  }
0x23: {  	s9 =	sor.u32 $0xD0000000, s2;
	s6 =	simm.s32 $0x108;
	_ =	swait.ge @!p0 [sflag:s8], $0x0  }
0x24: {  	s3 =	sadd.s32 $0x88, s3;
	s6 =	simm.s32 @!p1 $0x1082;
	[sflag:s4] =	ssyncset.s32 $0xFFFFF086  }
0x25: {  	[simem:s6], [sflag:s4] =	dma.local [hbm:s3], $0xF7A  }
0x26: {  	[smem:$0x3F9D] =	sst s1;
	(tag) =	ssettag s2;
	_ =	strace s9  }
0x27: {  	s1 =	sld [smem:$0x3FAD]  }
0x28: {  	s2 =	sld [smem:$0x3FAE]  }
0x29: {  	s4 =	sld [smem:$0x3FB0]  }
0x2a: {  	p0 =	seq.s32 s5, $0x0;
	s5 =	sld [smem:$0x3FB1]  }
0x2b: {  	s6 =	sld [smem:$0x3FB2]  }
0x2c: {  	s7 =	sld [smem:$0x3FB3]  }
0x2d: {  	s3 =	simm.s32 $0x108;
	s8 =	sld [smem:$0x3FB4]  }
0x2e: {  	s3 =	simm.s32 @!p0 $0x1082;
	s9 =	sld [smem:$0x3FB5]  }
0x2f: {  	lr =	sadd.s32 s0, s3;
	s0 =	sld [smem:$0x3FAC]  }
0x30: {  	s3 =	sld [smem:$0x3FAF]  }
0x31: {  	[smem:$0x3FB8] =	sst s10  }
0x32: {  	s10 =	sld [smem:$0x3FB6];
	_ =	sdelay $0x3  }
0x33: {  	p0 =	seq.s32 s10, $0x1;
	s10 =	sld [smem:$0x3FB8];
	_ =	sdelay $0x3  }
0x34: {  	[smem:$0x3FB8] =	sst s10  }
0x35: {  	s10 =	sld [smem:$0x3FB7];
	_ =	sdelay $0x3  }
0x36: {  	p1 =	seq.s32 s10, $0x1;
	s10 =	sld [smem:$0x3FB8];
	_ =	sdelay $0x3  }
0x37: {  	[smem:$0x3FB8] =	sst s10  }
0x38: {  	s10 =	sld [smem:$0x3FB9]  }
0x39: {  	_ = 	snop;
	(pc) =	sbr.ind lr, $3  }
0x3a: {  	_ = 	snop  }
0x3b: {  	_ = 	snop  }
0x3c: {  	p2 =	seq.s32 s10, $0x1;
	s10 =	sld [smem:$0x3FB8]  }
0x3d: {  	_ =	shalt  }
0x3e: {  	_ =	shalt  }
0x3f: {  	_ =	shalt  }
0x40: {  	_ =	shalt  }
0x41: {  	_ =	shalt  }
0x42: {  	_ =	shalt  }
0x43: {  	_ =	shalt  }
0x44: {  	_ =	shalt  }
0x45: {  	_ =	shalt  }
0x46: {  	_ =	shalt  }
0x47: {  	_ =	shalt  }
0x48: {  	_ =	shalt  }
0x49: {  	_ =	shalt  }
0x4a: {  	_ =	shalt  }
0x4b: {  	_ =	shalt  }
0x4c: {  	_ =	shalt  }
0x4d: {  	_ =	shalt  }
0x4e: {  	_ =	shalt  }
0x4f: {  	_ =	shalt  }
0x50: {  	_ =	shalt  }
0x51: {  	_ =	shalt  }
0x52: {  	_ =	shalt  }
0x53: {  	_ =	shalt  }
0x54: {  	_ =	shalt  }
0x55: {  	_ =	shalt  }
0x56: {  	_ =	shalt  }
0x57: {  	_ =	shalt  }
0x58: {  	_ =	shalt  }
0x59: {  	_ =	shalt  }
0x5a: {  	_ =	shalt  }
0x5b: {  	_ =	shalt  }
0x5c: {  	_ =	shalt  }
0x5d: {  	_ =	shalt  }
0x5e: {  	_ =	shalt  }
0x5f: {  	_ =	shalt  }
0x60: {  	_ =	shalt  }
0x61: {  	_ =	shalt  }
0x62: {  	_ =	shalt  }
0x63: {  	_ =	shalt  }
0x64: {  	_ =	shalt  }
0x65: {  	_ =	shalt  }
0x66: {  	_ =	shalt  }
0x67: {  	_ =	shalt  }
0x68: {  	_ =	shalt  }
0x69: {  	_ =	shalt  }
0x6a: {  	_ =	shalt  }
0x6b: {  	_ =	shalt  }
0x6c: {  	_ =	shalt  }
0x6d: {  	_ =	shalt  }
0x6e: {  	_ =	shalt  }
0x6f: {  	_ =	shalt  }
0x70: {  	_ =	shalt  }
0x71: {  	_ =	shalt  }
0x72: {  	_ =	shalt  }
0x73: {  	_ =	shalt  }
0x74: {  	_ =	shalt  }
0x75: {  	_ =	shalt  }
0x76: {  	_ =	shalt  }
0x77: {  	_ =	shalt  }
0x78: {  	_ =	shalt  }
0x79: {  	_ =	shalt  }
0x7a: {  	_ =	shalt  }
0x7b: {  	_ =	shalt  }
0x7c: {  	_ =	shalt  }
0x7d: {  	_ =	shalt  }
0x7e: {  	_ =	shalt  }
0x7f: {  	_ =	shalt  }
0x80: {  	_ =	shalt  }
0x81: {  	_ =	shalt  }
0x82: {  	_ =	shalt  }
0x83: {  	_ =	shalt  }
0x84: {  	_ =	shalt  }
0x85: {  	_ =	shalt  }
0x86: {  	_ =	shalt  }
0x87: {  	_ =	shalt  }
.Lfunc_end0:
.L_simem_size_0:
called_computation_lowered:
.L_overlay_start_0:
0x88: {  	s2 =	sld [smem:$0x3FD9]  }
0x89: {  	s3 =	sld [smem:$0x3FFE];
	_ =	sdelay $0x1  }
0x8a: {  	s1 =	srdreg.scid  }
0x8b: {  	s0 =	sand.u32 $0x1, s1  }
0x8c: {  	s14 =	sshll.u32 s0, $0xA;
	s2 =	sadd.s32 s3, s2  }
0x8d: {  	s2 =	sadd.s32 s2, s14  }
0x8e: {  	[smem:$0x3FC4] =	sst s2  }
0x8f: {  	_ = 	snop  }
0x90: {  	s2 =	sld [smem:$0x3FD0];
	_ =	sdelay $0x1  }
0x91: {  	s15 =	sld [smem:$0x3FC8]  }
0x92: {  	s5 =	simm.s32 $0xA;
	s6 =	simm.s32 $0x10;
	s4 =	sld [smem:$0x3FC6]  }
0x93: {  	[smem:s6], [sflag:s5] =	dma.local [hbm:s2], $0x1  }
0x94: {  	_ =	swait.eq [sflag:s5], $0x1  }
0x95: {  	[sflag:s5] =	ssyncset.done $0x0  }
0x96: {  	s16 =	sld [smem:$0x11];
	[sflag:s5] =	ssyncadd.s32 $0xFFFFFFFF  }
0x97: {  	s17 =	sld [smem:$0x12];
	(tm) =	ssettm $0x1  }
0x98: {  	s18 =	sld [smem:$0x3FFB];
	_ =	sdelay $0x3  }
0x99: {  	_ =	strace s18  }
0x9a: {  	s6 =	sld [smem:$0x3FFC];
	_ =	sdelay $0x3  }
0x9b: {  	_ =	strace s6  }
0x9c: {  	s6 =	sld [smem:$0x3FFD];
	_ =	sdelay $0x3  }
0x9d: {  	_ =	strace s6  }
0x9e: {  	_ =	strace $0x8FFFFFFF  }
0x9f: {  	s19 =	sld [smem:$0x3FDB];
	_ =	sdelay $0x1  }
0xa0: {  	s7 =	simm.s32 $_scs_section_size  }
0xa1: {  	s8 =	simm.s32 $_size__tile_overlayer_lowered;
	s9 =	simm.s32 $_tile_overlayer_lowered  }
0xa2: {  	s22 =	simm.s32 $0x1BFF;
	s21 =	sshll.u32 s9, $0x1;
	s6 =	sadd.s32 s7, s19  }
0xa3: {  	s10 =	simm.s32 $0x0;
	s20 =	sshll.u32 s8, $0x1;
	s8 =	sadd.s32 s21, s6  }
0xa4: {  	[timem:s10], [sflag:s22] =	dma.local [hbm:s8], s20  }
0xa5: {  	_ =	swait.ge [sflag:s22], s20  }
0xa6: {  	s7 =	ssub.s32 $0x0, s20;
	[sflag:s22] =	ssyncset.done $0x0  }
0xa7: {  	[sflag:s22] =	ssyncadd.s32 s7;
	_ =	sdelay $0x1  }
0xa8: {  	s23 =	simm.s32 $0x1B8B  }
0xa9: {  	_ =	swait.ge [sflag:s23], $0x1  }
0xaa: {  	[sflag:s23] =	ssyncset.done $0x0  }
0xab: {  	s25 =	simm.s32 $0x1B8E;
	s24 =	sld [smem:$0x3FFE];
	[sflag:s23] =	ssyncadd.s32 $0xFFFFFFFF  }
0xac: {  	s26 =	simm.s32 $execute0_lowered;
	[smem:$0x3FD2] =	sst s25  }
0xad: {  	s8 =	sshll.u32 s26, $0x1;
	_ =	strace $0x80000046;
	[dreg:$0x1] =	wrdreg $0xFFFFFFFF  }
0xae: {  	s28 =	simm.s32 $_size_execute0_lowered;
	s6 =	sadd.s32 s6, s8;
	[dreg:$0x0] =	wrdreg $0x0  }
0xaf: {  	s8 =	sshll.u32 s28, $0x1;
	[dreg:$0x2] =	wrdreg s6  }
0xb0: {  	[dreg:$0x3] =	wrdreg s8  }
0xb1: {  	[dreg:$0x4] =	wrdreg $0xC0  }
0xb2: {  	_ =	task [dreg:s10], $0x5FFFF  }
0xb3: {  	[dreg:$0x1] =	wrdreg $0xFFFFFFFF  }
0xb4: {  	[dreg:$0x0] =	wrdreg $0x60  }
0xb5: {  	[dreg:$0x2] =	wrdreg s16  }
0xb6: {  	[dreg:$0x3] =	wrdreg s4  }
0xb7: {  	[dreg:$0x4] =	wrdreg s17  }
0xb8: {  	[dreg:$0x5] =	wrdreg s15  }
0xb9: {  	[dreg:$0x6] =	wrdreg s24  }
0xba: {  	[dreg:$0x7] =	wrdreg $0x72000  }
0xbb: {  	[dreg:$0x8] =	wrdreg $0x72800  }
0xbc: {  	[dreg:$0x9] =	wrdreg $0x73000  }
0xbd: {  	[dreg:$0xa] =	wrdreg $0x73080  }
0xbe: {  	[dreg:$0xb] =	wrdreg $0x9  }
0xbf: {  	_ =	task.clear_ibuf [dreg:s10], $0xCFFFF;
	_ =	strace $0x90000046  }
0xc0: {  	s29 =	simm.s32 $0x9;
	_ =	strace $0x80000048  }
0xc1: {  	_ =	swait.ge [sflag:s29], $0x1  }
0xc2: {  	[sflag:s29] =	ssyncadd.s32 $0xFFFFFFFF  }
0xc3: {  	_ =	strace $0x90000048  }
0xc4: {  	_ =	sfence  }
0xc5: {  	s30 =	sld [smem:$0x0];
	_ =	sdelay $0x2  }
0xc6: {  	s31 =	sshll.u32 s1, $0xD;
	s1 =	sshrl.u32 s1, $0x2  }
0xc7: {  	s3 =	sand.u32 $0x4000, s31;
	s1 =	sadd.s32 s1, s30  }
0xc8: {  	s0 =	sor.u32 s3, s0;
	s1 =	sshll.u32 s1, $0x11  }
0xc9: {  	s0 =	sor.u32 s1, s0  }
0xca: {  	s0 =	sadd.s32 $0x8F2B, s0  }
0xcb: {  	[sflag:s0] =	ssyncadd.remote.s32 $0x1  }
0xcc: {  	_ =	sfence.sel $0xFFFF  }
0xcd: {  	[dreg:$0x0] =	wrdreg $0xFFFFFFFF;
	(pc) =	sbr.abs _section_cstart, $3  }
0xce: {  	[dreg:$0x1] =	wrdreg $0xFFFFFFFF  }
0xcf: {  	_ =	task.clear_ibuf [dreg:s10], $0x2FFFF;
	_ =	strace $0x9FFFFFFF  }
0xd0: {  	(tm) =	ssettm $0x7FFFFFFF  }
0xd1: {  	_ =	shalt  }
tec
execute0_lowered:
.L_overlay_start_1:
0x0: {  	(tag) =	ssettag $0x1  }
0x1: {  	s0 =	rddreg [dreg:$0x4]  }
0x2: {  	s1 =	rddreg [dreg:$0x5]  }
0x3: {  	s2 =	rddreg [dreg:$0x6]  }
0x4: {  	s8 =	rddreg [dreg:$0x7]  }
0x5: {  	s9 =	rddreg [dreg:$0x8];
	s7 =	simm.s32 $0x0;
	s3 =	srdreg.scid  }
0x6: {  	s20 =	stileid.u32;
	[smem:$0x7FF] =	sst s7  }
0x7: {  	s3 =	sand.u32 $0x1, s3;
	s12 =	sshrl.u32 s20, $0x1;
	s13 =	sand.u32 $0x1, s20  }
0x8: {  	s23 =	sshll.u32 s20, $0x7;
	_ =	strace $0x80000047;
	s4 =	sshll.u32 s3, $0x7  }
0x9: {  	s5 =	ssub.s32 $0x2, s3;
	s21 =	smul.u32 $0x988, s13;
	s24 =	sadd.s32 s23, s1  }
0xa: {  	s3 =	sshll.u32 s3, $0x3;
	s25 =	sor.u32 $0x80, s23;
	[dreg:$0xc] =	wrdreg s24  }
0xb: {  	s16 =	sshll.u32 s12, $0x3;
	s1 =	sadd.s32 s25, s1;
	[dreg:$0xa] =	wrdreg s21  }
0xc: {  	v0 =	vimm.s32 $0xECA86420;
	vm8 =	vcmask $0xB08;
	s3 =	sor.u32 s12, s3;
	s28 =	sadd.s32 s16, s8;
	[dreg:$0xe] =	wrdreg s1  }
0xd: {  	vm9 =	vcmask $0x1310;
	vm10 =	vcmask $0x1B18;
	vm11 =	vcmask $0x300;
	s26 =	sadd.s32 s16, s9;
	s22 =	smul.u32 $0xC3800, s3;
	[dreg:$0x11] =	wrdreg s28  }
0xe: {  	vm12 =	vcmask $0x2320;
	v1 =	vunpack.c.l.s4.s8 v0;
	v0 =	vmov s3;
	s10 =	sshll.u32 s3, $0x3;
	s3 =	sadd.s32 s23, s2;
	[dreg:$0xf] =	wrdreg s26  }
0xf: {  	vm13 =	vcmask $0x2B28;
	vm14 =	vcmask $0x3330;
	vm15 =	vcmask $0x3B38;
	s2 =	sadd.s32 s25, s2;
	[dreg:$0xd] =	wrdreg s3  }
0x10: {  	vm0 =	vmmov $0xff;
	v4 =	vimm.s32 $0x0;
	v5 =	vimm.s32 $0x3F3E3D3C;
	s0 =	sadd.s32 s4, s0;
	s1 =	sadd.s32 $0x40, s26;
	[dreg:$0x10] =	wrdreg s2  }
0x11: {  	v6 =	vimm.s32 $0x7B7A7978;
	v7 =	vimm.s32 $0x7F7E7D7C;
	v4 =	vsel vm0, $0xFFFFFFFF, v4;
	p1 =	sne.s32 s20, $0x0;
	s29 =	sadd.s32 $0x800, s0;
	[dreg:$0x12] =	wrdreg s1  }
.Ltmp0:
0x12: {  	v2 =	vlaneseq.u32;
	vm5 =	vcmask $0xF00;
	[tilespmem:$0x1FFF0] =	vst v4;
	v4 =	vimm.s32 $0x3B3A3938;
	s30 =	sadd.s32 $0xA00, s0;
	[dreg:$0x13] =	wrdreg s29;
	(pc) =	sbr.rel .LBB2_1-.Ltmp0, $4  }
0x13: {  	vm1 =	vcmask $0x1F10;
	v6 =	vunpack.c.0.s8.s32 v6;
	s6 =	sshrl.u32 s5, $0x1;
	v4 =	vunpack.c.0.s8.s32 v4;
	s0 =	sadd.s32 $0xC00, s0;
	[dreg:$0x14] =	wrdreg s30  }
0x14: {  	v3 =	vmul.u32 $0x2, v2;
	v5 =	vunpack.c.0.s8.s32 v5;
	v7 =	vunpack.c.0.s8.s32 v7;
	s20 =	simm.s32 $0x0;
	s5 =	ssub.s32 s5, s6;
	[dreg:$0x15] =	wrdreg s0  }
0x15: {  	p0 =	seq.s32 s13, $0x0;
	v1 =	vunpack.c.0.s8.s32 v1;
	v6 =	vnsel vm5, $0x7F, v6;
	s31 =	smax.u32 s5, $0x1;
	v4 =	vnsel vm5, $0x3F, v4;
	[dreg:$0xb] =	wrdreg s22  }
0x16: {  	s24 =	simm.s32 $0x100;
	[dreg:$0x16] =	wrdreg s31;
	s22 =	simm.s32 $0x2;
	v4 =	vsel vm1, v5, v4;
	v5 =	vsel vm1, v7, v6;
	v6 =	vimm.s32 $0x0  }
.LBB2_23:
0x17: {  	[bflag:$0x0] =	sbarrier.arrive $0xFFFF  }
.LBB2_28:
0x18: {  	s20 =	sadd.s32 $0x1, s20;
	s0 =	rddreg [dreg:$0x16]  }
0x19: {  	p2 =	sne.s32 s20, s0  }
.Ltmp1:
0x1a: {  	_ = 	snop;
	(pc) =	sbr.rel @!p2 .LBB2_29-.Ltmp1, $1  }
0x1b: {  	_ =	sdelay $0x3  }
.LBB2_1:
0x1c: {  	s0 =	rddreg [dreg:$0x0]  }
0x1d: {  	[tilespmem:s7], [sflag:$0x2] =	stream.linear.gather [hbm4b:s0+s7], $0x80, $0x38;
	[tilespmem:$0x7310] =	vst v63  }
0x1e: {  	_ =	swait.ge [sflag:s22], $0x80  }
0x1f: {  	[sflag:s22] =	ssyncset.done $0x0  }
0x20: {  	[sflag:s22] =	ssyncadd.s32 $0xFFFFFF80  }
0x21: {  	s1 =	simm.s32 $0x80;
	s17 =	rddreg [dreg:$0x1]  }
0x22: {  	[tilespmem:s1], [sflag:$0x2] =	stream.linear.gather [hbm4b:s17+s7], $0x80, $0x38;
	[tilespmem:$0x7310] =	vst v63  }
0x23: {  	_ =	swait.ge [sflag:s22], $0x80  }
0x24: {  	[sflag:s22] =	ssyncset.done $0x0  }
0x25: {  	[sflag:s22] =	ssyncadd.s32 $0xFFFFFF80  }
0x26: {  	s18 =	rddreg [dreg:$0x2]  }
0x27: {  	[tilespmem:s24], [sflag:$0x2] =	stream.linear.gather [hbm4b:s18+s7], $0x200, $0x38;
	[tilespmem:$0x7310] =	vst v63  }
0x28: {  	_ =	swait.ge [sflag:s22], $0x200  }
0x29: {  	[sflag:s22] =	ssyncset.done $0x0  }
0x2a: {  	[sflag:s22] =	ssyncadd.s32 $0xFFFFFE00  }
0x2b: {  	v7 =	vld.idx.msk [tilespmem:v0+s1+$0x0], $0xffff;
	_ =	sdelay $0x4  }
0x2c: {  	v7 =	vmul.u32 $0x3E8, v7;
	_ =	sdelay $0x1  }
0x2d: {  	(v2sf) =	vpush v7, $0xD;
	_ =	sdelay $0x1  }
0x2e: {  	(v2sf) =	vpush v7, $0xC;
	_ =	sdelay $0x1  }
0x2f: {  	(v2sf) =	vpush v7, $0xE;
	_ =	sdelay $0x1  }
0x30: {  	(v2sf) =	vpush v7, $0xF;
	_ =	sdelay $0x1  }
0x31: {  	(v2sf) =	vpush v7, $0x9;
	_ =	sdelay $0x1  }
0x32: {  	(v2sf) =	vpush v7, $0x8;
	_ =	sdelay $0x1  }
0x33: {  	(v2sf) =	vpush v7, $0xA;
	_ =	sdelay $0x1  }
0x34: {  	(v2sf) =	vpush v7, $0xB  }
0x35: {  	s19 =	spop (v2sf)  }
0x36: {  	(v2sf) =	vpush v7, $0x0;
	s21 =	smulhi.u32 $0x14F8B589, s19;
	s0 =	sshra.s32 s19, $0x1F  }
0x37: {  	s2 =	spop (v2sf);
	s0 =	smul.u32 $0x14F8B589, s0  }
0x38: {  	s3 =	smulhi.u32 $0x14F8B589, s2;
	s2 =	sshra.s32 s2, $0x1F  }
0x39: {  	(v2sf) =	vpush v7, $0x1;
	s30 =	spop (v2sf);
	s4 =	smul.u32 $0x14F8B589, s2  }
0x3a: {  	s5 =	smulhi.u32 $0x14F8B589, s30;
	s2 =	sshra.s32 s30, $0x1F  }
0x3b: {  	(v2sf) =	vpush v7, $0x2;
	s31 =	spop (v2sf);
	s6 =	smul.u32 $0x14F8B589, s2  }
0x3c: {  	(v2sf) =	vpush v7, $0x3;
	s26 =	smulhi.u32 $0x14F8B589, s31;
	s2 =	sshra.s32 s31, $0x1F  }
0x3d: {  	(v2sf) =	vpush v7, $0x4;
	s13 =	spop (v2sf);
	s28 =	smul.u32 $0x14F8B589, s2  }
0x3e: {  	s29 =	smulhi.u32 $0x14F8B589, s13;
	s8 =	sshra.s32 s13, $0x1F  }
0x3f: {  	(v2sf) =	vpush v7, $0x5;
	s9 =	spop (v2sf);
	s30 =	smul.u32 $0x14F8B589, s8  }
0x40: {  	(v2sf) =	vpush v7, $0x6;
	s31 =	smulhi.u32 $0x14F8B589, s9;
	s2 =	sshra.s32 s9, $0x1F  }
0x41: {  	(v2sf) =	vpush v7, $0x7;
	s11 =	spop (v2sf);
	s15 =	smul.u32 $0x14F8B589, s2  }
0x42: {  	s16 =	smulhi.u32 $0x14F8B589, s11;
	s13 =	sshra.s32 s11, $0x1F  }
0x43: {  	s12 =	spop (v2sf);
	s14 =	smul.u32 $0x14F8B589, s13  }
0x44: {  	s18 =	smulhi.u32 $0x14F8B589, s12;
	s2 =	sshra.s32 s12, $0x1F  }
0x45: {  	s17 =	spop (v2sf);
	s9 =	smul.u32 $0x14F8B589, s2  }
0x46: {  	s13 =	sadd.s32 s4, s3;
	s12 =	smulhi.u32 $0x14F8B589, s17  }
0x47: {  	s25 =	sshra.s32 s17, $0x1F;
	s2 =	sadd.s32 s0, s21;
	s0 =	sadd.s32 s6, s5  }
0x48: {  	s23 =	smul.u32 $0x14F8B589, s25;
	s4 =	sadd.s32 s14, s16;
	s19 =	spop (v2sf)  }
0x49: {  	s3 =	sadd.s32 s9, s18;
	s21 =	smulhi.u32 $0x14F8B589, s19;
	s1 =	sshra.s32 s19, $0x1F  }
0x4a: {  	s18 =	sshrl.u32 s13, $0x1F;
	s8 =	spop (v2sf);
	s19 =	smul.u32 $0x14F8B589, s1  }
0x4b: {  	s11 =	spop (v2sf);
	s6 =	smulhi.u32 $0x14F8B589, s8;
	s5 =	sshra.s32 s8, $0x1F  }
0x4c: {  	s1 =	sadd.s32 s28, s26;
	s17 =	spop (v2sf);
	s28 =	smul.u32 $0x14F8B589, s5  }
0x4d: {  	s5 =	sadd.s32 s30, s29;
	s29 =	smulhi.u32 $0x14F8B589, s11;
	s30 =	sshra.s32 s11, $0x1F  }
0x4e: {  	s26 =	sadd.s32 s15, s31;
	s25 =	spop (v2sf);
	s15 =	smul.u32 $0x14F8B589, s30  }
0x4f: {  	s14 =	smulhi.u32 $0x14F8B589, s17;
	s31 =	sshra.s32 s17, $0x1F;
	s8 =	spop (v2sf)  }
0x50: {  	s13 =	sshra.s32 s13, $0xD;
	s17 =	smul.u32 $0x14F8B589, s31;
	s30 =	spop (v2sf)  }
0x51: {  	s12 =	sadd.s32 s23, s12;
	s31 =	smulhi.u32 $0x14F8B589, s30;
	s16 =	sshra.s32 s30, $0x1F  }
0x52: {  	s11 =	sshrl.u32 s2, $0x1F;
	s2 =	sshra.s32 s2, $0xD;
	s16 =	smul.u32 $0x14F8B589, s16  }
0x53: {  	s19 =	sadd.s32 s19, s21;
	s21 =	sshrl.u32 s0, $0x1F;
	s0 =	sshra.s32 s0, $0xD  }
0x54: {  	vm0 =	vcmask $0x704;
	s23 =	sadd.s32 s28, s6;
	s9 =	sadd.s32 s17, s14;
	s6 =	sadd.s32 s16, s31  }
0x55: {  	vm4 =	vcmask $0xF0C;
	vm5 =	vcmask $0x1714;
	v9 =	vmov s18;
	s14 =	smulhi.u32 $0x14F8B589, s25;
	s30 =	sshra.s32 s25, $0x1F;
	s17 =	sshra.s32 s6, $0x1F  }
0x56: {  	v12 =	vmov s13;
	v9 =	vsel vm8, s11, v9;
	s28 =	sshrl.u32 s1, $0x1F;
	s16 =	smul.u32 $0x14F8B589, s30;
	s31 =	sshra.s32 s12, $0xD;
	v8 =	vmov s17  }
0x57: {  	v12 =	vsel vm8, s2, v12;
	v9 =	vsel vm9, s21, v9;
	s15 =	sadd.s32 s15, s29;
	s30 =	sshrl.u32 s12, $0x1F;
	s12 =	sshra.s32 s12, $0x1F;
	v8 =	vsel vm11, s31, v8  }
0x58: {  	v61 =	vsel vm9, s0, v12;
	s29 =	sshrl.u32 s26, $0x1F;
	v9 =	vsel vm10, s28, v9;
	s11 =	sadd.s32 s16, s14;
	s16 =	sshra.s32 s19, $0xD;
	v8 =	vsel vm0, s12, v8  }
0x59: {  	s25 =	sshrl.u32 s5, $0x1F;
	v11 =	vmov s29;
	v10 =	vmov s30;
	s17 =	sshra.s32 s19, $0x1F;
	v8 =	vsel vm8, s16, v8  }
0x5a: {  	s21 =	sshra.s32 s23, $0xD;
	s29 =	sshrl.u32 s4, $0x1F;
	v11 =	vsel vm8, s25, v11;
	v10 =	vnsel vm11, $0x0, v10;
	s31 =	sshrl.u32 s19, $0x1F;
	v8 =	vsel vm4, s17, v8  }
0x5b: {  	s18 =	sshrl.u32 s3, $0x1F;
	s25 =	sshra.s32 s26, $0xD;
	v11 =	vsel vm9, s29, v11;
	v10 =	vsel vm8, s31, v10;
	s31 =	sshra.s32 s23, $0x1F;
	v8 =	vsel vm9, s21, v8  }
0x5c: {  	s1 =	sshra.s32 s1, $0xD;
	s26 =	sshra.s32 s5, $0xD;
	v13 =	vmov s25;
	v11 =	vsel vm10, s18, v11;
	s17 =	sshra.s32 s15, $0xD;
	v8 =	vsel vm5, s31, v8  }
0x5d: {  	v13 =	vsel vm8, s26, v13;
	s30 =	sshrl.u32 s15, $0x1F;
	s19 =	sshrl.u32 s23, $0x1F;
	s15 =	sshra.s32 s15, $0x1F;
	vm4 =	vcmask $0x1F1C;
	v8 =	vsel vm10, s17, v8  }
0x5e: {  	v9 =	vcombine.low v11, v9;
	s12 =	smulhi.u32 $0x14F8B589, s8;
	s8 =	sshra.s32 s8, $0x1F;
	s23 =	sshra.s32 s9, $0xD;
	v10 =	vsel vm9, s19, v10;
	v8 =	vsel vm4, s15, v8  }
0x5f: {  	s8 =	smul.u32 $0x14F8B589, s8;
	s16 =	sshrl.u32 s9, $0x1F;
	s9 =	sshra.s32 s9, $0x1F;
	v10 =	vsel vm10, s30, v10;
	vm5 =	vcmask $0x2724;
	v8 =	vsel vm12, s23, v8  }
0x60: {  	s3 =	sshra.s32 s3, $0xD;
	v11 =	vsel vm10, s1, v61;
	s29 =	sshra.s32 s11, $0xD;
	s30 =	sshra.s32 s4, $0xD;
	v10 =	vsel vm12, s16, v10;
	v8 =	vsel vm5, s9, v8  }
0x61: {  	s19 =	sshrl.u32 s11, $0x1F;
	s8 =	sadd.s32 s8, s12;
	v62 =	vsel vm9, s30, v13;
	s31 =	sshra.s32 s11, $0x1F;
	vm4 =	vcmask $0x2F2C;
	v8 =	vsel vm13, s29, v8  }
0x62: {  	v63 =	vld [tilespmem:$0x1FFF0];
	v10 =	vsel vm13, s19, v10;
	s21 =	sshrl.u32 s8, $0x1F;
	s4 =	sshra.s32 s8, $0xD;
	v12 =	vsel vm10, s3, v62;
	v8 =	vsel vm4, s31, v8  }
0x63: {  	s5 =	sshrl.u32 s6, $0x1F;
	v10 =	vsel vm14, s21, v10;
	s9 =	sshra.s32 s8, $0x1F;
	vm5 =	vcmask $0x3734;
	v8 =	vsel vm14, s4, v8  }
0x64: {  	s11 =	sshra.s32 s6, $0xD;
	v11 =	vcombine.low v12, v11;
	v10 =	vsel vm15, s5, v10;
	v8 =	vsel vm5, s9, v8  }
0x65: {  	v9 =	vperm.xlane v9, v1;
	v10 =	vperm.xlane v10, v3;
	v8 =	vsel vm15, s11, v8  }
0x66: {  	v11 =	vperm.xlane v11, v1;
	v8 =	vperm.xlane v8, v3  }
0x67: {  	vm4 =	vnez.u8 v63  }
0x68: {  	v9 =	vsel vm4, v10, v9;
	v8 =	vsel vm4, v8, v11  }
0x69: {  	v8 =	vadd.s32 v9, v8  }
0x6a: {  	v8 =	vmul.u32 $0x186A0, v8;
	_ =	sdelay $0x1  }
0x6b: {  	v7 =	vsub.s32 v7, v8  }
0x6c: {  	vm5 =	vlt.s32 v7, $0x0;
	v8 =	vadd.s32 $0x186A0, v7  }
0x6d: {  	v7 =	vsel vm5, v8, v7  }
0x6e: {  	(v2sf) =	vpush v7, $0x0;
	_ =	sdelay $0xe  }
0x6f: {  	s13 =	rddreg [dreg:$0xa];
	s12 =	spop (v2sf)  }
0x70: {  	s0 =	sadd.s32 s13, s12  }
0x71: {  	s1 =	sand.u32 $0x7F, s0  }
0x72: {  	s14 =	sshra.s32 s0, $0x1F;
	p2 =	slt.s32 s0, $0x1;
	p3 =	sne.s32 s1, $0x0  }
0x73: {  	s15 =	sshrl.u32 s14, $0x19;
	p2 =	por !p2, !p3  }
0x74: {  	s2 =	simm.s32 $0x1;
	s1 =	sadd.s32 s15, s0;
	p2 =	por !p2, !p2  }
0x75: {  	s1 =	sshra.s32 s1, $0x7;
	s2 =	simm.s32 @!p2 $0x0  }
0x76: {  	s1 =	ssub.s32 s1, s2  }
0x77: {  	s16 =	rddreg [dreg:$0xb];
	s2 =	sshll.u32 s1, $0xA  }
0x78: {  	s28 =	sshll.u32 s1, $0x7;
	s2 =	sadd.s32 s16, s2  }
0x79: {  	s18 =	rddreg [dreg:$0x3];
	s17 =	sshrl.u32 s2, $0x3;
	s2 =	ssub.s32 s0, s28  }
0x7a: {  	s19 =	simm.s32 $0x300;
	s0 =	sadd.s32 s18, s17;
	s3 =	sadd.s32 $0xA00, s2  }
0x7b: {  	v7 =	vld [tilespmem:$0x0];
	[tilespmem:s19], [sflag:$0x1] =	stream.linear.gather [hbm4b:s0+s7], $0x5400, $0x38  }
0x7c: {  	s3 =	simm.s32 @p0 $0x0  }
0x7d: {  	s21 =	sand.u32 $0xF, s3  }
0x7e: {  	s23 =	sshra.s32 s3, $0x1F;
	p3 =	slt.s32 s3, $0x1;
	p4 =	sne.s32 s21, $0x0  }
0x7f: {  	s25 =	sshrl.u32 s23, $0x1C;
	p2 =	por !p3, !p4  }
0x80: {  	s1 =	simm.s32 $0x1;
	s0 =	sadd.s32 s25, s3;
	p2 =	por !p2, !p2  }
0x81: {  	s0 =	sshra.s32 s0, $0x4;
	s1 =	simm.s32 @!p2 $0x0  }
0x82: {  	s4 =	ssub.s32 s0, s1  }
0x83: {  	s2 =	simm.s32 @!p0 $0xA80;
	s0 =	sshll.u32 s4, $0x4  }
0x84: {  	s26 =	ssub.s32 s2, s0  }
0x85: {  	s1 =	sadd.s32 $0xF, s26  }
0x86: {  	s29 =	sand.u32 $0xF, s1  }
0x87: {  	s30 =	sshra.s32 s1, $0x1F;
	p6 =	slt.s32 s1, $0x1;
	p5 =	sne.s32 s29, $0x0  }
0x88: {  	s5 =	sshrl.u32 s30, $0x1C;
	p2 =	por !p6, !p5  }
0x89: {  	s1 =	sadd.s32 s5, s1;
	s5 =	simm.s32 $0x1;
	p2 =	por !p2, !p2  }
0x8a: {  	s1 =	sshra.s32 s1, $0x4;
	s5 =	simm.s32 @!p2 $0x0  }
0x8b: {  	s1 =	ssub.s32 s1, s5  }
0x8c: {  	p2 =	slt.s32 s1, $0x1  }
.Ltmp2:
0x8d: {  	_ = 	snop;
	(pc) =	sbr.rel @p2 .LBB2_8-.Ltmp2, $4  }
0x8e: {  	s31 =	simm.s32 $0x1  }
0x8f: {  	_ =	swait.ge [sflag:s31], $0x5400  }
0x90: {  	[sflag:s31] =	ssyncset.done $0x0  }
0x91: {  	[sflag:s31] =	ssyncadd.s32 $0xFFFFAC00  }
0x92: {  	v8 =	vmov s3;
	v9 =	vmov s2;
	s2 =	sshll.u32 s4, $0x7;
	s3 =	simm.s32 $0x0  }
.LBB2_3:
0x93: {  	p3 =	sne.s32 s1, $0x1  }
.Ltmp3:
0x94: {  	_ = 	snop;
	(pc) =	sbr.rel @!p3 .LBB2_4-.Ltmp3, $4  }
0x95: {  	_ = 	snop  }
0x96: {  	s4 =	sshll.u32 s3, $0x7  }
0x97: {  	s26 =	sand.u32 $0xFFFFFC00, s2;
	s4 =	sand.u32 $0x3FFFFF80, s4  }
0x98: {  	s6 =	sadd.s32 $0xFFFFFFFF, s1;
	p2 =	por $0x0, $0x0;
	s4 =	sadd.s32 $0x300, s4  }
0x99: {  	s5 =	sand.u32 $0x70, s0;
	s8 =	sadd.s32 s26, s4  }
0x9a: {  	v10 =	vor.u32 s0, v2;
	p3 =	sne.s32 s6, $0x1;
	s5 =	sadd.s32 s5, s8  }
.Ltmp4:
0x9b: {  	vm0 =	vge.s32 v10, v8;
	vm1 =	vlt.s32 v10, v9;
	v10 =	vld [tilespmem:s5+$0x0];
	(pc) =	sbr.rel @!p3 .LBB2_7-.Ltmp4, $3  }
0x9c: {  	_ =	sdelay $0x1  }
0x9d: {  	s13 =	sadd.s32 $0x80, s2;
	s29 =	sadd.s32 $0xFFFFFFFF, s6  }
0x9e: {  	s6 =	sadd.s32 $0x10, s0;
	p2 =	por $0x1, $0x1;
	s26 =	sand.u32 $0xFFFFFC00, s13;
	vm0 =	vmand vm0, vm1  }
.LBB2_6:
0x9f: {  	p3 =	sne.s32 s29, $0x1;
	s8 =	sand.u32 $0x70, s6;
	s9 =	sadd.s32 s26, s4;
	v10 =	vsel vm0, $0xFF800000, v10  }
0xa0: {  	[tilespmem:s5+$0x0] =	vst v10;
	s5 =	sadd.s32 s8, s9  }
.Ltmp5:
0xa1: {  	v10 =	vld [tilespmem:s5+$0x0];
	(pc) =	sbr.rel @p3 .LBB2_6-.Ltmp5, $4  }
0xa2: {  	_ = 	snop  }
0xa3: {  	v11 =	vor.u32 s6, v2  }
0xa4: {  	s13 =	sadd.s32 $0x80, s13;
	vm0 =	vge.s32 v11, v8;
	vm1 =	vlt.s32 v11, v9  }
0xa5: {  	s29 =	sadd.s32 $0xFFFFFFFF, s29;
	s6 =	sadd.s32 $0x10, s6;
	s26 =	sand.u32 $0xFFFFFC00, s13;
	vm0 =	vmand vm0, vm1  }
.LBB2_7:
0xa6: {  	s8 =	sand.u32 $0x70, s6;
	s4 =	sadd.s32 s26, s4;
	v10 =	vsel @p2 vm0, $0xFF800000, v10  }
0xa7: {  	s4 =	sadd.s32 s8, s4;
	[tilespmem:s5+$0x0] =	vst @p2 v10  }
0xa8: {  	s3 =	sadd.s32 $0x1, s3;
	v10 =	vld [tilespmem:s4+$0x0]  }
0xa9: {  	p2 =	sne.s32 s3, $0x8  }
.Ltmp6:
0xaa: {  	v11 =	vor.u32 s6, v2;
	(pc) =	sbr.rel @p2 .LBB2_3-.Ltmp6, $4  }
.Ltmp7:
0xab: {  	vm5 =	vge.s32 v11, v8;
	vm1 =	vlt.s32 v11, v9;
	(pc) =	sbr.rel @!p2 .LBB2_8-.Ltmp7, $4  }
0xac: {  	vm0 =	vmand vm5, vm1  }
0xad: {  	v10 =	vsel vm0, $0xFF800000, v10  }
0xae: {  	[tilespmem:s4+$0x0] =	vst v10  }
0xaf: {  	_ = 	snop  }
.LBB2_4:
.Ltmp8:
0xb0: {  	(pc) =	sbr.rel .LBB2_7-.Ltmp8, $2  }
0xb1: {  	_ =	sdelay $0x2  }
0xb2: {  	s6 =	smov.u32 s0  }
.LBB2_8:
0xb3: {  	v7 =	vadd.s32 $0xFFFFFFFF, v7;
	s0 =	simm.s32 $0x0;
	v8 =	vimm.f32 $-Inf;
	s1 =	simm.s32 $0x5700;
	s2 =	simm.s32 $0x340  }
.LBB2_9:
0xb4: {  	s3 =	sadd.s32 s10, s0  }
0xb5: {  	s3 =	sshll.u32 s3, $0x2  }
0xb6: {  	v9 =	vadd.s32 s3, v7;
	_ =	sdelay $0x2  }
0xb7: {  	v11 =	vld [tilespmem:s2+$0xFFFFFFD0]  }
0xb8: {  	v12 =	vld [tilespmem:s2+$0xFFFFFFC0]  }
0xb9: {  	s5 =	simm.s32 $0x40;
	s4 =	smov.u32 s2;
	s3 =	simm.s32 $0x0;
	v10 =	vld.idx.msk [tilespmem:v9+s24+$0x0], $0xffff;
	v9 =	vmov s1  }
.LBB2_10:
0xba: {  	p2 =	sne.s32 s5, $0x500;
	v13 =	vld [tilespmem:s4+$0xFFFFFFE0]  }
0xbb: {  	v14 =	vld [tilespmem:s4+$0xFFFFFFF0]  }
0xbc: {  	v15 =	vld [tilespmem:s4+$0x0]  }
0xbd: {  	v16 =	vld [tilespmem:s4+$0x10]  }
0xbe: {  	v11 =	vmax.f32 v12, v11;
	v12 =	vld [tilespmem:s4+$0x20]  }
0xbf: {  	v11 =	vmax.f32 v11, v13;
	v13 =	vld [tilespmem:s4+$0x30]  }
0xc0: {  	v11 =	vmax.f32 v11, v14  }
0xc1: {  	v11 =	vmax.f32 v11, v15  }
0xc2: {  	v11 =	vmax.f32 v11, v16  }
0xc3: {  	v11 =	vmax.f32 v11, v12  }
0xc4: {  	v11 =	vmax.f32 v11, v13  }
.Ltmp9:
0xc5: {  	v11 =	vadd.f32 v11, v10;
	(pc) =	sbr.rel @p2 .LBB2_10-.Ltmp9, $4  }
0xc6: {  	s6 =	sshra.s32 s3, $0x2;
	s3 =	smov.u32 s5  }
0xc7: {  	s4 =	sadd.s32 $0x400, s4;
	[tilespmem:v9+s6+$0x0 ss:$0x1] =	vst.idx.msk $0xffff, v11;
	v8 =	vmax.f32 v8, v11  }
0xc8: {  	v11 =	vld [tilespmem:s4+$0xFFFFFFD0]  }
0xc9: {  	s5 =	sadd.s32 $0x40, s5;
	v12 =	vld [tilespmem:s4+$0xFFFFFFC0]  }
0xca: {  	v13 =	vld [tilespmem:s4+$0xFFFFFFE0]  }
0xcb: {  	v14 =	vld [tilespmem:s4+$0xFFFFFFF0]  }
0xcc: {  	v15 =	vld [tilespmem:s4+$0x0]  }
0xcd: {  	v16 =	vld [tilespmem:s4+$0x10]  }
0xce: {  	v62 =	vld [tilespmem:s4+$0x20];
	v11 =	vmax.f32 v12, v11  }
0xcf: {  	v63 =	vld [tilespmem:s4+$0x30];
	v11 =	vmax.f32 v11, v13  }
0xd0: {  	v11 =	vmax.f32 v11, v14  }
0xd1: {  	s0 =	sadd.s32 $0x1, s0;
	v11 =	vmax.f32 v11, v15  }
0xd2: {  	p2 =	sne.s32 s0, $0x8;
	v11 =	vmax.f32 v11, v16  }
.Ltmp10:
0xd3: {  	v11 =	vmax.f32 v11, v62;
	(pc) =	sbr.rel @p2 .LBB2_9-.Ltmp10, $4  }
0xd4: {  	v11 =	vmax.f32 v11, v63  }
0xd5: {  	v10 =	vadd.f32 v11, v10  }
0xd6: {  	s3 =	sshra.s32 s3, $0x2  }
0xd7: {  	s1 =	sadd.s32 $0x150, s1;
	s2 =	sadd.s32 $0x80, s2;
	[tilespmem:v9+s3+$0x0 ss:$0x1] =	vst.idx.msk $0xffff, v10;
	v8 =	vmax.f32 v8, v10  }
0xd8: {  	(xrf1) =	vsort.ascd.msk.f32 $0xffff, v8, v8;
	_ =	sdelay $0x9  }
0xd9: {  	v11 =	vimm.f32 $-Inf;
	v10 =	vimm.s32 $0x0  }
.Ltmp11:
0xda: {  	v12 =	vimm.s32 $0x0;
	v15 =	vimm.s32 $0x0;
	v16 =	vimm.s32 $0x0;
	(pc) =	sbr.rel .LBB2_13-.Ltmp11, $4  }
0xdb: {  	v17 =	vimm.s32 $0x0;
	v19 =	vimm.s32 $0x0;
	v21 =	vimm.s32 $0x0  }
0xdc: {  	v23 =	vimm.s32 $0x0;
	v13 =	vimm.f32 $-Inf;
	v14 =	vimm.f32 $-Inf  }
0xdd: {  	v20 =	vimm.f32 $-Inf;
	v22 =	vimm.f32 $-Inf;
	v18 =	vimm.f32 $-Inf;
	v8, _, _ =	vpop (xrf1)  }
0xde: {  	s31 =	simm.s32 $0x0;
	s26 =	simm.s32 $0x300;
	v26 =	vimm.f32 $-Inf;
	v24 =	vimm.f32 $-Inf;
	v8 =	vbroadcast v8, $0x8  }
.LBB2_21:
0xdf: {  	s31 =	sadd.s32 $0x1, s31  }
0xe0: {  	p2 =	sne.s32 s31, $0x8  }
.Ltmp12:
0xe1: {  	_ = 	snop;
	(pc) =	sbr.rel @!p2 .LBB2_22-.Ltmp12, $2  }
0xe2: {  	_ =	sdelay $0x2  }
0xe3: {  	s28 =	sadd.s32 $0x186A0, s28;
	s26 =	sadd.s32 $0x80, s26  }
.LBB2_13:
0xe4: {  	s0 =	sadd.s32 s10, s31  }
0xe5: {  	s0 =	sshll.u32 s0, $0x2  }
0xe6: {  	v9 =	vadd.s32 s0, v7  }
.Ltmp13:
0xe7: {  	_ = 	snop;
	(pc) =	sbr.rel .LBB2_14-.Ltmp13, $3  }
0xe8: {  	_ =	sdelay $0x1  }
0xe9: {  	s5 =	smul.u32 $0x15, s31  }
0xea: {  	s6 =	smov.u32 s26;
	s1 =	simm.s32 $0x0;
	s0 =	smov.u32 s28;
	v9 =	vld.idx.msk [tilespmem:v9+s24+$0x0], $0xffff  }
.LBB2_20:
0xeb: {  	s1 =	sadd.s32 $0x1, s1  }
0xec: {  	p2 =	sne.s32 s1, $0x3  }
.Ltmp14:
0xed: {  	_ = 	snop;
	(pc) =	sbr.rel @!p2 .LBB2_21-.Ltmp14, $2  }
0xee: {  	_ =	sdelay $0x2  }
0xef: {  	s0 =	sadd.s32 $0x380, s0;
	s6 =	sadd.s32 $0x1C00, s6  }
.LBB2_14:
0xf0: {  	s2 =	smul.u32 $0x7, s1;
	_ =	sdelay $0x1  }
0xf1: {  	s3 =	sadd.s32 s5, s2  }
0xf2: {  	s3 =	sshll.u32 s3, $0x4  }
0xf3: {  	s3 =	sand.u32 $0x3FFFFFF0, s3  }
0xf4: {  	v25 =	vld [tilespmem:s3+$0x5700]  }
0xf5: {  	v27 =	vld [tilespmem:s3+$0x5710]  }
0xf6: {  	v28 =	vld [tilespmem:s3+$0x5720]  }
0xf7: {  	v29 =	vld [tilespmem:s3+$0x5730]  }
0xf8: {  	v30 =	vld [tilespmem:s3+$0x5740]  }
0xf9: {  	v31 =	vld [tilespmem:s3+$0x5750]  }
0xfa: {  	v25 =	vmax.f32 v25, v27;
	v27 =	vld [tilespmem:s3+$0x5760]  }
0xfb: {  	v25 =	vmax.f32 v25, v28  }
0xfc: {  	v25 =	vmax.f32 v25, v29  }
0xfd: {  	v25 =	vmax.f32 v25, v30  }
0xfe: {  	v25 =	vmax.f32 v25, v31  }
0xff: {  	v25 =	vmax.f32 v25, v27  }
0x100: {  	vm0 =	vge.f32 v25, v8  }
0x101: {  	v25 =	vmpcnt.ones.xlane vm0;
	_ =	sdelay $0x1  }
0x102: {  	(v2sf) =	vpush v25, $0x0;
	_ =	sdelay $0xe  }
0x103: {  	s29 =	spop (v2sf)  }
0x104: {  	p2 =	slt.s32 s29, $0x1  }
.Ltmp15:
0x105: {  	_ = 	snop;
	(pc) =	sbr.rel @!p2 .LBB2_15-.Ltmp15, $4  }
.Ltmp16:
0x106: {  	_ = 	snop;
	(pc) =	sbr.rel @p2 .LBB2_20-.Ltmp16, $4  }
0x107: {  	_ = 	snop  }
0x108: {  	_ = 	snop  }
0x109: {  	s4 =	smov.u32 s6;
	s30 =	smov.u32 s0;
	s3 =	simm.s32 $0x0  }
0x10a: {  	_ = 	snop  }
.LBB2_19:
0x10b: {  	s3 =	sadd.s32 $0x1, s3  }
0x10c: {  	p2 =	sne.s32 s3, $0x7  }
.Ltmp17:
0x10d: {  	_ = 	snop;
	(pc) =	sbr.rel @!p2 .LBB2_20-.Ltmp17, $2  }
0x10e: {  	_ =	sdelay $0x2  }
0x10f: {  	s30 =	sadd.s32 $0x80, s30;
	s4 =	sadd.s32 $0x400, s4  }
.LBB2_15:
0x110: {  	s8 =	sadd.s32 s2, s3  }
0x111: {  	s8 =	sadd.s32 s5, s8  }
0x112: {  	s8 =	sshll.u32 s8, $0x4  }
0x113: {  	s8 =	sand.u32 $0x3FFFFFF0, s8  }
0x114: {  	v25 =	vld [tilespmem:s8+$0x5700];
	_ =	sdelay $0x4  }
0x115: {  	vm0 =	vge.f32 v25, v8  }
0x116: {  	v25 =	vmpcnt.ones.xlane vm0;
	_ =	sdelay $0x1  }
0x117: {  	(v2sf) =	vpush v25, $0x0;
	_ =	sdelay $0xe  }
0x118: {  	s29 =	spop (v2sf)  }
0x119: {  	p2 =	slt.s32 s29, $0x1  }
.Ltmp18:
0x11a: {  	_ = 	snop;
	(pc) =	sbr.rel @p2 .LBB2_19-.Ltmp18, $1  }
0x11b: {  	_ =	sdelay $0x3  }
0x11c: {  	s8 =	sadd.s32 $0x0, s4  }
0x11d: {  	v25 =	vld [tilespmem:s8+$0x0];
	_ =	sdelay $0x4  }
0x11e: {  	v25 =	vadd.f32 v25, v9;
	_ =	sdelay $0x1  }
0x11f: {  	vm0 =	vge.f32 v25, v8  }
0x120: {  	v27 =	vmpcnt.ones.xlane vm0;
	_ =	sdelay $0x1  }
0x121: {  	(v2sf) =	vpush v27, $0x0;
	_ =	sdelay $0x6  }
0x122: {  	s19 =	sadd.s32 $0x10, s4  }
0x123: {  	v27 =	vld [tilespmem:s19+$0x0];
	_ =	sdelay $0x4  }
0x124: {  	v27 =	vadd.f32 v27, v9;
	_ =	sdelay $0x1  }
0x125: {  	vm0 =	vge.f32 v27, v8;
	s21 =	spop (v2sf)  }
0x126: {  	v28 =	vmpcnt.ones.xlane vm0;
	p2 =	slt.s32 s21, $0x1  }
0x127: {  	vm0 =	vgt.f32 @!p2 v25, v24  }
0x128: {  	(v2sf) =	vpush v28, $0x0;
	v29 =	vsel @!p2 vm0, v24, v25  }
0x129: {  	vm1 =	vgt.f32 @!p2 v29, v26  }
0x12a: {  	v28 =	vsel @!p2 vm1, v26, v29  }
0x12b: {  	vm2 =	vgt.f32 @!p2 v28, v18  }
0x12c: {  	v30 =	vlaneseq.u32 @!p2;
	v31 =	vsel @!p2 vm2, v18, v28  }
0x12d: {  	v32 =	vsel @!p2 vm0, v25, v24;
	v30 =	vor.u32 @!p2 s30, v30;
	vm3 =	vgt.f32 @!p2 v31, v22  }
0x12e: {  	v33 =	vsel @!p2 vm0, v23, v30;
	v29 =	vsel @!p2 vm1, v29, v26;
	v34 =	vsel @!p2 vm3, v22, v31  }
0x12f: {  	v35 =	vsel @!p2 vm1, v21, v33;
	v25 =	vsel @!p2 vm2, v28, v18;
	vm4 =	vgt.f32 @!p2 v34, v20  }
0x130: {  	v36 =	vpsel p2, v18, v25;
	v18 =	vsel @!p2 vm3, v31, v22;
	v28 =	vsel @!p2 vm4, v20, v34  }
0x131: {  	s23 =	sadd.s32 $0x20, s4;
	v31 =	vsel @!p2 vm2, v19, v35;
	v25 =	vpsel p2, v22, v18;
	vm5 =	vgt.f32 @!p2 v28, v14;
	p2 =	por p2, p2  }
0x132: {  	v37 =	vld [tilespmem:s23+$0x0];
	v18 =	vsel @!p2 vm0, v30, v23;
	v30 =	vsel @!p2 vm3, v31, v17;
	v22 =	vsel @!p2 vm4, v34, v20  }
0x133: {  	v31 =	vsel @!p2 vm3, v17, v31;
	v24 =	vpsel p2, v24, v32;
	v38 =	vsel @!p2 vm5, v14, v28  }
0x134: {  	v22 =	vpsel p2, v20, v22;
	v20 =	vpsel p2, v23, v18;
	v18 =	vsel @!p2 vm1, v33, v21  }
0x135: {  	v23 =	vsel @!p2 vm2, v35, v19;
	vm7 =	vgt.f32 @!p2 v38, v13;
	v21 =	vpsel p2, v21, v18  }
0x136: {  	v23 =	vpsel p2, v19, v23;
	v19 =	vpsel p2, v17, v30;
	v30 =	vsel @!p2 vm4, v31, v16  }
0x137: {  	v31 =	vsel @!p2 vm4, v16, v31;
	v18 =	vpsel p2, v26, v29;
	v17 =	vadd.f32 v37, v9;
	s25 =	spop (v2sf)  }
0x138: {  	v39 =	vsel @!p2 vm7, v13, v38;
	v38 =	vsel @!p2 vm7, v38, v13;
	v26 =	vsel @!p2 vm5, v31, v15;
	p3 =	slt.s32 s25, $0x1  }
0x139: {  	v37 =	vsel @!p2 vm5, v15, v31;
	vm1 =	vge.f32 v17, v8;
	vm0 =	vgt.f32 @!p3 v27, v24  }
0x13a: {  	v15 =	vpsel p2, v15, v26;
	v26 =	vmpcnt.ones.xlane vm1;
	v31 =	vsel @!p3 vm0, v24, v27  }
0x13b: {  	v16 =	vpsel p2, v16, v30;
	v30 =	vsel @!p2 vm5, v28, v14;
	vm1 =	vgt.f32 @!p3 v31, v18  }
0x13c: {  	vm6 =	vgt.f32 @!p2 v39, v11;
	(v2sf) =	vpush v26, $0x0;
	v26 =	vsel @!p3 vm1, v18, v31  }
0x13d: {  	s29 =	sadd.s32 $0x10, s30;
	v28 =	vlaneseq.u32 @!p3;
	v14 =	vpsel p2, v14, v30;
	vm2 =	vgt.f32 @!p3 v26, v36  }
0x13e: {  	v39 =	vsel @!p2 vm6, v39, v11;
	v32 =	vor.u32 @!p3 s29, v28;
	v34 =	vsel @!p3 vm2, v36, v26  }
0x13f: {  	v27 =	vsel @!p3 vm0, v27, v24;
	v29 =	vsel @!p3 vm0, v20, v32;
	vm5 =	vgt.f32 @!p3 v34, v25  }
0x140: {  	v28 =	vsel @!p3 vm1, v31, v18;
	v35 =	vsel @!p3 vm5, v34, v25;
	v34 =	vsel @!p3 vm5, v25, v34  }
0x141: {  	v31 =	vsel @!p3 vm1, v21, v29;
	v33 =	vsel @!p3 vm2, v26, v36;
	vm4 =	vgt.f32 @!p3 v34, v22  }
0x142: {  	v26 =	vpsel p3, v36, v33;
	v33 =	vsel @!p3 vm2, v23, v31;
	v30 =	vsel @!p3 vm4, v22, v34  }
0x143: {  	s13 =	simm.s32 $0xC0;
	v36 =	vsel @!p2 vm7, v12, v37;
	v37 =	vsel @!p2 vm7, v37, v12;
	vm3 =	vgt.f32 @!p3 v30, v14  }
.LBB2_17:
0x144: {  	s8 =	sshra.s32 s13, $0x2;
	s13 =	sadd.s32 $0x40, s13;
	v36 =	vsel @!p2 vm6, v36, v10;
	v11 =	vpsel p2, v11, v39;
	v12 =	vpsel p2, v12, v37  }
0x145: {  	v25 =	vpsel p3, v25, v35;
	v13 =	vpsel p2, v13, v38;
	s8 =	sadd.s32 s8, s4;
	p4 =	sne.s32 s13, $0x200;
	v10 =	vpsel p2, v10, v36;
	p2 =	por p3, p3  }
0x146: {  	v35 =	vld [tilespmem:s8+$0x0];
	v32 =	vsel @!p2 vm0, v32, v20;
	v36 =	vsel @!p2 vm5, v33, v19;
	v34 =	vsel @!p2 vm4, v34, v22  }
0x147: {  	v33 =	vsel @!p2 vm5, v19, v33;
	v22 =	vpsel p2, v22, v34;
	v20 =	vpsel p2, v20, v32  }
0x148: {  	v29 =	vsel @!p2 vm1, v29, v21;
	v31 =	vsel @!p2 vm2, v31, v23;
	v24 =	vpsel p2, v24, v27  }
0x149: {  	v21 =	vpsel p2, v21, v29;
	v23 =	vpsel p2, v23, v31;
	v19 =	vpsel p2, v19, v36  }
0x14a: {  	v18 =	vpsel p2, v18, v28;
	v27 =	vsel @!p2 vm4, v33, v16;
	v29 =	vsel @!p2 vm4, v16, v33  }
0x14b: {  	v31 =	vsel @!p2 vm3, v29, v15;
	v16 =	vpsel p2, v16, v27;
	v28 =	vadd.f32 v35, v9;
	s8 =	spop (v2sf)  }
0x14c: {  	v38 =	vsel @!p2 vm3, v14, v30;
	v33 =	vsel @!p2 vm3, v30, v14;
	v37 =	vsel @!p2 vm3, v15, v29;
	p3 =	slt.s32 s8, $0x1  }
0x14d: {  	s29 =	sadd.s32 $0x10, s29;
	v15 =	vpsel p2, v15, v31;
	vm1 =	vge.f32 v28, v8;
	vm0 =	vgt.f32 @!p3 v17, v24  }
0x14e: {  	v30 =	vlaneseq.u32 @!p3;
	v29 =	vmpcnt.ones.xlane vm1;
	v31 =	vsel @!p3 vm0, v24, v17  }
0x14f: {  	vm7 =	vgt.f32 @!p2 v38, v13;
	v27 =	vsel @!p3 vm0, v17, v24;
	v17 =	vmovc v28;
	vm1 =	vgt.f32 @!p3 v31, v18  }
0x150: {  	v32 =	vor.u32 @!p3 s29, v30;
	(v2sf) =	vpush v29, $0x0;
	v30 =	vsel @!p3 vm1, v18, v31  }
0x151: {  	v29 =	vsel @!p3 vm0, v20, v32;
	v28 =	vsel @!p3 vm1, v31, v18;
	vm2 =	vgt.f32 @!p3 v30, v26  }
0x152: {  	v31 =	vsel @!p3 vm1, v21, v29;
	v34 =	vsel @!p3 vm2, v30, v26;
	v30 =	vsel @!p3 vm2, v26, v30  }
.Ltmp19:
0x153: {  	v14 =	vpsel p2, v14, v33;
	vm5 =	vgt.f32 @!p3 v30, v25;
	v26 =	vpsel p3, v26, v34;
	(pc) =	sbr.rel @p4 .LBB2_17-.Ltmp19, $4  }
0x154: {  	v33 =	vsel @!p3 vm2, v23, v31;
	v35 =	vsel @!p3 vm5, v30, v25;
	v34 =	vsel @!p3 vm5, v25, v30  }
0x155: {  	v39 =	vsel @!p2 vm7, v13, v38;
	v36 =	vsel @!p2 vm7, v12, v37;
	vm4 =	vgt.f32 @!p3 v34, v22  }
0x156: {  	v37 =	vsel @!p2 vm7, v37, v12;
	vm6 =	vgt.f32 @!p2 v39, v11;
	v30 =	vsel @!p3 vm4, v22, v34  }
0x157: {  	v38 =	vsel @!p2 vm7, v38, v13;
	v39 =	vsel @!p2 vm6, v39, v11;
	vm3 =	vgt.f32 @!p3 v30, v14  }
0x158: {  	v36 =	vsel @!p2 vm6, v36, v10;
	v11 =	vpsel p2, v11, v39;
	v12 =	vpsel p2, v12, v37  }
0x159: {  	v25 =	vpsel p3, v25, v35;
	v13 =	vpsel p2, v13, v38;
	v10 =	vpsel p2, v10, v36;
	p2 =	por p3, p3  }
0x15a: {  	v32 =	vsel @!p2 vm0, v32, v20;
	v35 =	vsel @!p2 vm5, v33, v19;
	v34 =	vsel @!p2 vm4, v34, v22  }
0x15b: {  	v33 =	vsel @!p2 vm5, v19, v33;
	v24 =	vpsel p2, v24, v27;
	v28 =	vpsel p2, v18, v28  }
0x15c: {  	v34 =	vpsel p2, v22, v34;
	v32 =	vpsel p2, v20, v32;
	v20 =	vsel @!p2 vm1, v29, v21  }
0x15d: {  	v22 =	vsel @!p2 vm2, v31, v23;
	v29 =	vpsel p2, v19, v35;
	v19 =	vsel @!p2 vm4, v33, v16  }
0x15e: {  	v21 =	vpsel p2, v21, v20;
	v27 =	vpsel p2, v23, v22;
	v20 =	vsel @!p2 vm4, v16, v33  }
0x15f: {  	v16 =	vpsel p2, v16, v19;
	v19 =	vsel @!p2 vm3, v30, v14;
	v22 =	vsel @!p2 vm3, v14, v30;
	s8 =	spop (v2sf)  }
0x160: {  	v18 =	vsel @!p2 vm3, v20, v15;
	v20 =	vsel @!p2 vm3, v15, v20;
	vm3 =	vgt.f32 @!p2 v22, v13;
	p3 =	slt.s32 s8, $0x1  }
0x161: {  	v14 =	vpsel p2, v14, v19;
	v15 =	vpsel p2, v15, v18;
	vm0 =	vgt.f32 @!p3 v17, v24  }
0x162: {  	v37 =	vsel @!p2 vm3, v12, v20;
	v20 =	vsel @!p2 vm3, v20, v12;
	v23 =	vsel @!p3 vm0, v24, v17  }
0x163: {  	v39 =	vsel @!p2 vm3, v22, v13;
	s8 =	sadd.s32 $0x10, s29;
	v18 =	vlaneseq.u32 @!p3;
	vm1 =	vgt.f32 @!p3 v23, v28  }
0x164: {  	v12 =	vpsel p2, v12, v20;
	v31 =	vor.u32 @!p3 s8, v18;
	v30 =	vsel @!p3 vm1, v28, v23  }
0x165: {  	v17 =	vsel @!p3 vm0, v17, v24;
	v33 =	vsel @!p3 vm0, v32, v31;
	vm2 =	vgt.f32 @!p3 v30, v26  }
0x166: {  	v35 =	vsel @!p3 vm1, v23, v28;
	v36 =	vsel @!p3 vm1, v21, v33;
	v23 =	vsel @!p3 vm2, v26, v30  }
0x167: {  	v18 =	vsel @!p3 vm2, v30, v26;
	v30 =	vsel @!p2 vm3, v13, v22;
	vm4 =	vgt.f32 @!p3 v23, v25  }
0x168: {  	v18 =	vpsel p3, v26, v18;
	v26 =	vsel @!p3 vm2, v27, v36;
	v19 =	vsel @!p3 vm4, v25, v23  }
0x169: {  	vm6 =	vgt.f32 @!p2 v30, v11;
	v23 =	vsel @!p3 vm4, v23, v25;
	vm5 =	vgt.f32 @!p3 v19, v34  }
0x16a: {  	v22 =	vsel @!p2 vm6, v30, v11;
	v30 =	vsel @!p2 vm6, v37, v10;
	v38 =	vsel @!p3 vm5, v34, v19  }
0x16b: {  	v11 =	vpsel p2, v11, v22;
	v22 =	vpsel p3, v25, v23;
	vm7 =	vgt.f32 @!p3 v38, v14;
	p3 =	por p3, p3  }
0x16c: {  	v13 =	vpsel p2, v13, v39;
	v10 =	vpsel p2, v10, v30;
	v23 =	vsel @!p3 vm0, v31, v32  }
0x16d: {  	v25 =	vsel @!p3 vm4, v26, v29;
	v19 =	vsel @!p3 vm5, v19, v34;
	v26 =	vsel @!p3 vm4, v29, v26  }
0x16e: {  	v30 =	vsel @!p3 vm2, v36, v27;
	v24 =	vpsel p3, v24, v17;
	v20 =	vpsel p3, v34, v19  }
0x16f: {  	v23 =	vpsel p3, v32, v23;
	v19 =	vsel @!p3 vm1, v33, v21;
	v17 =	vpsel p3, v29, v25  }
0x170: {  	v25 =	vsel @!p3 vm5, v26, v16;
	v21 =	vpsel p3, v21, v19;
	v19 =	vpsel p3, v27, v30  }
0x171: {  	v27 =	vsel @!p3 vm5, v16, v26;
	v26 =	vpsel p3, v28, v35;
	v28 =	vsel @!p3 vm7, v14, v38  }
0x172: {  	v16 =	vpsel p3, v16, v25;
	v25 =	vsel @!p3 vm7, v38, v14;
	v29 =	vsel @!p3 vm7, v27, v15  }
.Ltmp20:
0x173: {  	vm0 =	vgt.f32 @!p3 v28, v13;
	v27 =	vsel @!p3 vm7, v15, v27;
	v14 =	vpsel p3, v14, v25;
	(pc) =	sbr.rel .LBB2_19-.Ltmp20, $4  }
0x174: {  	v30 =	vsel @!p3 vm0, v13, v28;
	v15 =	vpsel p3, v15, v29;
	v25 =	vsel @!p3 vm0, v12, v27  }
0x175: {  	v27 =	vsel @!p3 vm0, v27, v12;
	v28 =	vsel @!p3 vm0, v28, v13;
	vm1 =	vgt.f32 @!p3 v30, v11  }
0x176: {  	v12 =	vpsel p3, v12, v27;
	v29 =	vsel @!p3 vm1, v30, v11;
	v25 =	vsel @!p3 vm1, v25, v10  }
0x177: {  	v13 =	vpsel p3, v13, v28;
	v11 =	vpsel p3, v11, v29;
	v10 =	vpsel p3, v10, v25  }
.LBB2_22:
0x178: {  	[tilespmem:$0x6180] =	vst v24  }
0x179: {  	[tilespmem:$0x6280] =	vst v23  }
0x17a: {  	[tilespmem:$0x6190] =	vst v26  }
0x17b: {  	[tilespmem:$0x6290] =	vst v21  }
0x17c: {  	[tilespmem:$0x61A0] =	vst v18  }
0x17d: {  	[tilespmem:$0x62A0] =	vst v19  }
0x17e: {  	[tilespmem:$0x61B0] =	vst v22  }
0x17f: {  	[tilespmem:$0x62B0] =	vst v17  }
0x180: {  	[tilespmem:$0x61C0] =	vst v20  }
0x181: {  	[tilespmem:$0x62C0] =	vst v16  }
0x182: {  	[tilespmem:$0x61D0] =	vst v14  }
0x183: {  	[tilespmem:$0x62D0] =	vst v15  }
0x184: {  	[tilespmem:$0x61E0] =	vst v13  }
0x185: {  	[tilespmem:$0x62E0] =	vst v12  }
0x186: {  	[tilespmem:$0x61F0] =	vst v11  }
0x187: {  	[tilespmem:$0x62F0] =	vst v10;
	s0 =	rddreg [dreg:$0xc];
	s1 =	simm.s32 $0x6180  }
0x188: {  	[spmem:s0] =	stream.linear.scatter [tilespmem:s1], [sflag:$0x2], $0x80, $0x38;
	[tilespmem:$0x7310] =	vst v63  }
0x189: {  	_ =	swait.ge [sflag:s22], $0x80  }
0x18a: {  	[sflag:s22] =	ssyncset.done $0x0  }
0x18b: {  	s31 =	simm.s32 $0x6280;
	s30 =	rddreg [dreg:$0xd];
	[sflag:s22] =	ssyncadd.s32 $0xFFFFFF80  }
0x18c: {  	[spmem:s30] =	stream.linear.scatter [tilespmem:s31], [sflag:$0x2], $0x80, $0x38;
	[tilespmem:$0x7310] =	vst v63  }
.Ltmp21:
0x18d: {  	_ =	swait.ge [sflag:s22], $0x80;
	(pc) =	sbr.rel @!p0 .LBB2_23-.Ltmp21, $3  }
0x18e: {  	[sflag:s22] =	ssyncset.done $0x0  }
0x18f: {  	[sflag:s22] =	ssyncadd.s32 $0xFFFFFF80  }
0x190: {  	[bflag:$0x0] =	sbarrier.arrive $0xFFFF;
	_ =	sdelay $0x1  }
0x191: {  	s0 =	rddreg [dreg:$0xe];
	s1 =	simm.s32 $0x6200  }
0x192: {  	[tilespmem:s1], [sflag:$0x2] =	stream.linear.gather [spmem:s0], $0x80, $0x38;
	[tilespmem:$0x7310] =	vst v63  }
0x193: {  	_ =	swait.ge [sflag:s22], $0x80  }
0x194: {  	[sflag:s22] =	ssyncset.done $0x0  }
0x195: {  	s29 =	simm.s32 $0x6300;
	s28 =	rddreg [dreg:$0x10];
	[sflag:s22] =	ssyncadd.s32 $0xFFFFFF80  }
0x196: {  	[tilespmem:s29], [sflag:$0x2] =	stream.linear.gather [spmem:s28], $0x80, $0x38;
	[tilespmem:$0x7310] =	vst v63  }
0x197: {  	_ =	swait.ge [sflag:s22], $0x80  }
0x198: {  	[sflag:s22] =	ssyncset.done $0x0  }
0x199: {  	[sflag:s22] =	ssyncadd.s32 $0xFFFFFF80  }
0x19a: {  	v35 =	vld [tilespmem:$0x6180]  }
0x19b: {  	v38 =	vld [tilespmem:$0x6190]  }
0x19c: {  	v39 =	vld [tilespmem:$0x61A0]  }
0x19d: {  	v34 =	vld [tilespmem:$0x61B0]  }
0x19e: {  	v36 =	vld [tilespmem:$0x61C0]  }
0x19f: {  	v33 =	vld [tilespmem:$0x61D0]  }
0x1a0: {  	v31 =	vld [tilespmem:$0x61E0];
	v7 =	vmax.f32 v35, v38  }
0x1a1: {  	v32 =	vld [tilespmem:$0x61F0];
	v7 =	vmax.f32 v7, v39  }
0x1a2: {  	v30 =	vld [tilespmem:$0x6200];
	v7 =	vmax.f32 v7, v34  }
0x1a3: {  	v29 =	vld [tilespmem:$0x6210];
	v7 =	vmax.f32 v7, v36  }
0x1a4: {  	v28 =	vld [tilespmem:$0x6220];
	v7 =	vmax.f32 v7, v33  }
0x1a5: {  	v26 =	vld [tilespmem:$0x6230];
	v7 =	vmax.f32 v7, v31  }
0x1a6: {  	v21 =	vld [tilespmem:$0x6240];
	v7 =	vmax.f32 v7, v32  }
0x1a7: {  	v19 =	vld [tilespmem:$0x6250];
	v7 =	vmax.f32 v7, v30  }
0x1a8: {  	v13 =	vld [tilespmem:$0x6260];
	v7 =	vmax.f32 v7, v29  }
0x1a9: {  	v11 =	vld [tilespmem:$0x6270];
	v7 =	vmax.f32 v7, v28  }
0x1aa: {  	v7 =	vmax.f32 v7, v26  }
0x1ab: {  	v7 =	vmax.f32 v7, v21  }
0x1ac: {  	v7 =	vmax.f32 v7, v19  }
0x1ad: {  	v7 =	vmax.f32 v7, v13  }
0x1ae: {  	v7 =	vmax.f32 v7, v11  }
0x1af: {  	(xrf0) =	vmax.scan.msk.f32 $0xffff, v7;
	_ =	sdelay $0x4  }
0x1b0: {  	v14 =	vld [tilespmem:$0x6290]  }
0x1b1: {  	v9 =	vld [tilespmem:$0x6280];
	v7, _, _ =	vpop (xrf0)  }
0x1b2: {  	v41 =	vbroadcast v7, $0xF;
	_ =	sdelay $0x1  }
0x1b3: {  	v8 =	vimm.s32 $0x0;
	v12 =	vimm.s32 $0x0;
	v7 =	vld [tilespmem:$0x62A0];
	vm0 =	veq.f32 v38, v41  }
0x1b4: {  	v8 =	vsel vm0, $0xFFFFFFFF, v8;
	v10 =	vnsel vm0, $0x7FFFFFFF, v14;
	vm0 =	veq.f32 v35, v41  }
0x1b5: {  	[tilespmem:$0x1FFD0] =	vst v8;
	vm2 =	vlt.s32 v9, v10;
	v12 =	vsel vm0, $0xFFFFFFFF, v12  }
0x1b6: {  	v8 =	vld [tilespmem:$0x62B0];
	[tilespmem:$0x1FFC0] =	vst v12;
	v12 =	vsel vm2, v9, v10  }
0x1b7: {  	v12 =	vsel vm0, v12, v10  }
0x1b8: {  	vm2 =	vlt.s32 v12, v7  }
0x1b9: {  	vm5 =	veq.f32 v39, v41;
	v10 =	vld [tilespmem:$0x62C0];
	v15 =	vsel vm2, v12, v7  }
0x1ba: {  	v16 =	vimm.s32 $0x0;
	vm0 =	veq.f32 v34, v41;
	v15 =	vsel vm5, v15, v12  }
0x1bb: {  	v16 =	vsel vm0, $0xFFFFFFFF, v16;
	vm3 =	vlt.s32 v15, v8  }
0x1bc: {  	[tilespmem:$0x1FFE0] =	vst v16;
	v12 =	vld [tilespmem:$0x62D0];
	v16 =	vsel vm3, v15, v8  }
0x1bd: {  	v16 =	vsel vm0, v16, v15  }
0x1be: {  	vm3 =	vlt.s32 v16, v10  }
0x1bf: {  	vm8 =	veq.f32 v36, v41;
	v15 =	vld [tilespmem:$0x62E0];
	v17 =	vsel vm3, v16, v10  }
0x1c0: {  	v17 =	vsel vm8, v17, v16  }
0x1c1: {  	vm3 =	vlt.s32 v17, v12  }
0x1c2: {  	vm9 =	veq.f32 v33, v41;
	v16 =	vld [tilespmem:$0x62F0];
	v18 =	vsel vm3, v17, v12  }
0x1c3: {  	v18 =	vsel vm9, v18, v17  }
0x1c4: {  	vm3 =	vlt.s32 v18, v15  }
0x1c5: {  	vm6 =	veq.f32 v31, v41;
	v17 =	vld [tilespmem:$0x6300];
	v20 =	vsel vm3, v18, v15  }
0x1c6: {  	v20 =	vsel vm6, v20, v18  }
0x1c7: {  	vm3 =	vlt.s32 v20, v16  }
0x1c8: {  	vm7 =	veq.f32 v32, v41;
	v18 =	vld [tilespmem:$0x6310];
	v22 =	vsel vm3, v20, v16  }
0x1c9: {  	v22 =	vsel vm7, v22, v20  }
0x1ca: {  	vm3 =	vlt.s32 v22, v17  }
0x1cb: {  	vm10 =	veq.f32 v30, v41;
	v20 =	vld [tilespmem:$0x6320];
	v23 =	vsel vm3, v22, v17  }
0x1cc: {  	v23 =	vsel vm10, v23, v22  }
0x1cd: {  	vm3 =	vlt.s32 v23, v18  }
0x1ce: {  	vm11 =	veq.f32 v29, v41;
	v22 =	vld [tilespmem:$0x6330];
	v24 =	vsel vm3, v23, v18  }
0x1cf: {  	v24 =	vsel vm11, v24, v23  }
0x1d0: {  	vm3 =	vlt.s32 v24, v20  }
0x1d1: {  	vm12 =	veq.f32 v28, v41;
	v23 =	vld [tilespmem:$0x6340];
	v25 =	vsel vm3, v24, v20  }
0x1d2: {  	v25 =	vsel vm12, v25, v24  }
0x1d3: {  	vm3 =	vlt.s32 v25, v22  }
0x1d4: {  	vm13 =	veq.f32 v26, v41;
	v24 =	vld [tilespmem:$0x6350];
	v27 =	vsel vm3, v25, v22  }
0x1d5: {  	v27 =	vsel vm13, v27, v25  }
0x1d6: {  	vm3 =	vlt.s32 v27, v23  }
0x1d7: {  	vm14 =	veq.f32 v21, v41;
	v25 =	vld [tilespmem:$0x6360];
	v37 =	vsel vm3, v27, v23  }
0x1d8: {  	v37 =	vsel vm14, v37, v27  }
0x1d9: {  	vm4 =	vlt.s32 v37, v24  }
0x1da: {  	vm3 =	veq.f32 v19, v41;
	v27 =	vld [tilespmem:$0x6370];
	v40 =	vsel vm4, v37, v24  }
0x1db: {  	v37 =	vsel vm3, v40, v37  }
0x1dc: {  	vm4 =	vlt.s32 v37, v25  }
0x1dd: {  	vm15 =	veq.f32 v13, v41;
	v40 =	vsel vm4, v37, v25  }
0x1de: {  	v37 =	vsel vm15, v40, v37  }
0x1df: {  	vm4 =	vlt.s32 v37, v27  }
0x1e0: {  	v40 =	vsel vm4, v37, v27;
	vm4 =	veq.f32 v11, v41  }
0x1e1: {  	v37 =	vsel vm4, v40, v37  }
0x1e2: {  	v37 =	vxor.u32 $0x80000000, v37  }
0x1e3: {  	(xrf0) =	vmin.scan.msk.u32 $0xffff, v37;
	_ =	sdelay $0x5  }
0x1e4: {  	v37, _, _ =	vpop (xrf0)  }
0x1e5: {  	(v2sf) =	vpush v37, $0xF;
	_ =	sdelay $0xb  }
0x1e6: {  	v61 =	vld [tilespmem:$0x1FFC0]  }
0x1e7: {  	v62 =	vld [tilespmem:$0x1FFD0];
	_ =	sdelay $0x1  }
0x1e8: {  	s30 =	spop (v2sf)  }
0x1e9: {  	s1 =	sxor.u32 $0x80000000, s30  }
0x1ea: {  	v63 =	vld [tilespmem:$0x1FFE0];
	vm2 =	vnez.u8 v61;
	vm0 =	veq.s32 v9, s1  }
0x1eb: {  	s31 =	simm.s32 $0x0;
	vm1 =	veq.s32 v14, s1;
	vm0 =	vmand vm2, vm0;
	vm2 =	vnez.u8 v62  }
0x1ec: {  	v42 =	vimm.f32 $-Inf;
	v43 =	vmov s31;
	vm1 =	vmand vm2, vm1  }
0x1ed: {  	vm2 =	veq.s32 v7, s1;
	v37 =	vsel vm0, $0xFF800000, v35;
	vm0 =	veq.s32 v8, s1  }
0x1ee: {  	vm2 =	vmand vm5, vm2;
	v40 =	vsel vm1, $0xFF800000, v38;
	vm1 =	veq.s32 v10, s1  }
0x1ef: {  	vm5 =	veq.s32 v43, v2;
	v35 =	vsel vm2, $0xFF800000, v39;
	vm2 =	vnez.u8 v63  }
0x1f0: {  	vm1 =	vmand vm8, vm1;
	vm0 =	vmand vm2, vm0;
	vm2 =	veq.s32 v12, s1  }
0x1f1: {  	v39 =	vsel vm1, $0xFF800000, v36;
	vm2 =	vmand vm9, vm2;
	v38 =	vsel vm0, $0xFF800000, v34  }
0x1f2: {  	v34 =	vimm.s32 $0x0;
	vm0 =	veq.s32 v15, s1;
	v36 =	vsel vm2, $0xFF800000, v33  }
0x1f3: {  	v33 =	vsel vm5, v41, v42;
	vm1 =	vmand vm6, vm0;
	vm0 =	veq.s32 v16, s1  }
0x1f4: {  	s4 =	simm.s32 $0x1;
	s0 =	simm.s32 $0x2;
	v41 =	vmax.f32 v37, v40;
	vm2 =	vmand vm7, vm0;
	vm0 =	veq.s32 v17, s1  }
.LBB2_25:
0x1f5: {  	v41 =	vmax.f32 v41, v35;
	v31 =	vsel vm1, $0xFF800000, v31;
	v32 =	vsel vm2, $0xFF800000, v32  }
0x1f6: {  	vm0 =	vmand vm10, vm0;
	vm1 =	veq.s32 v18, s1;
	v41 =	vmax.f32 v41, v38  }
0x1f7: {  	v30 =	vsel vm0, $0xFF800000, v30;
	vm0 =	vmand vm11, vm1;
	v41 =	vmax.f32 v41, v39  }
0x1f8: {  	v29 =	vsel vm0, $0xFF800000, v29;
	vm0 =	veq.s32 v20, s1;
	v41 =	vmax.f32 v41, v36  }
0x1f9: {  	vm1 =	veq.s32 v22, s1;
	vm0 =	vmand vm12, vm0;
	v41 =	vmax.f32 v41, v31  }
0x1fa: {  	v28 =	vsel vm0, $0xFF800000, v28;
	vm0 =	vmand vm13, vm1;
	v41 =	vmax.f32 v41, v32  }
0x1fb: {  	v26 =	vsel vm0, $0xFF800000, v26;
	vm0 =	veq.s32 v23, s1;
	v41 =	vmax.f32 v41, v30  }
0x1fc: {  	vm1 =	veq.s32 v24, s1;
	vm0 =	vmand vm14, vm0;
	v41 =	vmax.f32 v41, v29  }
0x1fd: {  	v21 =	vsel vm0, $0xFF800000, v21;
	vm0 =	vmand vm3, vm1;
	v41 =	vmax.f32 v41, v28  }
0x1fe: {  	v19 =	vsel vm0, $0xFF800000, v19;
	vm0 =	veq.s32 v25, s1;
	v41 =	vmax.f32 v41, v26  }
0x1ff: {  	vm1 =	veq.s32 v27, s1;
	vm0 =	vmand vm15, vm0;
	v41 =	vmax.f32 v41, v21  }
0x200: {  	v13 =	vsel vm0, $0xFF800000, v13;
	vm0 =	vmand vm4, vm1;
	v41 =	vmax.f32 v41, v19  }
0x201: {  	v11 =	vsel vm0, $0xFF800000, v11;
	v41 =	vmax.f32 v41, v13  }
0x202: {  	v41 =	vmax.f32 v41, v11  }
0x203: {  	(xrf0) =	vmax.scan.msk.f32 $0xffff, v41;
	_ =	sdelay $0x5  }
0x204: {  	v41, _, _ =	vpop (xrf0)  }
0x205: {  	v41 =	vbroadcast v41, $0xF;
	_ =	sdelay $0x1  }
0x206: {  	v42 =	vmov s4;
	v52 =	vimm.s32 $0x0;
	vm1 =	veq.f32 v40, v41  }
0x207: {  	v53 =	vimm.s32 $0x0;
	vm0 =	veq.s32 v42, v2;
	v54 =	vnsel vm1, $0x7FFFFFFF, v14  }
0x208: {  	v42 =	vsel vm0, $0xFFFFFFFF, v52;
	v33 =	vsel vm0, v41, v33;
	vm0 =	vlt.s32 v9, v54  }
0x209: {  	[tilespmem:$0x1FFB0] =	vst v42;
	vm8 =	veq.f32 v37, v41;
	v42 =	vsel vm1, $0xFFFFFFFF, v53;
	v43 =	vsel vm0, v9, v54  }
0x20a: {  	[tilespmem:$0x1FF80] =	vst v42;
	v42 =	vsel vm8, v43, v54  }
0x20b: {  	vm0 =	vlt.s32 v42, v7  }
0x20c: {  	vm1 =	veq.f32 v35, v41;
	v56 =	vsel vm0, v42, v7  }
0x20d: {  	v42 =	vsel vm1, v56, v42  }
0x20e: {  	v55 =	vimm.s32 $0x0;
	vm0 =	vlt.s32 v42, v8  }
0x20f: {  	v43 =	vsel vm1, $0xFFFFFFFF, v55;
	vm1 =	veq.f32 v38, v41;
	v58 =	vsel vm0, v42, v8  }
0x210: {  	v57 =	vimm.s32 $0x0;
	v42 =	vsel vm1, v58, v42  }
0x211: {  	[tilespmem:$0x1FF90] =	vst v43;
	v43 =	vsel vm1, $0xFFFFFFFF, v57;
	vm1 =	vlt.s32 v42, v10  }
0x212: {  	vm7 =	veq.f32 v39, v41;
	[tilespmem:$0x1FFA0] =	vst v43;
	v43 =	vsel vm1, v42, v10  }
0x213: {  	v42 =	vsel vm7, v43, v42  }
0x214: {  	vm1 =	vlt.s32 v42, v12  }
0x215: {  	v34 =	vsel vm5, s1, v34;
	vm5 =	veq.f32 v36, v41;
	v43 =	vsel vm1, v42, v12  }
0x216: {  	v42 =	vsel vm5, v43, v42  }
0x217: {  	vm3 =	vlt.s32 v42, v15  }
0x218: {  	vm6 =	veq.f32 v31, v41;
	v43 =	vsel vm3, v42, v15  }
0x219: {  	v42 =	vsel vm6, v43, v42  }
0x21a: {  	vm3 =	vlt.s32 v42, v16  }
0x21b: {  	vm9 =	veq.f32 v32, v41;
	v43 =	vsel vm3, v42, v16  }
0x21c: {  	v42 =	vsel vm9, v43, v42  }
0x21d: {  	vm3 =	vlt.s32 v42, v17  }
0x21e: {  	vm10 =	veq.f32 v30, v41;
	v43 =	vsel vm3, v42, v17  }
0x21f: {  	v42 =	vsel vm10, v43, v42  }
0x220: {  	vm3 =	vlt.s32 v42, v18  }
0x221: {  	vm11 =	veq.f32 v29, v41;
	v43 =	vsel vm3, v42, v18  }
0x222: {  	v42 =	vsel vm11, v43, v42  }
0x223: {  	vm3 =	vlt.s32 v42, v20  }
0x224: {  	vm12 =	veq.f32 v28, v41;
	v43 =	vsel vm3, v42, v20  }
0x225: {  	v42 =	vsel vm12, v43, v42  }
0x226: {  	vm3 =	vlt.s32 v42, v22  }
0x227: {  	vm13 =	veq.f32 v26, v41;
	v43 =	vsel vm3, v42, v22  }
0x228: {  	v42 =	vsel vm13, v43, v42  }
0x229: {  	vm3 =	vlt.s32 v42, v23  }
0x22a: {  	vm14 =	veq.f32 v21, v41;
	v43 =	vsel vm3, v42, v23  }
0x22b: {  	v42 =	vsel vm14, v43, v42  }
0x22c: {  	vm4 =	vlt.s32 v42, v24  }
0x22d: {  	vm3 =	veq.f32 v19, v41;
	v43 =	vsel vm4, v42, v24  }
0x22e: {  	v42 =	vsel vm3, v43, v42  }
0x22f: {  	vm4 =	vlt.s32 v42, v25  }
0x230: {  	vm15 =	veq.f32 v13, v41;
	v43 =	vsel vm4, v42, v25  }
0x231: {  	v42 =	vsel vm15, v43, v42  }
0x232: {  	vm0 =	vlt.s32 v42, v27  }
0x233: {  	vm4 =	veq.f32 v11, v41;
	v59 =	vsel vm0, v42, v27  }
0x234: {  	v41 =	vsel vm4, v59, v42  }
0x235: {  	v41 =	vxor.u32 $0x80000000, v41  }
0x236: {  	(xrf0) =	vmin.scan.msk.u32 $0xffff, v41;
	_ =	sdelay $0x5  }
0x237: {  	v41, _, _ =	vpop (xrf0)  }
0x238: {  	(v2sf) =	vpush v41, $0xF;
	_ =	sdelay $0xc  }
0x239: {  	v60 =	vld [tilespmem:$0x1FF80]  }
0x23a: {  	v61 =	vld [tilespmem:$0x1FF90]  }
0x23b: {  	s31 =	spop (v2sf)  }
0x23c: {  	v62 =	vld [tilespmem:$0x1FFA0];
	s1 =	sxor.u32 $0x80000000, s31  }
0x23d: {  	vm0 =	veq.s32 v9, s1  }
0x23e: {  	vm1 =	veq.s32 v14, s1;
	vm0 =	vmand vm8, vm0;
	vm8 =	vnez.u8 v60  }
0x23f: {  	v63 =	vld [tilespmem:$0x1FFB0];
	vm2 =	veq.s32 v7, s1;
	vm1 =	vmand vm8, vm1;
	vm8 =	vnez.u8 v61  }
0x240: {  	v37 =	vsel vm0, $0xFF800000, v37;
	vm0 =	veq.s32 v8, s1;
	vm2 =	vmand vm8, vm2  }
0x241: {  	p2 =	sne.s32 s0, $0x7;
	v40 =	vsel vm1, $0xFF800000, v40;
	vm1 =	veq.s32 v10, s1;
	vm8 =	vnez.u8 v62  }
.Ltmp22:
0x242: {  	v35 =	vsel vm2, $0xFF800000, v35;
	vm2 =	veq.s32 v12, s1;
	vm0 =	vmand vm8, vm0;
	(pc) =	sbr.rel @p2 .LBB2_25-.Ltmp22, $4  }
0x243: {  	vm1 =	vmand vm7, vm1;
	v41 =	vmax.f32 v37, v40;
	vm2 =	vmand vm5, vm2  }
0x244: {  	vm5 =	vnez.u8 v63;
	v38 =	vsel vm0, $0xFF800000, v38;
	v39 =	vsel vm1, $0xFF800000, v39  }
0x245: {  	vm1 =	veq.s32 v15, s1;
	v36 =	vsel vm2, $0xFF800000, v36;
	vm2 =	veq.s32 v16, s1  }
0x246: {  	s4 =	smov.u32 s0;
	s0 =	sadd.s32 $0x1, s0;
	vm0 =	veq.s32 v17, s1;
	vm1 =	vmand vm6, vm1;
	vm2 =	vmand vm9, vm2  }
0x247: {  	v41 =	vmax.f32 v41, v35;
	v31 =	vsel vm1, $0xFF800000, v31;
	v32 =	vsel vm2, $0xFF800000, v32  }
0x248: {  	vm0 =	vmand vm10, vm0;
	vm1 =	veq.s32 v18, s1;
	v41 =	vmax.f32 v41, v38  }
0x249: {  	v30 =	vsel vm0, $0xFF800000, v30;
	vm0 =	vmand vm11, vm1;
	v41 =	vmax.f32 v41, v39  }
0x24a: {  	v29 =	vsel vm0, $0xFF800000, v29;
	vm0 =	veq.s32 v20, s1;
	v41 =	vmax.f32 v41, v36  }
0x24b: {  	vm1 =	veq.s32 v22, s1;
	vm0 =	vmand vm12, vm0;
	v41 =	vmax.f32 v41, v31  }
0x24c: {  	v28 =	vsel vm0, $0xFF800000, v28;
	vm0 =	vmand vm13, vm1;
	v41 =	vmax.f32 v41, v32  }
0x24d: {  	v26 =	vsel vm0, $0xFF800000, v26;
	vm0 =	veq.s32 v23, s1;
	v41 =	vmax.f32 v41, v30  }
0x24e: {  	vm1 =	veq.s32 v24, s1;
	vm0 =	vmand vm14, vm0;
	v41 =	vmax.f32 v41, v29  }
0x24f: {  	v21 =	vsel vm0, $0xFF800000, v21;
	vm0 =	vmand vm3, vm1;
	v41 =	vmax.f32 v41, v28  }
0x250: {  	v19 =	vsel vm0, $0xFF800000, v19;
	vm0 =	veq.s32 v25, s1;
	v41 =	vmax.f32 v41, v26  }
0x251: {  	vm1 =	veq.s32 v27, s1;
	vm0 =	vmand vm15, vm0;
	v41 =	vmax.f32 v41, v21  }
0x252: {  	vm4 =	vmand vm4, vm1;
	v13 =	vsel vm0, $0xFF800000, v13;
	v41 =	vmax.f32 v41, v19  }
0x253: {  	v11 =	vsel vm4, $0xFF800000, v11;
	v41 =	vmax.f32 v41, v13  }
0x254: {  	v41 =	vmax.f32 v41, v11  }
0x255: {  	(xrf0) =	vmax.scan.msk.f32 $0xffff, v41;
	_ =	sdelay $0x5  }
0x256: {  	v41, _, _ =	vpop (xrf0)  }
0x257: {  	v41 =	vbroadcast v41, $0xF;
	_ =	sdelay $0x1  }
0x258: {  	vm4 =	veq.f32 v40, v41  }
0x259: {  	v14 =	vnsel vm4, $0x7FFFFFFF, v14  }
0x25a: {  	vm0 =	vlt.s32 v9, v14  }
0x25b: {  	vm4 =	veq.f32 v37, v41;
	v9 =	vsel vm0, v9, v14  }
0x25c: {  	v9 =	vsel vm4, v9, v14  }
0x25d: {  	vm0 =	vlt.s32 v9, v7  }
0x25e: {  	vm4 =	veq.f32 v35, v41;
	v7 =	vsel vm0, v9, v7  }
0x25f: {  	v7 =	vsel vm4, v7, v9  }
0x260: {  	vm0 =	vlt.s32 v7, v8  }
0x261: {  	vm4 =	veq.f32 v38, v41;
	v8 =	vsel vm0, v7, v8  }
0x262: {  	v7 =	vsel vm4, v8, v7  }
0x263: {  	vm0 =	vlt.s32 v7, v10  }
0x264: {  	vm4 =	veq.f32 v39, v41;
	v8 =	vsel vm0, v7, v10  }
0x265: {  	v7 =	vsel vm4, v8, v7  }
0x266: {  	vm0 =	vlt.s32 v7, v12  }
0x267: {  	vm4 =	veq.f32 v36, v41;
	v8 =	vsel vm0, v7, v12  }
0x268: {  	v7 =	vsel vm4, v8, v7  }
0x269: {  	vm0 =	vlt.s32 v7, v15  }
0x26a: {  	vm4 =	veq.f32 v31, v41;
	v8 =	vsel vm0, v7, v15  }
0x26b: {  	v7 =	vsel vm4, v8, v7  }
0x26c: {  	vm0 =	vlt.s32 v7, v16  }
0x26d: {  	vm4 =	veq.f32 v32, v41;
	v8 =	vsel vm0, v7, v16  }
0x26e: {  	v7 =	vsel vm4, v8, v7  }
0x26f: {  	vm0 =	vlt.s32 v7, v17  }
0x270: {  	vm4 =	veq.f32 v30, v41;
	v8 =	vsel vm0, v7, v17  }
0x271: {  	v7 =	vsel vm4, v8, v7  }
0x272: {  	vm0 =	vlt.s32 v7, v18  }
0x273: {  	vm4 =	veq.f32 v29, v41;
	v8 =	vsel vm0, v7, v18  }
0x274: {  	v7 =	vsel vm4, v8, v7  }
0x275: {  	vm0 =	vlt.s32 v7, v20  }
0x276: {  	vm4 =	veq.f32 v28, v41;
	v8 =	vsel vm0, v7, v20  }
0x277: {  	v7 =	vsel vm4, v8, v7  }
0x278: {  	vm0 =	vlt.s32 v7, v22  }
0x279: {  	vm4 =	veq.f32 v26, v41;
	v8 =	vsel vm0, v7, v22  }
0x27a: {  	v7 =	vsel vm4, v8, v7  }
0x27b: {  	vm0 =	vlt.s32 v7, v23  }
0x27c: {  	vm4 =	veq.f32 v21, v41;
	v8 =	vsel vm0, v7, v23  }
0x27d: {  	v7 =	vsel vm4, v8, v7  }
0x27e: {  	vm0 =	vlt.s32 v7, v24  }
0x27f: {  	vm4 =	veq.f32 v19, v41;
	v8 =	vsel vm0, v7, v24  }
0x280: {  	v7 =	vsel vm4, v8, v7  }
0x281: {  	vm0 =	vlt.s32 v7, v25  }
0x282: {  	vm4 =	veq.f32 v13, v41;
	v8 =	vsel vm0, v7, v25  }
0x283: {  	v7 =	vsel vm4, v8, v7  }
0x284: {  	vm0 =	vlt.s32 v7, v27  }
0x285: {  	vm4 =	veq.f32 v11, v41;
	v8 =	vsel vm0, v7, v27  }
0x286: {  	v7 =	vsel vm4, v8, v7  }
0x287: {  	v7 =	vxor.u32 $0x80000000, v7  }
0x288: {  	(xrf0) =	vmin.scan.msk.u32 $0xffff, v7;
	_ =	sdelay $0x5  }
0x289: {  	v7, _, _ =	vpop (xrf0)  }
0x28a: {  	(v2sf) =	vpush v7, $0xF;
	_ =	sdelay $0xe  }
0x28b: {  	v7 =	vmov s4;
	s0 =	spop (v2sf)  }
0x28c: {  	v8 =	vsel vm5, s1, v34;
	vm0 =	veq.s32 v7, v2;
	s0 =	sxor.u32 $0x80000000, s0  }
0x28d: {  	v7 =	vsel vm0, s0, v8  }
0x28e: {  	vm5 =	vgt.s32 v7, $0x1869F;
	vm4 =	vgt.s32 v7, $0x30D3F  }
0x28f: {  	v8 =	vsel vm5, $0x1, v6;
	v57 =	vsel vm4, $0x1, v6;
	vm5 =	vgt.s32 v7, $0x493DF  }
0x290: {  	vm4 =	vgt.s32 v7, $0x61A7F;
	v8 =	vadd.s32 v57, v8;
	v58 =	vsel vm5, $0x1, v6  }
0x291: {  	v59 =	vsel vm4, $0x1, v6;
	vm5 =	vgt.s32 v7, $0x7A11F;
	v8 =	vadd.s32 v58, v8  }
0x292: {  	vm4 =	vgt.s32 v7, $0x927BF;
	v60 =	vsel vm5, $0x1, v6;
	v8 =	vadd.s32 v59, v8  }
0x293: {  	v61 =	vsel vm4, $0x1, v6;
	vm5 =	vgt.s32 v7, $0xAAE5F;
	v8 =	vadd.s32 v60, v8  }
0x294: {  	v62 =	vsel vm5, $0x1, v6;
	v8 =	vadd.s32 v61, v8  }
0x295: {  	v8 =	vadd.s32 v62, v8  }
0x296: {  	v63 =	vsel vm0, v41, v33;
	v9 =	vmul.u32 $0xFFFE7960, v8  }
0x297: {  	[tilespmem:$0x6380] =	vst v63  }
0x298: {  	[tilespmem:$0x6480] =	vst v8;
	v7 =	vadd.s32 v7, v9  }
0x299: {  	s25 =	rddreg [dreg:$0x11];
	s26 =	simm.s32 $0x6380;
	[tilespmem:$0x6400] =	vst v7  }
0x29a: {  	[spmem:s25] =	stream.linear.scatter [tilespmem:s26], [sflag:$0x2], $0x8, $0x38;
	[tilespmem:$0x7310] =	vst v63  }
0x29b: {  	_ =	swait.ge [sflag:s22], $0x8  }
0x29c: {  	[sflag:s22] =	ssyncset.done $0x0  }
0x29d: {  	s29 =	simm.s32 $0x6400;
	s28 =	rddreg [dreg:$0xf];
	[sflag:s22] =	ssyncadd.s32 $0xFFFFFFF8  }
0x29e: {  	[spmem:s28] =	stream.linear.scatter [tilespmem:s29], [sflag:$0x2], $0x8, $0x38;
	[tilespmem:$0x7310] =	vst v63  }
0x29f: {  	_ =	swait.ge [sflag:s22], $0x8  }
0x2a0: {  	[sflag:s22] =	ssyncset.done $0x0  }
0x2a1: {  	s31 =	simm.s32 $0x6480;
	s30 =	rddreg [dreg:$0x12];
	[sflag:s22] =	ssyncadd.s32 $0xFFFFFFF8  }
0x2a2: {  	[spmem:s30] =	stream.linear.scatter [tilespmem:s31], [sflag:$0x2], $0x8, $0x38;
	[tilespmem:$0x7310] =	vst v63  }
.Ltmp23:
0x2a3: {  	_ =	swait.ge [sflag:s22], $0x8;
	(pc) =	sbr.rel @p1 .LBB2_28-.Ltmp23, $4  }
0x2a4: {  	[sflag:s22] =	ssyncset.done $0x0  }
0x2a5: {  	vm8 =	vcmask $0xB08;
	vm9 =	vcmask $0x1310;
	[sflag:s22] =	ssyncadd.s32 $0xFFFFFFF8  }
0x2a6: {  	vm10 =	vcmask $0x1B18;
	vm11 =	vcmask $0x300;
	vm12 =	vcmask $0x2320;
	[bflag:$0x0] =	sbarrier.arrive $0xFFFF  }
0x2a7: {  	vm13 =	vcmask $0x2B28;
	vm14 =	vcmask $0x3330;
	vm15 =	vcmask $0x3B38  }
0x2a8: {  	s0 =	rddreg [dreg:$0x7];
	s1 =	simm.s32 $0x6500  }
0x2a9: {  	[tilespmem:s1], [sflag:$0x2] =	stream.linear.gather [spmem:s0], $0x80, $0x38;
	[tilespmem:$0x7310] =	vst v63  }
0x2aa: {  	_ =	swait.ge [sflag:s22], $0x80  }
0x2ab: {  	[sflag:s22] =	ssyncset.done $0x0  }
0x2ac: {  	[sflag:s22] =	ssyncadd.s32 $0xFFFFFF80  }
0x2ad: {  	s2 =	simm.s32 $0x6580;
	s23 =	rddreg [dreg:$0x8]  }
0x2ae: {  	[tilespmem:s2], [sflag:$0x2] =	stream.linear.gather [spmem:s23], $0x80, $0x38;
	[tilespmem:$0x7310] =	vst v63  }
0x2af: {  	_ =	swait.ge [sflag:s22], $0x80  }
0x2b0: {  	[sflag:s22] =	ssyncset.done $0x0  }
0x2b1: {  	[sflag:s22] =	ssyncadd.s32 $0xFFFFFF80  }
0x2b2: {  	v7 =	vld.idx.msk [tilespmem:v2+s1+$0x0], $0xffff;
	_ =	sdelay $0x4  }
0x2b3: {  	[tilespmem:$0x6600] =	vst v7  }
0x2b4: {  	v7 =	vld.idx.msk [tilespmem:v2+s2+$0x0], $0xffff  }
0x2b5: {  	v8 =	vor.u32 $0x40, v2;
	_ =	sdelay $0x3  }
0x2b6: {  	[tilespmem:$0x6A00] =	vst v7  }
0x2b7: {  	v7 =	vld.idx.msk [tilespmem:v8+s2+$0x0], $0xffff  }
0x2b8: {  	v8 =	vadd.s32 $0x8, v2;
	_ =	sdelay $0x3  }
0x2b9: {  	[tilespmem:$0x6E00] =	vst v7  }
0x2ba: {  	v7 =	vld.idx.msk [tilespmem:v8+s1+$0x0], $0xffff;
	_ =	sdelay $0x4  }
0x2bb: {  	[tilespmem:$0x6680] =	vst v7  }
0x2bc: {  	v7 =	vld.idx.msk [tilespmem:v8+s2+$0x0], $0xffff  }
0x2bd: {  	v8 =	vadd.s32 $0x48, v2;
	_ =	sdelay $0x3  }
0x2be: {  	[tilespmem:$0x6A80] =	vst v7  }
0x2bf: {  	v7 =	vld.idx.msk [tilespmem:v8+s2+$0x0], $0xffff  }
0x2c0: {  	v8 =	vor.u32 $0x10, v2;
	_ =	sdelay $0x3  }
0x2c1: {  	[tilespmem:$0x6E80] =	vst v7  }
0x2c2: {  	v7 =	vld.idx.msk [tilespmem:v8+s1+$0x0], $0xffff;
	_ =	sdelay $0x4  }
0x2c3: {  	[tilespmem:$0x6700] =	vst v7  }
0x2c4: {  	v7 =	vld.idx.msk [tilespmem:v8+s2+$0x0], $0xffff  }
0x2c5: {  	v8 =	vor.u32 $0x50, v2;
	_ =	sdelay $0x3  }
0x2c6: {  	[tilespmem:$0x6B00] =	vst v7  }
0x2c7: {  	v7 =	vld.idx.msk [tilespmem:v8+s2+$0x0], $0xffff  }
0x2c8: {  	v8 =	vadd.s32 $0x18, v2;
	_ =	sdelay $0x3  }
0x2c9: {  	[tilespmem:$0x6F00] =	vst v7  }
0x2ca: {  	v7 =	vld.idx.msk [tilespmem:v8+s1+$0x0], $0xffff;
	_ =	sdelay $0x4  }
0x2cb: {  	[tilespmem:$0x6780] =	vst v7  }
0x2cc: {  	v7 =	vld.idx.msk [tilespmem:v8+s2+$0x0], $0xffff  }
0x2cd: {  	v8 =	vadd.s32 $0x58, v2;
	_ =	sdelay $0x3  }
0x2ce: {  	[tilespmem:$0x6B80] =	vst v7  }
0x2cf: {  	v7 =	vld.idx.msk [tilespmem:v8+s2+$0x0], $0xffff  }
0x2d0: {  	v8 =	vor.u32 $0x20, v2;
	_ =	sdelay $0x3  }
0x2d1: {  	[tilespmem:$0x6F80] =	vst v7  }
0x2d2: {  	v7 =	vld.idx.msk [tilespmem:v8+s1+$0x0], $0xffff;
	_ =	sdelay $0x4  }
0x2d3: {  	[tilespmem:$0x6800] =	vst v7  }
0x2d4: {  	v7 =	vld.idx.msk [tilespmem:v8+s2+$0x0], $0xffff  }
0x2d5: {  	v8 =	vor.u32 $0x60, v2;
	_ =	sdelay $0x3  }
0x2d6: {  	[tilespmem:$0x6C00] =	vst v7  }
0x2d7: {  	v7 =	vld.idx.msk [tilespmem:v8+s2+$0x0], $0xffff  }
0x2d8: {  	v8 =	vadd.s32 $0x28, v2;
	_ =	sdelay $0x3  }
0x2d9: {  	[tilespmem:$0x7000] =	vst v7  }
0x2da: {  	v7 =	vld.idx.msk [tilespmem:v8+s1+$0x0], $0xffff;
	_ =	sdelay $0x4  }
0x2db: {  	[tilespmem:$0x6880] =	vst v7  }
0x2dc: {  	v7 =	vld.idx.msk [tilespmem:v8+s2+$0x0], $0xffff  }
0x2dd: {  	v8 =	vadd.s32 $0x68, v2;
	_ =	sdelay $0x3  }
0x2de: {  	[tilespmem:$0x6C80] =	vst v7  }
0x2df: {  	v7 =	vld.idx.msk [tilespmem:v8+s2+$0x0], $0xffff  }
0x2e0: {  	v8 =	vor.u32 $0x30, v2;
	_ =	sdelay $0x3  }
0x2e1: {  	[tilespmem:$0x7080] =	vst v7  }
0x2e2: {  	v7 =	vld.idx.msk [tilespmem:v8+s1+$0x0], $0xffff;
	_ =	sdelay $0x4  }
0x2e3: {  	[tilespmem:$0x6900] =	vst v7  }
0x2e4: {  	v7 =	vld.idx.msk [tilespmem:v8+s2+$0x0], $0xffff  }
0x2e5: {  	v8 =	vor.u32 $0x70, v2;
	_ =	sdelay $0x3  }
0x2e6: {  	[tilespmem:$0x6D00] =	vst v7  }
0x2e7: {  	v7 =	vld.idx.msk [tilespmem:v8+s2+$0x0], $0xffff;
	_ =	sdelay $0x4  }
0x2e8: {  	[tilespmem:$0x7100] =	vst v7  }
0x2e9: {  	v7 =	vld.idx.msk [tilespmem:v4+s1+$0x0], $0xffff;
	_ =	sdelay $0x4  }
0x2ea: {  	[tilespmem:$0x6980] =	vst v7  }
0x2eb: {  	v7 =	vld.idx.msk [tilespmem:v4+s2+$0x0], $0xffff;
	_ =	sdelay $0x4  }
0x2ec: {  	[tilespmem:$0x6D80] =	vst v7  }
0x2ed: {  	v7 =	vld.idx.msk [tilespmem:v5+s2+$0x0], $0xffff;
	_ =	sdelay $0x4  }
0x2ee: {  	s26 =	simm.s32 $0x6600;
	s25 =	rddreg [dreg:$0x13];
	[tilespmem:$0x7180] =	vst v7  }
0x2ef: {  	[hbm4b:s25+s7] =	stream.linear.scatter [tilespmem:s26], [sflag:$0x2], $0x400, $0x38;
	[tilespmem:$0x7310] =	vst v63  }
0x2f0: {  	_ =	swait.ge [sflag:s22], $0x400  }
0x2f1: {  	[sflag:s22] =	ssyncset.done $0x0  }
0x2f2: {  	s29 =	simm.s32 $0x6A00;
	s28 =	rddreg [dreg:$0x14];
	[sflag:s22] =	ssyncadd.s32 $0xFFFFFC00  }
0x2f3: {  	[hbm4b:s28+s7] =	stream.linear.scatter [tilespmem:s29], [sflag:$0x2], $0x400, $0x38;
	[tilespmem:$0x7310] =	vst v63  }
0x2f4: {  	_ =	swait.ge [sflag:s22], $0x400  }
0x2f5: {  	s31 =	simm.s32 $0x6E00;
	[sflag:s22] =	ssyncset.done $0x0  }
.Ltmp24:
0x2f6: {  	s30 =	rddreg [dreg:$0x15];
	[sflag:s22] =	ssyncadd.s32 $0xFFFFFC00;
	(pc) =	sbr.rel .LBB2_28-.Ltmp24, $4  }
0x2f7: {  	[hbm4b:s30+s7] =	stream.linear.scatter [tilespmem:s31], [sflag:$0x2], $0x400, $0x38;
	[tilespmem:$0x7310] =	vst v63  }
0x2f8: {  	_ =	swait.ge [sflag:s22], $0x400  }
0x2f9: {  	[sflag:s22] =	ssyncset.done $0x0  }
0x2fa: {  	[sflag:s22] =	ssyncadd.s32 $0xFFFFFC00  }
.LBB2_29:
0x2fb: {  	_ =	sfence.sel $0x180000  }
0x2fc: {  	[bflag:$0x0] =	sbarrier.arrive $0xFFFF  }
0x2fd: {  	_ =	strace $0x90000047  }
0x2fe: {  	[bflag:$0x2] =	sbarrier.arrive $0xFFFF  }
0x2ff: {  	s0 =	rddreg [dreg:$0x9]  }
0x300: {  	s0 =	sadd.s32 @!p1 $0x100000, s0  }
0x301: {  	[sflag:s0] =	ssyncadd.tile.s32 @!p1 $0x1;
	_ =	shalt  }
.Lfunc_end2:
_tile_overlayer_lowered:
.L_overlay_start_2:
0x302: {  	(tag) =	ssettag $0x2  }
0x303: {  	s0 =	rddreg [dreg:$0x0];
	s2 =	stileid.u32  }
0x304: {  	s1 =	rddreg [dreg:$0x1];
	p0 =	sne.s32 s2, $0x0  }
0x305: {  	s3 =	rddreg [dreg:$0x2];
	[bflag:$0x3] =	sbarrier.arrive $0xFFFF;
	s2 =	simm.s32 @!p0 $0x1C02  }
0x306: {  	[timem:s3], [sflag:s2] =	dma.local @!p0 [hbm:s0], s1  }
0x307: {  	s0 =	simm.s32 @!p0 $0x2  }
0x308: {  	_ =	swait.ge @!p0 [sflag:s0], s1  }
0x309: {  	s1 =	ssub.s32 @!p0 $0x0, s1;
	[sflag:s0] =	ssyncset.done @!p0 $0x0  }
0x30a: {  	[sflag:s0] =	ssyncadd.s32 @!p0 s1  }
0x30b: {  	[bflag:$0x3] =	sbarrier.arrive $0xFFFF  }
0x30c: {  	_ =	shalt  }

</sc_bundles>
